<compile_context>
chip_gen: v7x
topology: tpu7x:2x2x1
jax: 0.10.2.dev20260603
libtpu: 0.0.44.dev20260713+nightly
codegen_flags: <defaults>
</compile_context>

<pallas_src>
import functools

import jax
import jax.numpy as jnp
from jax import lax
from jax.experimental import pallas as pl
from jax.experimental.pallas import tpu as pltpu
from jax.experimental.pallas import tpu_sc as plsc

F32 = jnp.float32

_NC = 2
_NS = 16
_SUB = 125
_CHUNK = 1000



def _proj_body(x_ref, we1_ref, we2_ref, wn1_ref, ps_ref, pd_ref, xw_ref):
    xb = x_ref[...]
    ps_ref[...] = jnp.dot(xb, we1_ref[...], preferred_element_type=F32)
    pd_ref[...] = jnp.dot(xb, we2_ref[...], preferred_element_type=F32)
    xw_ref[...] = jnp.dot(xb, wn1_ref[...], preferred_element_type=F32)


def _edge_lin_body(et_ref, m_ref, b_ref, t_ref):
    t_ref[...] = lax.dot_general(
        m_ref[...], et_ref[...],
        dimension_numbers=(((0,), (0,)), ((), ())),
        preferred_element_type=F32) + b_ref[...]


def _node_body(x_ref, xw_ref, acc_ref, cnt_ref, wn2_ref, wnb_ref, out_ref):
    agg_sum = acc_ref[0] + acc_ref[1]
    cnt = cnt_ref[0] + cnt_ref[1]
    agg = agg_sum / jnp.maximum(cnt, 1.0)
    out_ref[...] = (x_ref[...] + xw_ref[...] +
                    jnp.dot(agg, wn2_ref[...], preferred_element_type=F32) +
                    wnb_ref[...])



def _make_sc_kernel(E, N, DE):
    NW = _NC * _NS
    epw = E // NW
    n_chunks = epw // _CHUNK
    rows_per_chunk = _CHUNK // _SUB
    idx_rows_per_worker = epw // _SUB
    mesh = plsc.VectorSubcoreMesh(core_axis_name="c", subcore_axis_name="s",
                                  num_cores=_NC, num_subcores=_NS)

    @functools.partial(
        pl.kernel, mesh=mesh,
        compiler_params=pltpu.CompilerParams(use_tc_tiling_on_sc=False,
                                             needs_layout_passes=False),
        out_type=(jax.ShapeDtypeStruct((DE, E), F32),
                  jax.ShapeDtypeStruct((_NC, N, DE), F32),
                  jax.ShapeDtypeStruct((_NC, N, DE), F32)),
        scratch_types=[
            pltpu.VMEM((rows_per_chunk, _SUB), jnp.int32),
            pltpu.VMEM((rows_per_chunk, _SUB), jnp.int32),
            pltpu.VMEM((DE * _CHUNK,), F32),
            pltpu.VMEM((_CHUNK, DE), F32),
            pltpu.VMEM((_CHUNK, DE), F32),
            pltpu.VMEM((_CHUNK, DE), F32),
            pltpu.VMEM((DE * _CHUNK,), F32),
            pltpu.VMEM((_SUB, DE), F32),
            pltpu.VMEM_SHARED((N, DE), F32),
            pltpu.VMEM_SHARED((N, DE), F32),
            pltpu.SemaphoreType.DMA,
            pltpu.SemaphoreType.DMA,
        ])
    def sck(ei_hbm, t_hbm, ps_hbm, pd_hbm, zeros_hbm, ones_hbm,
            eout_hbm, acc_hbm, cnt_hbm,
            src_v, dst_v, tc_v, pse_v, pde_v, enew_v, eoc_v, ones_v,
            acc_sh, cnt_sh, sem1, sem2):
        cid = lax.axis_index("c")
        sid = lax.axis_index("s")
        wid = sid * _NC + cid

        @pl.when(sid == 0)
        def _():
            pltpu.sync_copy(zeros_hbm, acc_sh)
            pltpu.sync_copy(zeros_hbm, cnt_sh)

        pltpu.sync_copy(ones_hbm, ones_v)
        plsc.subcore_barrier()
        lane_base = lax.iota(jnp.int32, DE) * _CHUNK

        def chunk(k, carry):
            base = wid * epw + k * _CHUNK
            idx_row = wid * idx_rows_per_worker + k * rows_per_chunk
            pltpu.sync_copy(ei_hbm.at[0, pl.ds(idx_row, rows_per_chunk)], src_v)
            pltpu.sync_copy(ei_hbm.at[1, pl.ds(idx_row, rows_per_chunk)], dst_v)
            gathers = []
            for j in range(rows_per_chunk):
                sl = pl.ds(j * _SUB, _SUB)
                gathers.append(pltpu.async_copy(
                    ps_hbm.at[src_v.at[j]], pse_v.at[sl], sem1))
                gathers.append(pltpu.async_copy(
                    pd_hbm.at[dst_v.at[j]], pde_v.at[sl], sem2))
            for f in range(DE):
                gathers.append(pltpu.async_copy(
                    t_hbm.at[f, pl.ds(base, _CHUNK)],
                    tc_v.at[pl.ds(f * _CHUNK, _CHUNK)], sem1))
            for g in gathers:
                g.wait()

            @plsc.parallel_loop(0, _CHUNK, step=1, unroll=16)
            def _row(e):
                idx = lane_base + e
                tr = plsc.load_gather(tc_v, [idx])
                enew = tr + pse_v[e] + pde_v[e]
                enew_v[e] = enew
                plsc.store_scatter(eoc_v, [idx], enew)

            stores = []
            for f in range(DE):
                stores.append(pltpu.async_copy(
                    eoc_v.at[pl.ds(f * _CHUNK, _CHUNK)],
                    eout_hbm.at[f, pl.ds(base, _CHUNK)], sem1))
            for j in range(rows_per_chunk):
                sl = pl.ds(j * _SUB, _SUB)
                stores.append(pltpu.async_copy(
                    enew_v.at[sl], acc_sh.at[dst_v.at[j]], sem2, add=True))
                stores.append(pltpu.async_copy(
                    ones_v, cnt_sh.at[dst_v.at[j]], sem2, add=True))
            for s in stores:
                s.wait()
            return carry

        lax.fori_loop(0, n_chunks, chunk, 0)
        plsc.subcore_barrier()

        @pl.when(sid == 0)
        def _():
            pltpu.sync_copy(acc_sh, acc_hbm.at[cid])
            pltpu.sync_copy(cnt_sh, cnt_hbm.at[cid])

    return sck



def kernel(x, edge_index, edge_attr, We_w, We_b, Wn_w, Wn_b):
    N, D = x.shape
    E, DE = edge_attr.shape
    We1 = We_w[:D]
    We2 = We_w[D:2 * D]
    We3 = We_w[2 * D:]
    M = jnp.eye(DE, dtype=F32) + We3
    Wn2 = Wn_w[D:]

    BN = 2000
    ps, pd_, xw = pl.pallas_call(
        _proj_body,
        grid=(N // BN,),
        in_specs=[pl.BlockSpec((BN, D), lambda i: (i, 0)),
                  pl.BlockSpec((D, DE), lambda i: (0, 0)),
                  pl.BlockSpec((D, DE), lambda i: (0, 0)),
                  pl.BlockSpec((D, D), lambda i: (0, 0))],
        out_specs=[pl.BlockSpec((BN, DE), lambda i: (i, 0)),
                   pl.BlockSpec((BN, DE), lambda i: (i, 0)),
                   pl.BlockSpec((BN, D), lambda i: (i, 0))],
        out_shape=[jax.ShapeDtypeStruct((N, DE), F32),
                   jax.ShapeDtypeStruct((N, DE), F32),
                   jax.ShapeDtypeStruct((N, D), F32)],
    )(x, We1, We2, Wn_w[:D])

    BE = 12800
    ea_t = edge_attr.T
    t_t = pl.pallas_call(
        _edge_lin_body,
        grid=(E // BE,),
        in_specs=[pl.BlockSpec((DE, BE), lambda i: (0, i)),
                  pl.BlockSpec((DE, DE), lambda i: (0, 0)),
                  pl.BlockSpec((DE, 1), lambda i: (0, 0))],
        out_specs=pl.BlockSpec((DE, BE), lambda i: (0, i)),
        out_shape=jax.ShapeDtypeStruct((DE, E), F32),
    )(ea_t, M, We_b.reshape(DE, 1))

    ei3 = edge_index.reshape(2, E // _SUB, _SUB)
    zeros = jnp.zeros((N, DE), F32)
    ones = jnp.ones((_SUB, DE), F32)
    sck = _make_sc_kernel(E, N, DE)
    eout_t, acc, cnt = sck(ei3, t_t, ps, pd_, zeros, ones)

    out_x = pl.pallas_call(
        _node_body,
        grid=(N // BN,),
        in_specs=[pl.BlockSpec((BN, D), lambda i: (i, 0)),
                  pl.BlockSpec((BN, D), lambda i: (i, 0)),
                  pl.BlockSpec((_NC, BN, DE), lambda i: (0, i, 0)),
                  pl.BlockSpec((_NC, BN, DE), lambda i: (0, i, 0)),
                  pl.BlockSpec((DE, D), lambda i: (0, 0)),
                  pl.BlockSpec((1, D), lambda i: (0, 0))],
        out_specs=pl.BlockSpec((BN, D), lambda i: (i, 0)),
        out_shape=jax.ShapeDtypeStruct((N, D), F32),
    )(x, xw, acc, cnt, Wn2, Wn_b.reshape(1, D))

    return (out_x, eout_t.T)

# --- scband reference (transcript-rebuilt; emitter-appended) ---
"""Pipeline reference for scband-meta-layer-52974126629707 (READ-ONLY COPY).

The authoritative reference and input builder live on the scoring server;
editing this copy changes nothing except your own understanding.
"""

import jax, jax.numpy as jnp
import numpy as np

N = 10000
E = 320000
D = 128
DE = 16

def setup_inputs(seed: int = 0) -> dict:
    key = jax.random.key(seed)
    ks = jax.random.split(key, 7)
    x = jax.random.normal(ks[0], (N, D), dtype=jnp.float32)
    edge_index = jax.random.randint(ks[1], (2, E), 0, N, dtype=jnp.int32)
    edge_attr = jax.random.normal(ks[2], (E, DE), dtype=jnp.float32)
    # EdgeModel: Linear(2*D + DE -> DE) applied to cat([x_src, x_dst, edge_attr])
    We_w = jax.random.normal(ks[3], (2 * D + DE, DE), dtype=jnp.float32) / jnp.sqrt(2.0 * D + DE)
    We_b = jnp.zeros((DE,), dtype=jnp.float32)
    # NodeModel: Linear(D + DE -> D) applied to cat([x, scatter_mean(edge_attr', dst)])
    Wn_w = jax.random.normal(ks[4], (D + DE, D), dtype=jnp.float32) / jnp.sqrt(D + DE * 1.0)
    Wn_b = jnp.zeros((D,), dtype=jnp.float32)
    return {"x": x, "edge_index": edge_index, "edge_attr": edge_attr,
            "We_w": We_w, "We_b": We_b, "Wn_w": Wn_w, "Wn_b": Wn_b}

def reference(x, edge_index, edge_attr, We_w, We_b, Wn_w, Wn_b):
    src = edge_index[0]
    dst = edge_index[1]
    # edge_attr = edge_attr + edge_model(x, edge_attr, edge_index)
    e_in = jnp.concatenate([jnp.take(x, src, axis=0), jnp.take(x, dst, axis=0), edge_attr], axis=1)
    edge_attr = edge_attr + (e_in @ We_w + We_b)
    # x = x + node_model(x, edge_index, edge_attr, batch)
    agg_sum = jax.ops.segment_sum(edge_attr, dst, num_segments=N)
    cnt = jax.ops.segment_sum(jnp.ones((E, 1), dtype=jnp.float32), dst, num_segments=N)
    agg = agg_sum / jnp.maximum(cnt, 1.0)
    n_in = jnp.concatenate([x, agg], axis=1)
    x = x + (n_in @ Wn_w + Wn_b)
    return (x, edge_attr)

if __name__ == "__main__":
    import jax
    _d = setup_inputs()
    print(jax.jit(kernel)(*tuple(_d.values())))

</pallas_src>

<mosaic_0001>
#map = affine_map<(d0, d1) -> (0, 0, 0)>
#map1 = affine_map<(d0, d1) -> (0, 0)>
module attributes {stable_mosaic.version = 14 : i64} {
  func.func @sck(%arg0: i32, %arg1: i32, %arg2: memref<2x2560x125xi32, #tpu.memory_space<hbm>>, %arg3: memref<16x320000xf32, #tpu.memory_space<hbm>>, %arg4: memref<10000x16xf32, #tpu.memory_space<hbm>>, %arg5: memref<10000x16xf32, #tpu.memory_space<hbm>>, %arg6: memref<10000x16xf32, #tpu.memory_space<hbm>>, %arg7: memref<125x16xf32, #tpu.memory_space<hbm>>, %arg8: memref<16x320000xf32, #tpu.memory_space<hbm>>, %arg9: memref<2x10000x16xf32, #tpu.memory_space<hbm>>, %arg10: memref<2x10000x16xf32, #tpu.memory_space<hbm>>, %arg11: memref<8x125xi32, #tpu.memory_space<vmem>>, %arg12: memref<8x125xi32, #tpu.memory_space<vmem>>, %arg13: memref<16000xf32, #tpu.memory_space<vmem>>, %arg14: memref<1000x16xf32, #tpu.memory_space<vmem>>, %arg15: memref<1000x16xf32, #tpu.memory_space<vmem>>, %arg16: memref<1000x16xf32, #tpu.memory_space<vmem>>, %arg17: memref<16000xf32, #tpu.memory_space<vmem>>, %arg18: memref<125x16xf32, #tpu.memory_space<vmem>>, %arg19: memref<10000x16xf32, #tpu.memory_space<vmem_shared>>, %arg20: memref<10000x16xf32, #tpu.memory_space<vmem_shared>>, %arg21: memref<!tpu.dma_semaphore, #tpu.memory_space<semaphore_mem>>, %arg22: memref<!tpu.dma_semaphore, #tpu.memory_space<semaphore_mem>>) attributes {dimension_semantics = [#tpu.dimension_semantics<core_parallel>, #tpu.dimension_semantics<subcore_parallel>], iteration_bounds = array<i64: 2, 16>, scalar_prefetch = 0 : i64, scratch_operands = 12 : i64, tpu.core_type = #tpu.core_type<sc_vector_subcore>, window_params = [{transform_indices = #map}, {transform_indices = #map1}, {transform_indices = #map1}, {transform_indices = #map1}, {transform_indices = #map1}, {transform_indices = #map1}, {transform_indices = #map1}, {transform_indices = #map}, {transform_indices = #map}]} {
    %mul3A = arith.constant 2 : i32
    %mul3A_0 = arith.muli %arg1, %mul3A : i32
    %add3A = arith.addi %mul3A_0, %arg0 : i32
    %eq3A = arith.constant 0 : i32
    %eq3A_1 = arith.cmpi eq, %arg1, %eq3A : i32
    %convert_element_type3A = arith.extui %eq3A_1 : i1 to i32
    %cond3A = arith.constant 0 : i32
    %cond3A_2 = arith.cmpi ne, %convert_element_type3A, %cond3A : i32
    scf.if %cond3A_2 {
      "tpu.region"() ({
        %run_scoped3A = tpu.sem_alloc : memref<!tpu.dma_semaphore, #tpu.memory_space<semaphore_mem>>
        tpu.enqueue_dma source(%arg6 : memref<10000x16xf32, #tpu.memory_space<hbm>>) target(%arg19 : memref<10000x16xf32, #tpu.memory_space<vmem_shared>>) target_semaphore(%run_scoped3A : memref<!tpu.dma_semaphore, #tpu.memory_space<semaphore_mem>>)
        tpu.wait_dma2 semaphore(%run_scoped3A : memref<!tpu.dma_semaphore, #tpu.memory_space<semaphore_mem>>) src(%arg6 : memref<10000x16xf32, #tpu.memory_space<hbm>>) dst(%arg19 : memref<10000x16xf32, #tpu.memory_space<vmem_shared>>)
        tpu.yield
      }) : () -> ()
      "tpu.region"() ({
        %run_scoped3A = tpu.sem_alloc : memref<!tpu.dma_semaphore, #tpu.memory_space<semaphore_mem>>
        tpu.enqueue_dma source(%arg6 : memref<10000x16xf32, #tpu.memory_space<hbm>>) target(%arg20 : memref<10000x16xf32, #tpu.memory_space<vmem_shared>>) target_semaphore(%run_scoped3A : memref<!tpu.dma_semaphore, #tpu.memory_space<semaphore_mem>>)
        tpu.wait_dma2 semaphore(%run_scoped3A : memref<!tpu.dma_semaphore, #tpu.memory_space<semaphore_mem>>) src(%arg6 : memref<10000x16xf32, #tpu.memory_space<hbm>>) dst(%arg20 : memref<10000x16xf32, #tpu.memory_space<vmem_shared>>)
        tpu.yield
      }) : () -> ()
    } else {
    }
    "tpu.region"() ({
      %run_scoped3A = tpu.sem_alloc : memref<!tpu.dma_semaphore, #tpu.memory_space<semaphore_mem>>
      tpu.enqueue_dma source(%arg7 : memref<125x16xf32, #tpu.memory_space<hbm>>) target(%arg18 : memref<125x16xf32, #tpu.memory_space<vmem>>) target_semaphore(%run_scoped3A : memref<!tpu.dma_semaphore, #tpu.memory_space<semaphore_mem>>)
      tpu.wait_dma2 semaphore(%run_scoped3A : memref<!tpu.dma_semaphore, #tpu.memory_space<semaphore_mem>>) src(%arg7 : memref<125x16xf32, #tpu.memory_space<hbm>>) dst(%arg18 : memref<125x16xf32, #tpu.memory_space<vmem>>)
      tpu.yield
    }) : () -> ()
    %barrier3A = arith.constant 0 : index
    tpu.barrier barrier_id(%barrier3A)
    %iota3A = tpu.iota {dimensions = array<i32: 0>} : vector<16xi32>
    %mul3A_3 = arith.constant 1000 : i32
    %mul3A_4 = vector.broadcast %mul3A_3 : i32 to vector<16xi32>
    %mul3A_5 = arith.muli %iota3A, %mul3A_4 : vector<16xi32>
    %scan3A = arith.constant 0 : i32
    %scan3A_6 = arith.constant 0 : i32
    %scan3A_7 = arith.constant 10 : i32
    %scan3A_8 = arith.addi %scan3A_6, %scan3A_7 : i32
    %scan3A_9 = arith.constant 1 : i32
    scf.for %scan3A_17 = %scan3A_6 to %scan3A_8 step %scan3A_9  : i32 {
      %mul3A_18 = arith.constant 10000 : i32
      %mul3A_19 = arith.muli %add3A, %mul3A_18 : i32
      %mul3A_20 = arith.constant 1000 : i32
      %mul3A_21 = arith.muli %scan3A_17, %mul3A_20 : i32
      %add3A_22 = arith.addi %mul3A_19, %mul3A_21 : i32
      %mul3A_23 = arith.constant 80 : i32
      %mul3A_24 = arith.muli %add3A, %mul3A_23 : i32
      %mul3A_25 = arith.constant 8 : i32
      %mul3A_26 = arith.muli %scan3A_17, %mul3A_25 : i32
      %add3A_27 = arith.addi %mul3A_24, %mul3A_26 : i32
      %run_scoped3A = arith.constant 0 : i32
      "tpu.region"() ({
        %run_scoped3A_1197 = tpu.sem_alloc : memref<!tpu.dma_semaphore, #tpu.memory_space<semaphore_mem>>
        %dma_start3A_1198 = arith.constant 0 : i32
        %dma_start3A_1199 = tpu.memref_slice %arg2[%run_scoped3A, %add3A_27, %dma_start3A_1198] : memref<2x2560x125xi32, #tpu.memory_space<hbm>> -> memref<1x8x125xi32, #tpu.memory_space<hbm>>
        %dma_start3A_1200 = tpu.memref_squeeze %dma_start3A_1199 : memref<1x8x125xi32, #tpu.memory_space<hbm>> -> memref<8x125xi32, #tpu.memory_space<hbm>>
        %dma_start3A_1201 = arith.constant 0 : i32
        %dma_start3A_1202 = tpu.memref_slice %arg2[%run_scoped3A, %add3A_27, %dma_start3A_1201] : memref<2x2560x125xi32, #tpu.memory_space<hbm>> -> memref<1x8x125xi32, #tpu.memory_space<hbm>>
        %dma_start3A_1203 = tpu.memref_squeeze %dma_start3A_1202 : memref<1x8x125xi32, #tpu.memory_space<hbm>> -> memref<8x125xi32, #tpu.memory_space<hbm>>
        tpu.enqueue_dma source(%dma_start3A_1203 : memref<8x125xi32, #tpu.memory_space<hbm>>) target(%arg11 : memref<8x125xi32, #tpu.memory_space<vmem>>) target_semaphore(%run_scoped3A_1197 : memref<!tpu.dma_semaphore, #tpu.memory_space<semaphore_mem>>)
        %dma_wait3A_1204 = arith.constant 0 : i32
        %dma_wait3A_1205 = tpu.memref_slice %arg2[%run_scoped3A, %add3A_27, %dma_wait3A_1204] : memref<2x2560x125xi32, #tpu.memory_space<hbm>> -> memref<1x8x125xi32, #tpu.memory_space<hbm>>
        %dma_wait3A_1206 = tpu.memref_squeeze %dma_wait3A_1205 : memref<1x8x125xi32, #tpu.memory_space<hbm>> -> memref<8x125xi32, #tpu.memory_space<hbm>>
        %dma_wait3A_1207 = arith.constant 0 : i32
        %dma_wait3A_1208 = tpu.memref_slice %arg2[%run_scoped3A, %add3A_27, %dma_wait3A_1207] : memref<2x2560x125xi32, #tpu.memory_space<hbm>> -> memref<1x8x125xi32, #tpu.memory_space<hbm>>
        %dma_wait3A_1209 = tpu.memref_squeeze %dma_wait3A_1208 : memref<1x8x125xi32, #tpu.memory_space<hbm>> -> memref<8x125xi32, #tpu.memory_space<hbm>>
        tpu.wait_dma2 semaphore(%run_scoped3A_1197 : memref<!tpu.dma_semaphore, #tpu.memory_space<semaphore_mem>>) src(%dma_wait3A_1209 : memref<8x125xi32, #tpu.memory_space<hbm>>) dst(%arg11 : memref<8x125xi32, #tpu.memory_space<vmem>>)
        tpu.yield
      }) : () -> ()
      %run_scoped3A_28 = arith.constant 1 : i32
      "tpu.region"() ({
        %run_scoped3A_1197 = tpu.sem_alloc : memref<!tpu.dma_semaphore, #tpu.memory_space<semaphore_mem>>
        %dma_start3A_1198 = arith.constant 0 : i32
        %dma_start3A_1199 = tpu.memref_slice %arg2[%run_scoped3A_28, %add3A_27, %dma_start3A_1198] : memref<2x2560x125xi32, #tpu.memory_space<hbm>> -> memref<1x8x125xi32, #tpu.memory_space<hbm>>
        %dma_start3A_1200 = tpu.memref_squeeze %dma_start3A_1199 : memref<1x8x125xi32, #tpu.memory_space<hbm>> -> memref<8x125xi32, #tpu.memory_space<hbm>>
        %dma_start3A_1201 = arith.constant 0 : i32
        %dma_start3A_1202 = tpu.memref_slice %arg2[%run_scoped3A_28, %add3A_27, %dma_start3A_1201] : memref<2x2560x125xi32, #tpu.memory_space<hbm>> -> memref<1x8x125xi32, #tpu.memory_space<hbm>>
        %dma_start3A_1203 = tpu.memref_squeeze %dma_start3A_1202 : memref<1x8x125xi32, #tpu.memory_space<hbm>> -> memref<8x125xi32, #tpu.memory_space<hbm>>
        tpu.enqueue_dma source(%dma_start3A_1203 : memref<8x125xi32, #tpu.memory_space<hbm>>) target(%arg12 : memref<8x125xi32, #tpu.memory_space<vmem>>) target_semaphore(%run_scoped3A_1197 : memref<!tpu.dma_semaphore, #tpu.memory_space<semaphore_mem>>)
        %dma_wait3A_1204 = arith.constant 0 : i32
        %dma_wait3A_1205 = tpu.memref_slice %arg2[%run_scoped3A_28, %add3A_27, %dma_wait3A_1204] : memref<2x2560x125xi32, #tpu.memory_space<hbm>> -> memref<1x8x125xi32, #tpu.memory_space<hbm>>
        %dma_wait3A_1206 = tpu.memref_squeeze %dma_wait3A_1205 : memref<1x8x125xi32, #tpu.memory_space<hbm>> -> memref<8x125xi32, #tpu.memory_space<hbm>>
        %dma_wait3A_1207 = arith.constant 0 : i32
        %dma_wait3A_1208 = tpu.memref_slice %arg2[%run_scoped3A_28, %add3A_27, %dma_wait3A_1207] : memref<2x2560x125xi32, #tpu.memory_space<hbm>> -> memref<1x8x125xi32, #tpu.memory_space<hbm>>
        %dma_wait3A_1209 = tpu.memref_squeeze %dma_wait3A_1208 : memref<1x8x125xi32, #tpu.memory_space<hbm>> -> memref<8x125xi32, #tpu.memory_space<hbm>>
        tpu.wait_dma2 semaphore(%run_scoped3A_1197 : memref<!tpu.dma_semaphore, #tpu.memory_space<semaphore_mem>>) src(%dma_wait3A_1209 : memref<8x125xi32, #tpu.memory_space<hbm>>) dst(%arg12 : memref<8x125xi32, #tpu.memory_space<vmem>>)
        tpu.yield
      }) : () -> ()
      %dma_start3A = arith.constant 0 : i32
      %dma_start3A_29 = arith.constant 0 : i32
      %dma_start3A_30 = arith.constant 0 : i32
      %dma_start3A_31 = tpu.memref_slice %arg14[%dma_start3A_29, %dma_start3A_30] : memref<1000x16xf32, #tpu.memory_space<vmem>> -> memref<125x16xf32, #tpu.memory_space<vmem>>
      %dma_start3A_32 = arith.constant 0 : i32
      %dma_start3A_33 = tpu.memref_slice %arg11[%dma_start3A, %dma_start3A_32] : memref<8x125xi32, #tpu.memory_space<vmem>> -> memref<1x125xi32, #tpu.memory_space<vmem>>
      %dma_start3A_34 = tpu.memref_squeeze %dma_start3A_33 : memref<1x125xi32, #tpu.memory_space<vmem>> -> memref<125xi32, #tpu.memory_space<vmem>>
      %dma_start3A_35 = arith.constant 0 : i32
      %dma_start3A_36 = arith.constant 0 : i32
      %dma_start3A_37 = tpu.memref_slice %arg4[%dma_start3A_35, %dma_start3A_36] : memref<10000x16xf32, #tpu.memory_space<hbm>> -> memref<10000x16xf32, #tpu.memory_space<hbm>>
      tpu.enqueue_indirect_dma source(%dma_start3A_37 : memref<10000x16xf32, #tpu.memory_space<hbm>>) target(%dma_start3A_31 : memref<125x16xf32, #tpu.memory_space<vmem>>) offsets(%dma_start3A_34 : memref<125xi32, #tpu.memory_space<vmem>>) semaphore(%arg21 : memref<!tpu.dma_semaphore, #tpu.memory_space<semaphore_mem>>)
      %dma_start3A_38 = arith.constant 0 : i32
      %dma_start3A_39 = arith.constant 0 : i32
      %dma_start3A_40 = arith.constant 0 : i32
      %dma_start3A_41 = tpu.memref_slice %arg15[%dma_start3A_39, %dma_start3A_40] : memref<1000x16xf32, #tpu.memory_space<vmem>> -> memref<125x16xf32, #tpu.memory_space<vmem>>
      %dma_start3A_42 = arith.constant 0 : i32
      %dma_start3A_43 = tpu.memref_slice %arg12[%dma_start3A_38, %dma_start3A_42] : memref<8x125xi32, #tpu.memory_space<vmem>> -> memref<1x125xi32, #tpu.memory_space<vmem>>
      %dma_start3A_44 = tpu.memref_squeeze %dma_start3A_43 : memref<1x125xi32, #tpu.memory_space<vmem>> -> memref<125xi32, #tpu.memory_space<vmem>>
      %dma_start3A_45 = arith.constant 0 : i32
      %dma_start3A_46 = arith.constant 0 : i32
      %dma_start3A_47 = tpu.memref_slice %arg5[%dma_start3A_45, %dma_start3A_46] : memref<10000x16xf32, #tpu.memory_space<hbm>> -> memref<10000x16xf32, #tpu.memory_space<hbm>>
      tpu.enqueue_indirect_dma source(%dma_start3A_47 : memref<10000x16xf32, #tpu.memory_space<hbm>>) target(%dma_start3A_41 : memref<125x16xf32, #tpu.memory_space<vmem>>) offsets(%dma_start3A_44 : memref<125xi32, #tpu.memory_space<vmem>>) semaphore(%arg22 : memref<!tpu.dma_semaphore, #tpu.memory_space<semaphore_mem>>)
      %dma_start3A_48 = arith.constant 1 : i32
      %dma_start3A_49 = arith.constant 125 : i32
      %dma_start3A_50 = arith.constant 0 : i32
      %dma_start3A_51 = tpu.memref_slice %arg14[%dma_start3A_49, %dma_start3A_50] : memref<1000x16xf32, #tpu.memory_space<vmem>> -> memref<125x16xf32, #tpu.memory_space<vmem>>
      %dma_start3A_52 = arith.constant 0 : i32
      %dma_start3A_53 = tpu.memref_slice %arg11[%dma_start3A_48, %dma_start3A_52] : memref<8x125xi32, #tpu.memory_space<vmem>> -> memref<1x125xi32, #tpu.memory_space<vmem>>
      %dma_start3A_54 = tpu.memref_squeeze %dma_start3A_53 : memref<1x125xi32, #tpu.memory_space<vmem>> -> memref<125xi32, #tpu.memory_space<vmem>>
      %dma_start3A_55 = arith.constant 0 : i32
      %dma_start3A_56 = arith.constant 0 : i32
      %dma_start3A_57 = tpu.memref_slice %arg4[%dma_start3A_55, %dma_start3A_56] : memref<10000x16xf32, #tpu.memory_space<hbm>> -> memref<10000x16xf32, #tpu.memory_space<hbm>>
      tpu.enqueue_indirect_dma source(%dma_start3A_57 : memref<10000x16xf32, #tpu.memory_space<hbm>>) target(%dma_start3A_51 : memref<125x16xf32, #tpu.memory_space<vmem>>) offsets(%dma_start3A_54 : memref<125xi32, #tpu.memory_space<vmem>>) semaphore(%arg21 : memref<!tpu.dma_semaphore, #tpu.memory_space<semaphore_mem>>)
      %dma_start3A_58 = arith.constant 1 : i32
      %dma_start3A_59 = arith.constant 125 : i32
      %dma_start3A_60 = arith.constant 0 : i32
      %dma_start3A_61 = tpu.memref_slice %arg15[%dma_start3A_59, %dma_start3A_60] : memref<1000x16xf32, #tpu.memory_space<vmem>> -> memref<125x16xf32, #tpu.memory_space<vmem>>
      %dma_start3A_62 = arith.constant 0 : i32
      %dma_start3A_63 = tpu.memref_slice %arg12[%dma_start3A_58, %dma_start3A_62] : memref<8x125xi32, #tpu.memory_space<vmem>> -> memref<1x125xi32, #tpu.memory_space<vmem>>
      %dma_start3A_64 = tpu.memref_squeeze %dma_start3A_63 : memref<1x125xi32, #tpu.memory_space<vmem>> -> memref<125xi32, #tpu.memory_space<vmem>>
      %dma_start3A_65 = arith.constant 0 : i32
      %dma_start3A_66 = arith.constant 0 : i32
      %dma_start3A_67 = tpu.memref_slice %arg5[%dma_start3A_65, %dma_start3A_66] : memref<10000x16xf32, #tpu.memory_space<hbm>> -> memref<10000x16xf32, #tpu.memory_space<hbm>>
      tpu.enqueue_indirect_dma source(%dma_start3A_67 : memref<10000x16xf32, #tpu.memory_space<hbm>>) target(%dma_start3A_61 : memref<125x16xf32, #tpu.memory_space<vmem>>) offsets(%dma_start3A_64 : memref<125xi32, #tpu.memory_space<vmem>>) semaphore(%arg22 : memref<!tpu.dma_semaphore, #tpu.memory_space<semaphore_mem>>)
      %dma_start3A_68 = arith.constant 2 : i32
      %dma_start3A_69 = arith.constant 250 : i32
      %dma_start3A_70 = arith.constant 0 : i32
      %dma_start3A_71 = tpu.memref_slice %arg14[%dma_start3A_69, %dma_start3A_70] : memref<1000x16xf32, #tpu.memory_space<vmem>> -> memref<125x16xf32, #tpu.memory_space<vmem>>
      %dma_start3A_72 = arith.constant 0 : i32
      %dma_start3A_73 = tpu.memref_slice %arg11[%dma_start3A_68, %dma_start3A_72] : memref<8x125xi32, #tpu.memory_space<vmem>> -> memref<1x125xi32, #tpu.memory_space<vmem>>
      %dma_start3A_74 = tpu.memref_squeeze %dma_start3A_73 : memref<1x125xi32, #tpu.memory_space<vmem>> -> memref<125xi32, #tpu.memory_space<vmem>>
      %dma_start3A_75 = arith.constant 0 : i32
      %dma_start3A_76 = arith.constant 0 : i32
      %dma_start3A_77 = tpu.memref_slice %arg4[%dma_start3A_75, %dma_start3A_76] : memref<10000x16xf32, #tpu.memory_space<hbm>> -> memref<10000x16xf32, #tpu.memory_space<hbm>>
      tpu.enqueue_indirect_dma source(%dma_start3A_77 : memref<10000x16xf32, #tpu.memory_space<hbm>>) target(%dma_start3A_71 : memref<125x16xf32, #tpu.memory_space<vmem>>) offsets(%dma_start3A_74 : memref<125xi32, #tpu.memory_space<vmem>>) semaphore(%arg21 : memref<!tpu.dma_semaphore, #tpu.memory_space<semaphore_mem>>)
      %dma_start3A_78 = arith.constant 2 : i32
      %dma_start3A_79 = arith.constant 250 : i32
      %dma_start3A_80 = arith.constant 0 : i32
      %dma_start3A_81 = tpu.memref_slice %arg15[%dma_start3A_79, %dma_start3A_80] : memref<1000x16xf32, #tpu.memory_space<vmem>> -> memref<125x16xf32, #tpu.memory_space<vmem>>
      %dma_start3A_82 = arith.constant 0 : i32
      %dma_start3A_83 = tpu.memref_slice %arg12[%dma_start3A_78, %dma_start3A_82] : memref<8x125xi32, #tpu.memory_space<vmem>> -> memref<1x125xi32, #tpu.memory_space<vmem>>
      %dma_start3A_84 = tpu.memref_squeeze %dma_start3A_83 : memref<1x125xi32, #tpu.memory_space<vmem>> -> memref<125xi32, #tpu.memory_space<vmem>>
      %dma_start3A_85 = arith.constant 0 : i32
      %dma_start3A_86 = arith.constant 0 : i32
      %dma_start3A_87 = tpu.memref_slice %arg5[%dma_start3A_85, %dma_start3A_86] : memref<10000x16xf32, #tpu.memory_space<hbm>> -> memref<10000x16xf32, #tpu.memory_space<hbm>>
      tpu.enqueue_indirect_dma source(%dma_start3A_87 : memref<10000x16xf32, #tpu.memory_space<hbm>>) target(%dma_start3A_81 : memref<125x16xf32, #tpu.memory_space<vmem>>) offsets(%dma_start3A_84 : memref<125xi32, #tpu.memory_space<vmem>>) semaphore(%arg22 : memref<!tpu.dma_semaphore, #tpu.memory_space<semaphore_mem>>)
      %dma_start3A_88 = arith.constant 3 : i32
      %dma_start3A_89 = arith.constant 375 : i32
      %dma_start3A_90 = arith.constant 0 : i32
      %dma_start3A_91 = tpu.memref_slice %arg14[%dma_start3A_89, %dma_start3A_90] : memref<1000x16xf32, #tpu.memory_space<vmem>> -> memref<125x16xf32, #tpu.memory_space<vmem>>
      %dma_start3A_92 = arith.constant 0 : i32
      %dma_start3A_93 = tpu.memref_slice %arg11[%dma_start3A_88, %dma_start3A_92] : memref<8x125xi32, #tpu.memory_space<vmem>> -> memref<1x125xi32, #tpu.memory_space<vmem>>
      %dma_start3A_94 = tpu.memref_squeeze %dma_start3A_93 : memref<1x125xi32, #tpu.memory_space<vmem>> -> memref<125xi32, #tpu.memory_space<vmem>>
      %dma_start3A_95 = arith.constant 0 : i32
      %dma_start3A_96 = arith.constant 0 : i32
      %dma_start3A_97 = tpu.memref_slice %arg4[%dma_start3A_95, %dma_start3A_96] : memref<10000x16xf32, #tpu.memory_space<hbm>> -> memref<10000x16xf32, #tpu.memory_space<hbm>>
      tpu.enqueue_indirect_dma source(%dma_start3A_97 : memref<10000x16xf32, #tpu.memory_space<hbm>>) target(%dma_start3A_91 : memref<125x16xf32, #tpu.memory_space<vmem>>) offsets(%dma_start3A_94 : memref<125xi32, #tpu.memory_space<vmem>>) semaphore(%arg21 : memref<!tpu.dma_semaphore, #tpu.memory_space<semaphore_mem>>)
      %dma_start3A_98 = arith.constant 3 : i32
      %dma_start3A_99 = arith.constant 375 : i32
      %dma_start3A_100 = arith.constant 0 : i32
      %dma_start3A_101 = tpu.memref_slice %arg15[%dma_start3A_99, %dma_start3A_100] : memref<1000x16xf32, #tpu.memory_space<vmem>> -> memref<125x16xf32, #tpu.memory_space<vmem>>
      %dma_start3A_102 = arith.constant 0 : i32
      %dma_start3A_103 = tpu.memref_slice %arg12[%dma_start3A_98, %dma_start3A_102] : memref<8x125xi32, #tpu.memory_space<vmem>> -> memref<1x125xi32, #tpu.memory_space<vmem>>
      %dma_start3A_104 = tpu.memref_squeeze %dma_start3A_103 : memref<1x125xi32, #tpu.memory_space<vmem>> -> memref<125xi32, #tpu.memory_space<vmem>>
      %dma_start3A_105 = arith.constant 0 : i32
      %dma_start3A_106 = arith.constant 0 : i32
      %dma_start3A_107 = tpu.memref_slice %arg5[%dma_start3A_105, %dma_start3A_106] : memref<10000x16xf32, #tpu.memory_space<hbm>> -> memref<10000x16xf32, #tpu.memory_space<hbm>>
      tpu.enqueue_indirect_dma source(%dma_start3A_107 : memref<10000x16xf32, #tpu.memory_space<hbm>>) target(%dma_start3A_101 : memref<125x16xf32, #tpu.memory_space<vmem>>) offsets(%dma_start3A_104 : memref<125xi32, #tpu.memory_space<vmem>>) semaphore(%arg22 : memref<!tpu.dma_semaphore, #tpu.memory_space<semaphore_mem>>)
      %dma_start3A_108 = arith.constant 4 : i32
      %dma_start3A_109 = arith.constant 500 : i32
      %dma_start3A_110 = arith.constant 0 : i32
      %dma_start3A_111 = tpu.memref_slice %arg14[%dma_start3A_109, %dma_start3A_110] : memref<1000x16xf32, #tpu.memory_space<vmem>> -> memref<125x16xf32, #tpu.memory_space<vmem>>
      %dma_start3A_112 = arith.constant 0 : i32
      %dma_start3A_113 = tpu.memref_slice %arg11[%dma_start3A_108, %dma_start3A_112] : memref<8x125xi32, #tpu.memory_space<vmem>> -> memref<1x125xi32, #tpu.memory_space<vmem>>
      %dma_start3A_114 = tpu.memref_squeeze %dma_start3A_113 : memref<1x125xi32, #tpu.memory_space<vmem>> -> memref<125xi32, #tpu.memory_space<vmem>>
      %dma_start3A_115 = arith.constant 0 : i32
      %dma_start3A_116 = arith.constant 0 : i32
      %dma_start3A_117 = tpu.memref_slice %arg4[%dma_start3A_115, %dma_start3A_116] : memref<10000x16xf32, #tpu.memory_space<hbm>> -> memref<10000x16xf32, #tpu.memory_space<hbm>>
      tpu.enqueue_indirect_dma source(%dma_start3A_117 : memref<10000x16xf32, #tpu.memory_space<hbm>>) target(%dma_start3A_111 : memref<125x16xf32, #tpu.memory_space<vmem>>) offsets(%dma_start3A_114 : memref<125xi32, #tpu.memory_space<vmem>>) semaphore(%arg21 : memref<!tpu.dma_semaphore, #tpu.memory_space<semaphore_mem>>)
      %dma_start3A_118 = arith.constant 4 : i32
      %dma_start3A_119 = arith.constant 500 : i32
      %dma_start3A_120 = arith.constant 0 : i32
      %dma_start3A_121 = tpu.memref_slice %arg15[%dma_start3A_119, %dma_start3A_120] : memref<1000x16xf32, #tpu.memory_space<vmem>> -> memref<125x16xf32, #tpu.memory_space<vmem>>
      %dma_start3A_122 = arith.constant 0 : i32
      %dma_start3A_123 = tpu.memref_slice %arg12[%dma_start3A_118, %dma_start3A_122] : memref<8x125xi32, #tpu.memory_space<vmem>> -> memref<1x125xi32, #tpu.memory_space<vmem>>
      %dma_start3A_124 = tpu.memref_squeeze %dma_start3A_123 : memref<1x125xi32, #tpu.memory_space<vmem>> -> memref<125xi32, #tpu.memory_space<vmem>>
      %dma_start3A_125 = arith.constant 0 : i32
      %dma_start3A_126 = arith.constant 0 : i32
      %dma_start3A_127 = tpu.memref_slice %arg5[%dma_start3A_125, %dma_start3A_126] : memref<10000x16xf32, #tpu.memory_space<hbm>> -> memref<10000x16xf32, #tpu.memory_space<hbm>>
      tpu.enqueue_indirect_dma source(%dma_start3A_127 : memref<10000x16xf32, #tpu.memory_space<hbm>>) target(%dma_start3A_121 : memref<125x16xf32, #tpu.memory_space<vmem>>) offsets(%dma_start3A_124 : memref<125xi32, #tpu.memory_space<vmem>>) semaphore(%arg22 : memref<!tpu.dma_semaphore, #tpu.memory_space<semaphore_mem>>)
      %dma_start3A_128 = arith.constant 5 : i32
      %dma_start3A_129 = arith.constant 625 : i32
      %dma_start3A_130 = arith.constant 0 : i32
      %dma_start3A_131 = tpu.memref_slice %arg14[%dma_start3A_129, %dma_start3A_130] : memref<1000x16xf32, #tpu.memory_space<vmem>> -> memref<125x16xf32, #tpu.memory_space<vmem>>
      %dma_start3A_132 = arith.constant 0 : i32
      %dma_start3A_133 = tpu.memref_slice %arg11[%dma_start3A_128, %dma_start3A_132] : memref<8x125xi32, #tpu.memory_space<vmem>> -> memref<1x125xi32, #tpu.memory_space<vmem>>
      %dma_start3A_134 = tpu.memref_squeeze %dma_start3A_133 : memref<1x125xi32, #tpu.memory_space<vmem>> -> memref<125xi32, #tpu.memory_space<vmem>>
      %dma_start3A_135 = arith.constant 0 : i32
      %dma_start3A_136 = arith.constant 0 : i32
      %dma_start3A_137 = tpu.memref_slice %arg4[%dma_start3A_135, %dma_start3A_136] : memref<10000x16xf32, #tpu.memory_space<hbm>> -> memref<10000x16xf32, #tpu.memory_space<hbm>>
      tpu.enqueue_indirect_dma source(%dma_start3A_137 : memref<10000x16xf32, #tpu.memory_space<hbm>>) target(%dma_start3A_131 : memref<125x16xf32, #tpu.memory_space<vmem>>) offsets(%dma_start3A_134 : memref<125xi32, #tpu.memory_space<vmem>>) semaphore(%arg21 : memref<!tpu.dma_semaphore, #tpu.memory_space<semaphore_mem>>)
      %dma_start3A_138 = arith.constant 5 : i32
      %dma_start3A_139 = arith.constant 625 : i32
      %dma_start3A_140 = arith.constant 0 : i32
      %dma_start3A_141 = tpu.memref_slice %arg15[%dma_start3A_139, %dma_start3A_140] : memref<1000x16xf32, #tpu.memory_space<vmem>> -> memref<125x16xf32, #tpu.memory_space<vmem>>
      %dma_start3A_142 = arith.constant 0 : i32
      %dma_start3A_143 = tpu.memref_slice %arg12[%dma_start3A_138, %dma_start3A_142] : memref<8x125xi32, #tpu.memory_space<vmem>> -> memref<1x125xi32, #tpu.memory_space<vmem>>
      %dma_start3A_144 = tpu.memref_squeeze %dma_start3A_143 : memref<1x125xi32, #tpu.memory_space<vmem>> -> memref<125xi32, #tpu.memory_space<vmem>>
      %dma_start3A_145 = arith.constant 0 : i32
      %dma_start3A_146 = arith.constant 0 : i32
      %dma_start3A_147 = tpu.memref_slice %arg5[%dma_start3A_145, %dma_start3A_146] : memref<10000x16xf32, #tpu.memory_space<hbm>> -> memref<10000x16xf32, #tpu.memory_space<hbm>>
      tpu.enqueue_indirect_dma source(%dma_start3A_147 : memref<10000x16xf32, #tpu.memory_space<hbm>>) target(%dma_start3A_141 : memref<125x16xf32, #tpu.memory_space<vmem>>) offsets(%dma_start3A_144 : memref<125xi32, #tpu.memory_space<vmem>>) semaphore(%arg22 : memref<!tpu.dma_semaphore, #tpu.memory_space<semaphore_mem>>)
      %dma_start3A_148 = arith.constant 6 : i32
      %dma_start3A_149 = arith.constant 750 : i32
      %dma_start3A_150 = arith.constant 0 : i32
      %dma_start3A_151 = tpu.memref_slice %arg14[%dma_start3A_149, %dma_start3A_150] : memref<1000x16xf32, #tpu.memory_space<vmem>> -> memref<125x16xf32, #tpu.memory_space<vmem>>
      %dma_start3A_152 = arith.constant 0 : i32
      %dma_start3A_153 = tpu.memref_slice %arg11[%dma_start3A_148, %dma_start3A_152] : memref<8x125xi32, #tpu.memory_space<vmem>> -> memref<1x125xi32, #tpu.memory_space<vmem>>
      %dma_start3A_154 = tpu.memref_squeeze %dma_start3A_153 : memref<1x125xi32, #tpu.memory_space<vmem>> -> memref<125xi32, #tpu.memory_space<vmem>>
      %dma_start3A_155 = arith.constant 0 : i32
      %dma_start3A_156 = arith.constant 0 : i32
      %dma_start3A_157 = tpu.memref_slice %arg4[%dma_start3A_155, %dma_start3A_156] : memref<10000x16xf32, #tpu.memory_space<hbm>> -> memref<10000x16xf32, #tpu.memory_space<hbm>>
      tpu.enqueue_indirect_dma source(%dma_start3A_157 : memref<10000x16xf32, #tpu.memory_space<hbm>>) target(%dma_start3A_151 : memref<125x16xf32, #tpu.memory_space<vmem>>) offsets(%dma_start3A_154 : memref<125xi32, #tpu.memory_space<vmem>>) semaphore(%arg21 : memref<!tpu.dma_semaphore, #tpu.memory_space<semaphore_mem>>)
      %dma_start3A_158 = arith.constant 6 : i32
      %dma_start3A_159 = arith.constant 750 : i32
      %dma_start3A_160 = arith.constant 0 : i32
      %dma_start3A_161 = tpu.memref_slice %arg15[%dma_start3A_159, %dma_start3A_160] : memref<1000x16xf32, #tpu.memory_space<vmem>> -> memref<125x16xf32, #tpu.memory_space<vmem>>
      %dma_start3A_162 = arith.constant 0 : i32
      %dma_start3A_163 = tpu.memref_slice %arg12[%dma_start3A_158, %dma_start3A_162] : memref<8x125xi32, #tpu.memory_space<vmem>> -> memref<1x125xi32, #tpu.memory_space<vmem>>
      %dma_start3A_164 = tpu.memref_squeeze %dma_start3A_163 : memref<1x125xi32, #tpu.memory_space<vmem>> -> memref<125xi32, #tpu.memory_space<vmem>>
      %dma_start3A_165 = arith.constant 0 : i32
      %dma_start3A_166 = arith.constant 0 : i32
      %dma_start3A_167 = tpu.memref_slice %arg5[%dma_start3A_165, %dma_start3A_166] : memref<10000x16xf32, #tpu.memory_space<hbm>> -> memref<10000x16xf32, #tpu.memory_space<hbm>>
      tpu.enqueue_indirect_dma source(%dma_start3A_167 : memref<10000x16xf32, #tpu.memory_space<hbm>>) target(%dma_start3A_161 : memref<125x16xf32, #tpu.memory_space<vmem>>) offsets(%dma_start3A_164 : memref<125xi32, #tpu.memory_space<vmem>>) semaphore(%arg22 : memref<!tpu.dma_semaphore, #tpu.memory_space<semaphore_mem>>)
      %dma_start3A_168 = arith.constant 7 : i32
      %dma_start3A_169 = arith.constant 875 : i32
      %dma_start3A_170 = arith.constant 0 : i32
      %dma_start3A_171 = tpu.memref_slice %arg14[%dma_start3A_169, %dma_start3A_170] : memref<1000x16xf32, #tpu.memory_space<vmem>> -> memref<125x16xf32, #tpu.memory_space<vmem>>
      %dma_start3A_172 = arith.constant 0 : i32
      %dma_start3A_173 = tpu.memref_slice %arg11[%dma_start3A_168, %dma_start3A_172] : memref<8x125xi32, #tpu.memory_space<vmem>> -> memref<1x125xi32, #tpu.memory_space<vmem>>
      %dma_start3A_174 = tpu.memref_squeeze %dma_start3A_173 : memref<1x125xi32, #tpu.memory_space<vmem>> -> memref<125xi32, #tpu.memory_space<vmem>>
      %dma_start3A_175 = arith.constant 0 : i32
      %dma_start3A_176 = arith.constant 0 : i32
      %dma_start3A_177 = tpu.memref_slice %arg4[%dma_start3A_175, %dma_start3A_176] : memref<10000x16xf32, #tpu.memory_space<hbm>> -> memref<10000x16xf32, #tpu.memory_space<hbm>>
      tpu.enqueue_indirect_dma source(%dma_start3A_177 : memref<10000x16xf32, #tpu.memory_space<hbm>>) target(%dma_start3A_171 : memref<125x16xf32, #tpu.memory_space<vmem>>) offsets(%dma_start3A_174 : memref<125xi32, #tpu.memory_space<vmem>>) semaphore(%arg21 : memref<!tpu.dma_semaphore, #tpu.memory_space<semaphore_mem>>)
      %dma_start3A_178 = arith.constant 7 : i32
      %dma_start3A_179 = arith.constant 875 : i32
      %dma_start3A_180 = arith.constant 0 : i32
      %dma_start3A_181 = tpu.memref_slice %arg15[%dma_start3A_179, %dma_start3A_180] : memref<1000x16xf32, #tpu.memory_space<vmem>> -> memref<125x16xf32, #tpu.memory_space<vmem>>
      %dma_start3A_182 = arith.constant 0 : i32
      %dma_start3A_183 = tpu.memref_slice %arg12[%dma_start3A_178, %dma_start3A_182] : memref<8x125xi32, #tpu.memory_space<vmem>> -> memref<1x125xi32, #tpu.memory_space<vmem>>
      %dma_start3A_184 = tpu.memref_squeeze %dma_start3A_183 : memref<1x125xi32, #tpu.memory_space<vmem>> -> memref<125xi32, #tpu.memory_space<vmem>>
      %dma_start3A_185 = arith.constant 0 : i32
      %dma_start3A_186 = arith.constant 0 : i32
      %dma_start3A_187 = tpu.memref_slice %arg5[%dma_start3A_185, %dma_start3A_186] : memref<10000x16xf32, #tpu.memory_space<hbm>> -> memref<10000x16xf32, #tpu.memory_space<hbm>>
      tpu.enqueue_indirect_dma source(%dma_start3A_187 : memref<10000x16xf32, #tpu.memory_space<hbm>>) target(%dma_start3A_181 : memref<125x16xf32, #tpu.memory_space<vmem>>) offsets(%dma_start3A_184 : memref<125xi32, #tpu.memory_space<vmem>>) semaphore(%arg22 : memref<!tpu.dma_semaphore, #tpu.memory_space<semaphore_mem>>)
      %dma_start3A_188 = arith.constant 0 : i32
      %dma_start3A_189 = arith.constant 0 : i32
      %dma_start3A_190 = tpu.memref_slice %arg13[%dma_start3A_189] : memref<16000xf32, #tpu.memory_space<vmem>> -> memref<1000xf32, #tpu.memory_space<vmem>>
      %dma_start3A_191 = tpu.memref_slice %arg3[%dma_start3A_188, %add3A_22] : memref<16x320000xf32, #tpu.memory_space<hbm>> -> memref<1x1000xf32, #tpu.memory_space<hbm>>
      %dma_start3A_192 = tpu.memref_squeeze %dma_start3A_191 : memref<1x1000xf32, #tpu.memory_space<hbm>> -> memref<1000xf32, #tpu.memory_space<hbm>>
      %dma_start3A_193 = arith.constant 0 : i32
      %dma_start3A_194 = tpu.memref_slice %arg13[%dma_start3A_193] : memref<16000xf32, #tpu.memory_space<vmem>> -> memref<1000xf32, #tpu.memory_space<vmem>>
      %dma_start3A_195 = tpu.memref_slice %arg3[%dma_start3A_188, %add3A_22] : memref<16x320000xf32, #tpu.memory_space<hbm>> -> memref<1x1000xf32, #tpu.memory_space<hbm>>
      %dma_start3A_196 = tpu.memref_squeeze %dma_start3A_195 : memref<1x1000xf32, #tpu.memory_space<hbm>> -> memref<1000xf32, #tpu.memory_space<hbm>>
      tpu.enqueue_dma source(%dma_start3A_196 : memref<1000xf32, #tpu.memory_space<hbm>>) target(%dma_start3A_194 : memref<1000xf32, #tpu.memory_space<vmem>>) target_semaphore(%arg21 : memref<!tpu.dma_semaphore, #tpu.memory_space<semaphore_mem>>)
      %dma_start3A_197 = arith.constant 1 : i32
      %dma_start3A_198 = arith.constant 1000 : i32
      %dma_start3A_199 = tpu.memref_slice %arg13[%dma_start3A_198] : memref<16000xf32, #tpu.memory_space<vmem>> -> memref<1000xf32, #tpu.memory_space<vmem>>
      %dma_start3A_200 = tpu.memref_slice %arg3[%dma_start3A_197, %add3A_22] : memref<16x320000xf32, #tpu.memory_space<hbm>> -> memref<1x1000xf32, #tpu.memory_space<hbm>>
      %dma_start3A_201 = tpu.memref_squeeze %dma_start3A_200 : memref<1x1000xf32, #tpu.memory_space<hbm>> -> memref<1000xf32, #tpu.memory_space<hbm>>
      %dma_start3A_202 = arith.constant 1000 : i32
      %dma_start3A_203 = tpu.memref_slice %arg13[%dma_start3A_202] : memref<16000xf32, #tpu.memory_space<vmem>> -> memref<1000xf32, #tpu.memory_space<vmem>>
      %dma_start3A_204 = tpu.memref_slice %arg3[%dma_start3A_197, %add3A_22] : memref<16x320000xf32, #tpu.memory_space<hbm>> -> memref<1x1000xf32, #tpu.memory_space<hbm>>
      %dma_start3A_205 = tpu.memref_squeeze %dma_start3A_204 : memref<1x1000xf32, #tpu.memory_space<hbm>> -> memref<1000xf32, #tpu.memory_space<hbm>>
      tpu.enqueue_dma source(%dma_start3A_205 : memref<1000xf32, #tpu.memory_space<hbm>>) target(%dma_start3A_203 : memref<1000xf32, #tpu.memory_space<vmem>>) target_semaphore(%arg21 : memref<!tpu.dma_semaphore, #tpu.memory_space<semaphore_mem>>)
      %dma_start3A_206 = arith.constant 2 : i32
      %dma_start3A_207 = arith.constant 2000 : i32
      %dma_start3A_208 = tpu.memref_slice %arg13[%dma_start3A_207] : memref<16000xf32, #tpu.memory_space<vmem>> -> memref<1000xf32, #tpu.memory_space<vmem>>
      %dma_start3A_209 = tpu.memref_slice %arg3[%dma_start3A_206, %add3A_22] : memref<16x320000xf32, #tpu.memory_space<hbm>> -> memref<1x1000xf32, #tpu.memory_space<hbm>>
      %dma_start3A_210 = tpu.memref_squeeze %dma_start3A_209 : memref<1x1000xf32, #tpu.memory_space<hbm>> -> memref<1000xf32, #tpu.memory_space<hbm>>
      %dma_start3A_211 = arith.constant 2000 : i32
      %dma_start3A_212 = tpu.memref_slice %arg13[%dma_start3A_211] : memref<16000xf32, #tpu.memory_space<vmem>> -> memref<1000xf32, #tpu.memory_space<vmem>>
      %dma_start3A_213 = tpu.memref_slice %arg3[%dma_start3A_206, %add3A_22] : memref<16x320000xf32, #tpu.memory_space<hbm>> -> memref<1x1000xf32, #tpu.memory_space<hbm>>
      %dma_start3A_214 = tpu.memref_squeeze %dma_start3A_213 : memref<1x1000xf32, #tpu.memory_space<hbm>> -> memref<1000xf32, #tpu.memory_space<hbm>>
      tpu.enqueue_dma source(%dma_start3A_214 : memref<1000xf32, #tpu.memory_space<hbm>>) target(%dma_start3A_212 : memref<1000xf32, #tpu.memory_space<vmem>>) target_semaphore(%arg21 : memref<!tpu.dma_semaphore, #tpu.memory_space<semaphore_mem>>)
      %dma_start3A_215 = arith.constant 3 : i32
      %dma_start3A_216 = arith.constant 3000 : i32
      %dma_start3A_217 = tpu.memref_slice %arg13[%dma_start3A_216] : memref<16000xf32, #tpu.memory_space<vmem>> -> memref<1000xf32, #tpu.memory_space<vmem>>
      %dma_start3A_218 = tpu.memref_slice %arg3[%dma_start3A_215, %add3A_22] : memref<16x320000xf32, #tpu.memory_space<hbm>> -> memref<1x1000xf32, #tpu.memory_space<hbm>>
      %dma_start3A_219 = tpu.memref_squeeze %dma_start3A_218 : memref<1x1000xf32, #tpu.memory_space<hbm>> -> memref<1000xf32, #tpu.memory_space<hbm>>
      %dma_start3A_220 = arith.constant 3000 : i32
      %dma_start3A_221 = tpu.memref_slice %arg13[%dma_start3A_220] : memref<16000xf32, #tpu.memory_space<vmem>> -> memref<1000xf32, #tpu.memory_space<vmem>>
      %dma_start3A_222 = tpu.memref_slice %arg3[%dma_start3A_215, %add3A_22] : memref<16x320000xf32, #tpu.memory_space<hbm>> -> memref<1x1000xf32, #tpu.memory_space<hbm>>
      %dma_start3A_223 = tpu.memref_squeeze %dma_start3A_222 : memref<1x1000xf32, #tpu.memory_space<hbm>> -> memref<1000xf32, #tpu.memory_space<hbm>>
      tpu.enqueue_dma source(%dma_start3A_223 : memref<1000xf32, #tpu.memory_space<hbm>>) target(%dma_start3A_221 : memref<1000xf32, #tpu.memory_space<vmem>>) target_semaphore(%arg21 : memref<!tpu.dma_semaphore, #tpu.memory_space<semaphore_mem>>)
      %dma_start3A_224 = arith.constant 4 : i32
      %dma_start3A_225 = arith.constant 4000 : i32
      %dma_start3A_226 = tpu.memref_slice %arg13[%dma_start3A_225] : memref<16000xf32, #tpu.memory_space<vmem>> -> memref<1000xf32, #tpu.memory_space<vmem>>
      %dma_start3A_227 = tpu.memref_slice %arg3[%dma_start3A_224, %add3A_22] : memref<16x320000xf32, #tpu.memory_space<hbm>> -> memref<1x1000xf32, #tpu.memory_space<hbm>>
      %dma_start3A_228 = tpu.memref_squeeze %dma_start3A_227 : memref<1x1000xf32, #tpu.memory_space<hbm>> -> memref<1000xf32, #tpu.memory_space<hbm>>
      %dma_start3A_229 = arith.constant 4000 : i32
      %dma_start3A_230 = tpu.memref_slice %arg13[%dma_start3A_229] : memref<16000xf32, #tpu.memory_space<vmem>> -> memref<1000xf32, #tpu.memory_space<vmem>>
      %dma_start3A_231 = tpu.memref_slice %arg3[%dma_start3A_224, %add3A_22] : memref<16x320000xf32, #tpu.memory_space<hbm>> -> memref<1x1000xf32, #tpu.memory_space<hbm>>
      %dma_start3A_232 = tpu.memref_squeeze %dma_start3A_231 : memref<1x1000xf32, #tpu.memory_space<hbm>> -> memref<1000xf32, #tpu.memory_space<hbm>>
      tpu.enqueue_dma source(%dma_start3A_232 : memref<1000xf32, #tpu.memory_space<hbm>>) target(%dma_start3A_230 : memref<1000xf32, #tpu.memory_space<vmem>>) target_semaphore(%arg21 : memref<!tpu.dma_semaphore, #tpu.memory_space<semaphore_mem>>)
      %dma_start3A_233 = arith.constant 5 : i32
      %dma_start3A_234 = arith.constant 5000 : i32
      %dma_start3A_235 = tpu.memref_slice %arg13[%dma_start3A_234] : memref<16000xf32, #tpu.memory_space<vmem>> -> memref<1000xf32, #tpu.memory_space<vmem>>
      %dma_start3A_236 = tpu.memref_slice %arg3[%dma_start3A_233, %add3A_22] : memref<16x320000xf32, #tpu.memory_space<hbm>> -> memref<1x1000xf32, #tpu.memory_space<hbm>>
      %dma_start3A_237 = tpu.memref_squeeze %dma_start3A_236 : memref<1x1000xf32, #tpu.memory_space<hbm>> -> memref<1000xf32, #tpu.memory_space<hbm>>
      %dma_start3A_238 = arith.constant 5000 : i32
      %dma_start3A_239 = tpu.memref_slice %arg13[%dma_start3A_238] : memref<16000xf32, #tpu.memory_space<vmem>> -> memref<1000xf32, #tpu.memory_space<vmem>>
      %dma_start3A_240 = tpu.memref_slice %arg3[%dma_start3A_233, %add3A_22] : memref<16x320000xf32, #tpu.memory_space<hbm>> -> memref<1x1000xf32, #tpu.memory_space<hbm>>
      %dma_start3A_241 = tpu.memref_squeeze %dma_start3A_240 : memref<1x1000xf32, #tpu.memory_space<hbm>> -> memref<1000xf32, #tpu.memory_space<hbm>>
      tpu.enqueue_dma source(%dma_start3A_241 : memref<1000xf32, #tpu.memory_space<hbm>>) target(%dma_start3A_239 : memref<1000xf32, #tpu.memory_space<vmem>>) target_semaphore(%arg21 : memref<!tpu.dma_semaphore, #tpu.memory_space<semaphore_mem>>)
      %dma_start3A_242 = arith.constant 6 : i32
      %dma_start3A_243 = arith.constant 6000 : i32
      %dma_start3A_244 = tpu.memref_slice %arg13[%dma_start3A_243] : memref<16000xf32, #tpu.memory_space<vmem>> -> memref<1000xf32, #tpu.memory_space<vmem>>
      %dma_start3A_245 = tpu.memref_slice %arg3[%dma_start3A_242, %add3A_22] : memref<16x320000xf32, #tpu.memory_space<hbm>> -> memref<1x1000xf32, #tpu.memory_space<hbm>>
      %dma_start3A_246 = tpu.memref_squeeze %dma_start3A_245 : memref<1x1000xf32, #tpu.memory_space<hbm>> -> memref<1000xf32, #tpu.memory_space<hbm>>
      %dma_start3A_247 = arith.constant 6000 : i32
      %dma_start3A_248 = tpu.memref_slice %arg13[%dma_start3A_247] : memref<16000xf32, #tpu.memory_space<vmem>> -> memref<1000xf32, #tpu.memory_space<vmem>>
      %dma_start3A_249 = tpu.memref_slice %arg3[%dma_start3A_242, %add3A_22] : memref<16x320000xf32, #tpu.memory_space<hbm>> -> memref<1x1000xf32, #tpu.memory_space<hbm>>
      %dma_start3A_250 = tpu.memref_squeeze %dma_start3A_249 : memref<1x1000xf32, #tpu.memory_space<hbm>> -> memref<1000xf32, #tpu.memory_space<hbm>>
      tpu.enqueue_dma source(%dma_start3A_250 : memref<1000xf32, #tpu.memory_space<hbm>>) target(%dma_start3A_248 : memref<1000xf32, #tpu.memory_space<vmem>>) target_semaphore(%arg21 : memref<!tpu.dma_semaphore, #tpu.memory_space<semaphore_mem>>)
      %dma_start3A_251 = arith.constant 7 : i32
      %dma_start3A_252 = arith.constant 7000 : i32
      %dma_start3A_253 = tpu.memref_slice %arg13[%dma_start3A_252] : memref<16000xf32, #tpu.memory_space<vmem>> -> memref<1000xf32, #tpu.memory_space<vmem>>
      %dma_start3A_254 = tpu.memref_slice %arg3[%dma_start3A_251, %add3A_22] : memref<16x320000xf32, #tpu.memory_space<hbm>> -> memref<1x1000xf32, #tpu.memory_space<hbm>>
      %dma_start3A_255 = tpu.memref_squeeze %dma_start3A_254 : memref<1x1000xf32, #tpu.memory_space<hbm>> -> memref<1000xf32, #tpu.memory_space<hbm>>
      %dma_start3A_256 = arith.constant 7000 : i32
      %dma_start3A_257 = tpu.memref_slice %arg13[%dma_start3A_256] : memref<16000xf32, #tpu.memory_space<vmem>> -> memref<1000xf32, #tpu.memory_space<vmem>>
      %dma_start3A_258 = tpu.memref_slice %arg3[%dma_start3A_251, %add3A_22] : memref<16x320000xf32, #tpu.memory_space<hbm>> -> memref<1x1000xf32, #tpu.memory_space<hbm>>
      %dma_start3A_259 = tpu.memref_squeeze %dma_start3A_258 : memref<1x1000xf32, #tpu.memory_space<hbm>> -> memref<1000xf32, #tpu.memory_space<hbm>>
      tpu.enqueue_dma source(%dma_start3A_259 : memref<1000xf32, #tpu.memory_space<hbm>>) target(%dma_start3A_257 : memref<1000xf32, #tpu.memory_space<vmem>>) target_semaphore(%arg21 : memref<!tpu.dma_semaphore, #tpu.memory_space<semaphore_mem>>)
      %dma_start3A_260 = arith.constant 8 : i32
      %dma_start3A_261 = arith.constant 8000 : i32
      %dma_start3A_262 = tpu.memref_slice %arg13[%dma_start3A_261] : memref<16000xf32, #tpu.memory_space<vmem>> -> memref<1000xf32, #tpu.memory_space<vmem>>
      %dma_start3A_263 = tpu.memref_slice %arg3[%dma_start3A_260, %add3A_22] : memref<16x320000xf32, #tpu.memory_space<hbm>> -> memref<1x1000xf32, #tpu.memory_space<hbm>>
      %dma_start3A_264 = tpu.memref_squeeze %dma_start3A_263 : memref<1x1000xf32, #tpu.memory_space<hbm>> -> memref<1000xf32, #tpu.memory_space<hbm>>
      %dma_start3A_265 = arith.constant 8000 : i32
      %dma_start3A_266 = tpu.memref_slice %arg13[%dma_start3A_265] : memref<16000xf32, #tpu.memory_space<vmem>> -> memref<1000xf32, #tpu.memory_space<vmem>>
      %dma_start3A_267 = tpu.memref_slice %arg3[%dma_start3A_260, %add3A_22] : memref<16x320000xf32, #tpu.memory_space<hbm>> -> memref<1x1000xf32, #tpu.memory_space<hbm>>
      %dma_start3A_268 = tpu.memref_squeeze %dma_start3A_267 : memref<1x1000xf32, #tpu.memory_space<hbm>> -> memref<1000xf32, #tpu.memory_space<hbm>>
      tpu.enqueue_dma source(%dma_start3A_268 : memref<1000xf32, #tpu.memory_space<hbm>>) target(%dma_start3A_266 : memref<1000xf32, #tpu.memory_space<vmem>>) target_semaphore(%arg21 : memref<!tpu.dma_semaphore, #tpu.memory_space<semaphore_mem>>)
      %dma_start3A_269 = arith.constant 9 : i32
      %dma_start3A_270 = arith.constant 9000 : i32
      %dma_start3A_271 = tpu.memref_slice %arg13[%dma_start3A_270] : memref<16000xf32, #tpu.memory_space<vmem>> -> memref<1000xf32, #tpu.memory_space<vmem>>
      %dma_start3A_272 = tpu.memref_slice %arg3[%dma_start3A_269, %add3A_22] : memref<16x320000xf32, #tpu.memory_space<hbm>> -> memref<1x1000xf32, #tpu.memory_space<hbm>>
      %dma_start3A_273 = tpu.memref_squeeze %dma_start3A_272 : memref<1x1000xf32, #tpu.memory_space<hbm>> -> memref<1000xf32, #tpu.memory_space<hbm>>
      %dma_start3A_274 = arith.constant 9000 : i32
      %dma_start3A_275 = tpu.memref_slice %arg13[%dma_start3A_274] : memref<16000xf32, #tpu.memory_space<vmem>> -> memref<1000xf32, #tpu.memory_space<vmem>>
      %dma_start3A_276 = tpu.memref_slice %arg3[%dma_start3A_269, %add3A_22] : memref<16x320000xf32, #tpu.memory_space<hbm>> -> memref<1x1000xf32, #tpu.memory_space<hbm>>
      %dma_start3A_277 = tpu.memref_squeeze %dma_start3A_276 : memref<1x1000xf32, #tpu.memory_space<hbm>> -> memref<1000xf32, #tpu.memory_space<hbm>>
      tpu.enqueue_dma source(%dma_start3A_277 : memref<1000xf32, #tpu.memory_space<hbm>>) target(%dma_start3A_275 : memref<1000xf32, #tpu.memory_space<vmem>>) target_semaphore(%arg21 : memref<!tpu.dma_semaphore, #tpu.memory_space<semaphore_mem>>)
      %dma_start3A_278 = arith.constant 10 : i32
      %dma_start3A_279 = arith.constant 10000 : i32
      %dma_start3A_280 = tpu.memref_slice %arg13[%dma_start3A_279] : memref<16000xf32, #tpu.memory_space<vmem>> -> memref<1000xf32, #tpu.memory_space<vmem>>
      %dma_start3A_281 = tpu.memref_slice %arg3[%dma_start3A_278, %add3A_22] : memref<16x320000xf32, #tpu.memory_space<hbm>> -> memref<1x1000xf32, #tpu.memory_space<hbm>>
      %dma_start3A_282 = tpu.memref_squeeze %dma_start3A_281 : memref<1x1000xf32, #tpu.memory_space<hbm>> -> memref<1000xf32, #tpu.memory_space<hbm>>
      %dma_start3A_283 = arith.constant 10000 : i32
      %dma_start3A_284 = tpu.memref_slice %arg13[%dma_start3A_283] : memref<16000xf32, #tpu.memory_space<vmem>> -> memref<1000xf32, #tpu.memory_space<vmem>>
      %dma_start3A_285 = tpu.memref_slice %arg3[%dma_start3A_278, %add3A_22] : memref<16x320000xf32, #tpu.memory_space<hbm>> -> memref<1x1000xf32, #tpu.memory_space<hbm>>
      %dma_start3A_286 = tpu.memref_squeeze %dma_start3A_285 : memref<1x1000xf32, #tpu.memory_space<hbm>> -> memref<1000xf32, #tpu.memory_space<hbm>>
      tpu.enqueue_dma source(%dma_start3A_286 : memref<1000xf32, #tpu.memory_space<hbm>>) target(%dma_start3A_284 : memref<1000xf32, #tpu.memory_space<vmem>>) target_semaphore(%arg21 : memref<!tpu.dma_semaphore, #tpu.memory_space<semaphore_mem>>)
      %dma_start3A_287 = arith.constant 11 : i32
      %dma_start3A_288 = arith.constant 11000 : i32
      %dma_start3A_289 = tpu.memref_slice %arg13[%dma_start3A_288] : memref<16000xf32, #tpu.memory_space<vmem>> -> memref<1000xf32, #tpu.memory_space<vmem>>
      %dma_start3A_290 = tpu.memref_slice %arg3[%dma_start3A_287, %add3A_22] : memref<16x320000xf32, #tpu.memory_space<hbm>> -> memref<1x1000xf32, #tpu.memory_space<hbm>>
      %dma_start3A_291 = tpu.memref_squeeze %dma_start3A_290 : memref<1x1000xf32, #tpu.memory_space<hbm>> -> memref<1000xf32, #tpu.memory_space<hbm>>
      %dma_start3A_292 = arith.constant 11000 : i32
      %dma_start3A_293 = tpu.memref_slice %arg13[%dma_start3A_292] : memref<16000xf32, #tpu.memory_space<vmem>> -> memref<1000xf32, #tpu.memory_space<vmem>>
      %dma_start3A_294 = tpu.memref_slice %arg3[%dma_start3A_287, %add3A_22] : memref<16x320000xf32, #tpu.memory_space<hbm>> -> memref<1x1000xf32, #tpu.memory_space<hbm>>
      %dma_start3A_295 = tpu.memref_squeeze %dma_start3A_294 : memref<1x1000xf32, #tpu.memory_space<hbm>> -> memref<1000xf32, #tpu.memory_space<hbm>>
      tpu.enqueue_dma source(%dma_start3A_295 : memref<1000xf32, #tpu.memory_space<hbm>>) target(%dma_start3A_293 : memref<1000xf32, #tpu.memory_space<vmem>>) target_semaphore(%arg21 : memref<!tpu.dma_semaphore, #tpu.memory_space<semaphore_mem>>)
      %dma_start3A_296 = arith.constant 12 : i32
      %dma_start3A_297 = arith.constant 12000 : i32
      %dma_start3A_298 = tpu.memref_slice %arg13[%dma_start3A_297] : memref<16000xf32, #tpu.memory_space<vmem>> -> memref<1000xf32, #tpu.memory_space<vmem>>
      %dma_start3A_299 = tpu.memref_slice %arg3[%dma_start3A_296, %add3A_22] : memref<16x320000xf32, #tpu.memory_space<hbm>> -> memref<1x1000xf32, #tpu.memory_space<hbm>>
      %dma_start3A_300 = tpu.memref_squeeze %dma_start3A_299 : memref<1x1000xf32, #tpu.memory_space<hbm>> -> memref<1000xf32, #tpu.memory_space<hbm>>
      %dma_start3A_301 = arith.constant 12000 : i32
      %dma_start3A_302 = tpu.memref_slice %arg13[%dma_start3A_301] : memref<16000xf32, #tpu.memory_space<vmem>> -> memref<1000xf32, #tpu.memory_space<vmem>>
      %dma_start3A_303 = tpu.memref_slice %arg3[%dma_start3A_296, %add3A_22] : memref<16x320000xf32, #tpu.memory_space<hbm>> -> memref<1x1000xf32, #tpu.memory_space<hbm>>
      %dma_start3A_304 = tpu.memref_squeeze %dma_start3A_303 : memref<1x1000xf32, #tpu.memory_space<hbm>> -> memref<1000xf32, #tpu.memory_space<hbm>>
      tpu.enqueue_dma source(%dma_start3A_304 : memref<1000xf32, #tpu.memory_space<hbm>>) target(%dma_start3A_302 : memref<1000xf32, #tpu.memory_space<vmem>>) target_semaphore(%arg21 : memref<!tpu.dma_semaphore, #tpu.memory_space<semaphore_mem>>)
      %dma_start3A_305 = arith.constant 13 : i32
      %dma_start3A_306 = arith.constant 13000 : i32
      %dma_start3A_307 = tpu.memref_slice %arg13[%dma_start3A_306] : memref<16000xf32, #tpu.memory_space<vmem>> -> memref<1000xf32, #tpu.memory_space<vmem>>
      %dma_start3A_308 = tpu.memref_slice %arg3[%dma_start3A_305, %add3A_22] : memref<16x320000xf32, #tpu.memory_space<hbm>> -> memref<1x1000xf32, #tpu.memory_space<hbm>>
      %dma_start3A_309 = tpu.memref_squeeze %dma_start3A_308 : memref<1x1000xf32, #tpu.memory_space<hbm>> -> memref<1000xf32, #tpu.memory_space<hbm>>
      %dma_start3A_310 = arith.constant 13000 : i32
      %dma_start3A_311 = tpu.memref_slice %arg13[%dma_start3A_310] : memref<16000xf32, #tpu.memory_space<vmem>> -> memref<1000xf32, #tpu.memory_space<vmem>>
      %dma_start3A_312 = tpu.memref_slice %arg3[%dma_start3A_305, %add3A_22] : memref<16x320000xf32, #tpu.memory_space<hbm>> -> memref<1x1000xf32, #tpu.memory_space<hbm>>
      %dma_start3A_313 = tpu.memref_squeeze %dma_start3A_312 : memref<1x1000xf32, #tpu.memory_space<hbm>> -> memref<1000xf32, #tpu.memory_space<hbm>>
      tpu.enqueue_dma source(%dma_start3A_313 : memref<1000xf32, #tpu.memory_space<hbm>>) target(%dma_start3A_311 : memref<1000xf32, #tpu.memory_space<vmem>>) target_semaphore(%arg21 : memref<!tpu.dma_semaphore, #tpu.memory_space<semaphore_mem>>)
      %dma_start3A_314 = arith.constant 14 : i32
      %dma_start3A_315 = arith.constant 14000 : i32
      %dma_start3A_316 = tpu.memref_slice %arg13[%dma_start3A_315] : memref<16000xf32, #tpu.memory_space<vmem>> -> memref<1000xf32, #tpu.memory_space<vmem>>
      %dma_start3A_317 = tpu.memref_slice %arg3[%dma_start3A_314, %add3A_22] : memref<16x320000xf32, #tpu.memory_space<hbm>> -> memref<1x1000xf32, #tpu.memory_space<hbm>>
      %dma_start3A_318 = tpu.memref_squeeze %dma_start3A_317 : memref<1x1000xf32, #tpu.memory_space<hbm>> -> memref<1000xf32, #tpu.memory_space<hbm>>
      %dma_start3A_319 = arith.constant 14000 : i32
      %dma_start3A_320 = tpu.memref_slice %arg13[%dma_start3A_319] : memref<16000xf32, #tpu.memory_space<vmem>> -> memref<1000xf32, #tpu.memory_space<vmem>>
      %dma_start3A_321 = tpu.memref_slice %arg3[%dma_start3A_314, %add3A_22] : memref<16x320000xf32, #tpu.memory_space<hbm>> -> memref<1x1000xf32, #tpu.memory_space<hbm>>
      %dma_start3A_322 = tpu.memref_squeeze %dma_start3A_321 : memref<1x1000xf32, #tpu.memory_space<hbm>> -> memref<1000xf32, #tpu.memory_space<hbm>>
      tpu.enqueue_dma source(%dma_start3A_322 : memref<1000xf32, #tpu.memory_space<hbm>>) target(%dma_start3A_320 : memref<1000xf32, #tpu.memory_space<vmem>>) target_semaphore(%arg21 : memref<!tpu.dma_semaphore, #tpu.memory_space<semaphore_mem>>)
      %dma_start3A_323 = arith.constant 15 : i32
      %dma_start3A_324 = arith.constant 15000 : i32
      %dma_start3A_325 = tpu.memref_slice %arg13[%dma_start3A_324] : memref<16000xf32, #tpu.memory_space<vmem>> -> memref<1000xf32, #tpu.memory_space<vmem>>
      %dma_start3A_326 = tpu.memref_slice %arg3[%dma_start3A_323, %add3A_22] : memref<16x320000xf32, #tpu.memory_space<hbm>> -> memref<1x1000xf32, #tpu.memory_space<hbm>>
      %dma_start3A_327 = tpu.memref_squeeze %dma_start3A_326 : memref<1x1000xf32, #tpu.memory_space<hbm>> -> memref<1000xf32, #tpu.memory_space<hbm>>
      %dma_start3A_328 = arith.constant 15000 : i32
      %dma_start3A_329 = tpu.memref_slice %arg13[%dma_start3A_328] : memref<16000xf32, #tpu.memory_space<vmem>> -> memref<1000xf32, #tpu.memory_space<vmem>>
      %dma_start3A_330 = tpu.memref_slice %arg3[%dma_start3A_323, %add3A_22] : memref<16x320000xf32, #tpu.memory_space<hbm>> -> memref<1x1000xf32, #tpu.memory_space<hbm>>
      %dma_start3A_331 = tpu.memref_squeeze %dma_start3A_330 : memref<1x1000xf32, #tpu.memory_space<hbm>> -> memref<1000xf32, #tpu.memory_space<hbm>>
      tpu.enqueue_dma source(%dma_start3A_331 : memref<1000xf32, #tpu.memory_space<hbm>>) target(%dma_start3A_329 : memref<1000xf32, #tpu.memory_space<vmem>>) target_semaphore(%arg21 : memref<!tpu.dma_semaphore, #tpu.memory_space<semaphore_mem>>)
      %dma_wait3A = arith.constant 0 : i32
      %dma_wait3A_332 = arith.constant 0 : i32
      %dma_wait3A_333 = arith.constant 0 : i32
      %dma_wait3A_334 = tpu.memref_slice %arg14[%dma_wait3A_332, %dma_wait3A_333] : memref<1000x16xf32, #tpu.memory_space<vmem>> -> memref<125x16xf32, #tpu.memory_space<vmem>>
      %dma_wait3A_335 = arith.constant 0 : i32
      %dma_wait3A_336 = tpu.memref_slice %arg11[%dma_wait3A, %dma_wait3A_335] : memref<8x125xi32, #tpu.memory_space<vmem>> -> memref<1x125xi32, #tpu.memory_space<vmem>>
      %dma_wait3A_337 = tpu.memref_squeeze %dma_wait3A_336 : memref<1x125xi32, #tpu.memory_space<vmem>> -> memref<125xi32, #tpu.memory_space<vmem>>
      %dma_wait3A_338 = arith.constant 0 : i32
      %dma_wait3A_339 = arith.constant 0 : i32
      %dma_wait3A_340 = tpu.memref_slice %arg4[%dma_wait3A_338, %dma_wait3A_339] : memref<10000x16xf32, #tpu.memory_space<hbm>> -> memref<10000x16xf32, #tpu.memory_space<hbm>>
      tpu.wait_indirect_dma semaphore(%arg21 : memref<!tpu.dma_semaphore, #tpu.memory_space<semaphore_mem>>) src(%dma_wait3A_340 : memref<10000x16xf32, #tpu.memory_space<hbm>>) dst(%dma_wait3A_334 : memref<125x16xf32, #tpu.memory_space<vmem>>)
      %dma_wait3A_341 = arith.constant 0 : i32
      %dma_wait3A_342 = arith.constant 0 : i32
      %dma_wait3A_343 = arith.constant 0 : i32
      %dma_wait3A_344 = tpu.memref_slice %arg15[%dma_wait3A_342, %dma_wait3A_343] : memref<1000x16xf32, #tpu.memory_space<vmem>> -> memref<125x16xf32, #tpu.memory_space<vmem>>
      %dma_wait3A_345 = arith.constant 0 : i32
      %dma_wait3A_346 = tpu.memref_slice %arg12[%dma_wait3A_341, %dma_wait3A_345] : memref<8x125xi32, #tpu.memory_space<vmem>> -> memref<1x125xi32, #tpu.memory_space<vmem>>
      %dma_wait3A_347 = tpu.memref_squeeze %dma_wait3A_346 : memref<1x125xi32, #tpu.memory_space<vmem>> -> memref<125xi32, #tpu.memory_space<vmem>>
      %dma_wait3A_348 = arith.constant 0 : i32
      %dma_wait3A_349 = arith.constant 0 : i32
      %dma_wait3A_350 = tpu.memref_slice %arg5[%dma_wait3A_348, %dma_wait3A_349] : memref<10000x16xf32, #tpu.memory_space<hbm>> -> memref<10000x16xf32, #tpu.memory_space<hbm>>
      tpu.wait_indirect_dma semaphore(%arg22 : memref<!tpu.dma_semaphore, #tpu.memory_space<semaphore_mem>>) src(%dma_wait3A_350 : memref<10000x16xf32, #tpu.memory_space<hbm>>) dst(%dma_wait3A_344 : memref<125x16xf32, #tpu.memory_space<vmem>>)
      %dma_wait3A_351 = arith.constant 1 : i32
      %dma_wait3A_352 = arith.constant 125 : i32
      %dma_wait3A_353 = arith.constant 0 : i32
      %dma_wait3A_354 = tpu.memref_slice %arg14[%dma_wait3A_352, %dma_wait3A_353] : memref<1000x16xf32, #tpu.memory_space<vmem>> -> memref<125x16xf32, #tpu.memory_space<vmem>>
      %dma_wait3A_355 = arith.constant 0 : i32
      %dma_wait3A_356 = tpu.memref_slice %arg11[%dma_wait3A_351, %dma_wait3A_355] : memref<8x125xi32, #tpu.memory_space<vmem>> -> memref<1x125xi32, #tpu.memory_space<vmem>>
      %dma_wait3A_357 = tpu.memref_squeeze %dma_wait3A_356 : memref<1x125xi32, #tpu.memory_space<vmem>> -> memref<125xi32, #tpu.memory_space<vmem>>
      %dma_wait3A_358 = arith.constant 0 : i32
      %dma_wait3A_359 = arith.constant 0 : i32
      %dma_wait3A_360 = tpu.memref_slice %arg4[%dma_wait3A_358, %dma_wait3A_359] : memref<10000x16xf32, #tpu.memory_space<hbm>> -> memref<10000x16xf32, #tpu.memory_space<hbm>>
      tpu.wait_indirect_dma semaphore(%arg21 : memref<!tpu.dma_semaphore, #tpu.memory_space<semaphore_mem>>) src(%dma_wait3A_360 : memref<10000x16xf32, #tpu.memory_space<hbm>>) dst(%dma_wait3A_354 : memref<125x16xf32, #tpu.memory_space<vmem>>)
      %dma_wait3A_361 = arith.constant 1 : i32
      %dma_wait3A_362 = arith.constant 125 : i32
      %dma_wait3A_363 = arith.constant 0 : i32
      %dma_wait3A_364 = tpu.memref_slice %arg15[%dma_wait3A_362, %dma_wait3A_363] : memref<1000x16xf32, #tpu.memory_space<vmem>> -> memref<125x16xf32, #tpu.memory_space<vmem>>
      %dma_wait3A_365 = arith.constant 0 : i32
      %dma_wait3A_366 = tpu.memref_slice %arg12[%dma_wait3A_361, %dma_wait3A_365] : memref<8x125xi32, #tpu.memory_space<vmem>> -> memref<1x125xi32, #tpu.memory_space<vmem>>
      %dma_wait3A_367 = tpu.memref_squeeze %dma_wait3A_366 : memref<1x125xi32, #tpu.memory_space<vmem>> -> memref<125xi32, #tpu.memory_space<vmem>>
      %dma_wait3A_368 = arith.constant 0 : i32
      %dma_wait3A_369 = arith.constant 0 : i32
      %dma_wait3A_370 = tpu.memref_slice %arg5[%dma_wait3A_368, %dma_wait3A_369] : memref<10000x16xf32, #tpu.memory_space<hbm>> -> memref<10000x16xf32, #tpu.memory_space<hbm>>
      tpu.wait_indirect_dma semaphore(%arg22 : memref<!tpu.dma_semaphore, #tpu.memory_space<semaphore_mem>>) src(%dma_wait3A_370 : memref<10000x16xf32, #tpu.memory_space<hbm>>) dst(%dma_wait3A_364 : memref<125x16xf32, #tpu.memory_space<vmem>>)
      %dma_wait3A_371 = arith.constant 2 : i32
      %dma_wait3A_372 = arith.constant 250 : i32
      %dma_wait3A_373 = arith.constant 0 : i32
      %dma_wait3A_374 = tpu.memref_slice %arg14[%dma_wait3A_372, %dma_wait3A_373] : memref<1000x16xf32, #tpu.memory_space<vmem>> -> memref<125x16xf32, #tpu.memory_space<vmem>>
      %dma_wait3A_375 = arith.constant 0 : i32
      %dma_wait3A_376 = tpu.memref_slice %arg11[%dma_wait3A_371, %dma_wait3A_375] : memref<8x125xi32, #tpu.memory_space<vmem>> -> memref<1x125xi32, #tpu.memory_space<vmem>>
      %dma_wait3A_377 = tpu.memref_squeeze %dma_wait3A_376 : memref<1x125xi32, #tpu.memory_space<vmem>> -> memref<125xi32, #tpu.memory_space<vmem>>
      %dma_wait3A_378 = arith.constant 0 : i32
      %dma_wait3A_379 = arith.constant 0 : i32
      %dma_wait3A_380 = tpu.memref_slice %arg4[%dma_wait3A_378, %dma_wait3A_379] : memref<10000x16xf32, #tpu.memory_space<hbm>> -> memref<10000x16xf32, #tpu.memory_space<hbm>>
      tpu.wait_indirect_dma semaphore(%arg21 : memref<!tpu.dma_semaphore, #tpu.memory_space<semaphore_mem>>) src(%dma_wait3A_380 : memref<10000x16xf32, #tpu.memory_space<hbm>>) dst(%dma_wait3A_374 : memref<125x16xf32, #tpu.memory_space<vmem>>)
      %dma_wait3A_381 = arith.constant 2 : i32
      %dma_wait3A_382 = arith.constant 250 : i32
      %dma_wait3A_383 = arith.constant 0 : i32
      %dma_wait3A_384 = tpu.memref_slice %arg15[%dma_wait3A_382, %dma_wait3A_383] : memref<1000x16xf32, #tpu.memory_space<vmem>> -> memref<125x16xf32, #tpu.memory_space<vmem>>
      %dma_wait3A_385 = arith.constant 0 : i32
      %dma_wait3A_386 = tpu.memref_slice %arg12[%dma_wait3A_381, %dma_wait3A_385] : memref<8x125xi32, #tpu.memory_space<vmem>> -> memref<1x125xi32, #tpu.memory_space<vmem>>
      %dma_wait3A_387 = tpu.memref_squeeze %dma_wait3A_386 : memref<1x125xi32, #tpu.memory_space<vmem>> -> memref<125xi32, #tpu.memory_space<vmem>>
      %dma_wait3A_388 = arith.constant 0 : i32
      %dma_wait3A_389 = arith.constant 0 : i32
      %dma_wait3A_390 = tpu.memref_slice %arg5[%dma_wait3A_388, %dma_wait3A_389] : memref<10000x16xf32, #tpu.memory_space<hbm>> -> memref<10000x16xf32, #tpu.memory_space<hbm>>
      tpu.wait_indirect_dma semaphore(%arg22 : memref<!tpu.dma_semaphore, #tpu.memory_space<semaphore_mem>>) src(%dma_wait3A_390 : memref<10000x16xf32, #tpu.memory_space<hbm>>) dst(%dma_wait3A_384 : memref<125x16xf32, #tpu.memory_space<vmem>>)
      %dma_wait3A_391 = arith.constant 3 : i32
      %dma_wait3A_392 = arith.constant 375 : i32
      %dma_wait3A_393 = arith.constant 0 : i32
      %dma_wait3A_394 = tpu.memref_slice %arg14[%dma_wait3A_392, %dma_wait3A_393] : memref<1000x16xf32, #tpu.memory_space<vmem>> -> memref<125x16xf32, #tpu.memory_space<vmem>>
      %dma_wait3A_395 = arith.constant 0 : i32
      %dma_wait3A_396 = tpu.memref_slice %arg11[%dma_wait3A_391, %dma_wait3A_395] : memref<8x125xi32, #tpu.memory_space<vmem>> -> memref<1x125xi32, #tpu.memory_space<vmem>>
      %dma_wait3A_397 = tpu.memref_squeeze %dma_wait3A_396 : memref<1x125xi32, #tpu.memory_space<vmem>> -> memref<125xi32, #tpu.memory_space<vmem>>
      %dma_wait3A_398 = arith.constant 0 : i32
      %dma_wait3A_399 = arith.constant 0 : i32
      %dma_wait3A_400 = tpu.memref_slice %arg4[%dma_wait3A_398, %dma_wait3A_399] : memref<10000x16xf32, #tpu.memory_space<hbm>> -> memref<10000x16xf32, #tpu.memory_space<hbm>>
      tpu.wait_indirect_dma semaphore(%arg21 : memref<!tpu.dma_semaphore, #tpu.memory_space<semaphore_mem>>) src(%dma_wait3A_400 : memref<10000x16xf32, #tpu.memory_space<hbm>>) dst(%dma_wait3A_394 : memref<125x16xf32, #tpu.memory_space<vmem>>)
      %dma_wait3A_401 = arith.constant 3 : i32
      %dma_wait3A_402 = arith.constant 375 : i32
      %dma_wait3A_403 = arith.constant 0 : i32
      %dma_wait3A_404 = tpu.memref_slice %arg15[%dma_wait3A_402, %dma_wait3A_403] : memref<1000x16xf32, #tpu.memory_space<vmem>> -> memref<125x16xf32, #tpu.memory_space<vmem>>
      %dma_wait3A_405 = arith.constant 0 : i32
      %dma_wait3A_406 = tpu.memref_slice %arg12[%dma_wait3A_401, %dma_wait3A_405] : memref<8x125xi32, #tpu.memory_space<vmem>> -> memref<1x125xi32, #tpu.memory_space<vmem>>
      %dma_wait3A_407 = tpu.memref_squeeze %dma_wait3A_406 : memref<1x125xi32, #tpu.memory_space<vmem>> -> memref<125xi32, #tpu.memory_space<vmem>>
      %dma_wait3A_408 = arith.constant 0 : i32
      %dma_wait3A_409 = arith.constant 0 : i32
      %dma_wait3A_410 = tpu.memref_slice %arg5[%dma_wait3A_408, %dma_wait3A_409] : memref<10000x16xf32, #tpu.memory_space<hbm>> -> memref<10000x16xf32, #tpu.memory_space<hbm>>
      tpu.wait_indirect_dma semaphore(%arg22 : memref<!tpu.dma_semaphore, #tpu.memory_space<semaphore_mem>>) src(%dma_wait3A_410 : memref<10000x16xf32, #tpu.memory_space<hbm>>) dst(%dma_wait3A_404 : memref<125x16xf32, #tpu.memory_space<vmem>>)
      %dma_wait3A_411 = arith.constant 4 : i32
      %dma_wait3A_412 = arith.constant 500 : i32
      %dma_wait3A_413 = arith.constant 0 : i32
      %dma_wait3A_414 = tpu.memref_slice %arg14[%dma_wait3A_412, %dma_wait3A_413] : memref<1000x16xf32, #tpu.memory_space<vmem>> -> memref<125x16xf32, #tpu.memory_space<vmem>>
      %dma_wait3A_415 = arith.constant 0 : i32
      %dma_wait3A_416 = tpu.memref_slice %arg11[%dma_wait3A_411, %dma_wait3A_415] : memref<8x125xi32, #tpu.memory_space<vmem>> -> memref<1x125xi32, #tpu.memory_space<vmem>>
      %dma_wait3A_417 = tpu.memref_squeeze %dma_wait3A_416 : memref<1x125xi32, #tpu.memory_space<vmem>> -> memref<125xi32, #tpu.memory_space<vmem>>
      %dma_wait3A_418 = arith.constant 0 : i32
      %dma_wait3A_419 = arith.constant 0 : i32
      %dma_wait3A_420 = tpu.memref_slice %arg4[%dma_wait3A_418, %dma_wait3A_419] : memref<10000x16xf32, #tpu.memory_space<hbm>> -> memref<10000x16xf32, #tpu.memory_space<hbm>>
      tpu.wait_indirect_dma semaphore(%arg21 : memref<!tpu.dma_semaphore, #tpu.memory_space<semaphore_mem>>) src(%dma_wait3A_420 : memref<10000x16xf32, #tpu.memory_space<hbm>>) dst(%dma_wait3A_414 : memref<125x16xf32, #tpu.memory_space<vmem>>)
      %dma_wait3A_421 = arith.constant 4 : i32
      %dma_wait3A_422 = arith.constant 500 : i32
      %dma_wait3A_423 = arith.constant 0 : i32
      %dma_wait3A_424 = tpu.memref_slice %arg15[%dma_wait3A_422, %dma_wait3A_423] : memref<1000x16xf32, #tpu.memory_space<vmem>> -> memref<125x16xf32, #tpu.memory_space<vmem>>
      %dma_wait3A_425 = arith.constant 0 : i32
      %dma_wait3A_426 = tpu.memref_slice %arg12[%dma_wait3A_421, %dma_wait3A_425] : memref<8x125xi32, #tpu.memory_space<vmem>> -> memref<1x125xi32, #tpu.memory_space<vmem>>
      %dma_wait3A_427 = tpu.memref_squeeze %dma_wait3A_426 : memref<1x125xi32, #tpu.memory_space<vmem>> -> memref<125xi32, #tpu.memory_space<vmem>>
      %dma_wait3A_428 = arith.constant 0 : i32
      %dma_wait3A_429 = arith.constant 0 : i32
      %dma_wait3A_430 = tpu.memref_slice %arg5[%dma_wait3A_428, %dma_wait3A_429] : memref<10000x16xf32, #tpu.memory_space<hbm>> -> memref<10000x16xf32, #tpu.memory_space<hbm>>
      tpu.wait_indirect_dma semaphore(%arg22 : memref<!tpu.dma_semaphore, #tpu.memory_space<semaphore_mem>>) src(%dma_wait3A_430 : memref<10000x16xf32, #tpu.memory_space<hbm>>) dst(%dma_wait3A_424 : memref<125x16xf32, #tpu.memory_space<vmem>>)
      %dma_wait3A_431 = arith.constant 5 : i32
      %dma_wait3A_432 = arith.constant 625 : i32
      %dma_wait3A_433 = arith.constant 0 : i32
      %dma_wait3A_434 = tpu.memref_slice %arg14[%dma_wait3A_432, %dma_wait3A_433] : memref<1000x16xf32, #tpu.memory_space<vmem>> -> memref<125x16xf32, #tpu.memory_space<vmem>>
      %dma_wait3A_435 = arith.constant 0 : i32
      %dma_wait3A_436 = tpu.memref_slice %arg11[%dma_wait3A_431, %dma_wait3A_435] : memref<8x125xi32, #tpu.memory_space<vmem>> -> memref<1x125xi32, #tpu.memory_space<vmem>>
      %dma_wait3A_437 = tpu.memref_squeeze %dma_wait3A_436 : memref<1x125xi32, #tpu.memory_space<vmem>> -> memref<125xi32, #tpu.memory_space<vmem>>
      %dma_wait3A_438 = arith.constant 0 : i32
      %dma_wait3A_439 = arith.constant 0 : i32
      %dma_wait3A_440 = tpu.memref_slice %arg4[%dma_wait3A_438, %dma_wait3A_439] : memref<10000x16xf32, #tpu.memory_space<hbm>> -> memref<10000x16xf32, #tpu.memory_space<hbm>>
      tpu.wait_indirect_dma semaphore(%arg21 : memref<!tpu.dma_semaphore, #tpu.memory_space<semaphore_mem>>) src(%dma_wait3A_440 : memref<10000x16xf32, #tpu.memory_space<hbm>>) dst(%dma_wait3A_434 : memref<125x16xf32, #tpu.memory_space<vmem>>)
      %dma_wait3A_441 = arith.constant 5 : i32
      %dma_wait3A_442 = arith.constant 625 : i32
      %dma_wait3A_443 = arith.constant 0 : i32
      %dma_wait3A_444 = tpu.memref_slice %arg15[%dma_wait3A_442, %dma_wait3A_443] : memref<1000x16xf32, #tpu.memory_space<vmem>> -> memref<125x16xf32, #tpu.memory_space<vmem>>
      %dma_wait3A_445 = arith.constant 0 : i32
      %dma_wait3A_446 = tpu.memref_slice %arg12[%dma_wait3A_441, %dma_wait3A_445] : memref<8x125xi32, #tpu.memory_space<vmem>> -> memref<1x125xi32, #tpu.memory_space<vmem>>
      %dma_wait3A_447 = tpu.memref_squeeze %dma_wait3A_446 : memref<1x125xi32, #tpu.memory_space<vmem>> -> memref<125xi32, #tpu.memory_space<vmem>>
      %dma_wait3A_448 = arith.constant 0 : i32
      %dma_wait3A_449 = arith.constant 0 : i32
      %dma_wait3A_450 = tpu.memref_slice %arg5[%dma_wait3A_448, %dma_wait3A_449] : memref<10000x16xf32, #tpu.memory_space<hbm>> -> memref<10000x16xf32, #tpu.memory_space<hbm>>
      tpu.wait_indirect_dma semaphore(%arg22 : memref<!tpu.dma_semaphore, #tpu.memory_space<semaphore_mem>>) src(%dma_wait3A_450 : memref<10000x16xf32, #tpu.memory_space<hbm>>) dst(%dma_wait3A_444 : memref<125x16xf32, #tpu.memory_space<vmem>>)
      %dma_wait3A_451 = arith.constant 6 : i32
      %dma_wait3A_452 = arith.constant 750 : i32
      %dma_wait3A_453 = arith.constant 0 : i32
      %dma_wait3A_454 = tpu.memref_slice %arg14[%dma_wait3A_452, %dma_wait3A_453] : memref<1000x16xf32, #tpu.memory_space<vmem>> -> memref<125x16xf32, #tpu.memory_space<vmem>>
      %dma_wait3A_455 = arith.constant 0 : i32
      %dma_wait3A_456 = tpu.memref_slice %arg11[%dma_wait3A_451, %dma_wait3A_455] : memref<8x125xi32, #tpu.memory_space<vmem>> -> memref<1x125xi32, #tpu.memory_space<vmem>>
      %dma_wait3A_457 = tpu.memref_squeeze %dma_wait3A_456 : memref<1x125xi32, #tpu.memory_space<vmem>> -> memref<125xi32, #tpu.memory_space<vmem>>
      %dma_wait3A_458 = arith.constant 0 : i32
      %dma_wait3A_459 = arith.constant 0 : i32
      %dma_wait3A_460 = tpu.memref_slice %arg4[%dma_wait3A_458, %dma_wait3A_459] : memref<10000x16xf32, #tpu.memory_space<hbm>> -> memref<10000x16xf32, #tpu.memory_space<hbm>>
      tpu.wait_indirect_dma semaphore(%arg21 : memref<!tpu.dma_semaphore, #tpu.memory_space<semaphore_mem>>) src(%dma_wait3A_460 : memref<10000x16xf32, #tpu.memory_space<hbm>>) dst(%dma_wait3A_454 : memref<125x16xf32, #tpu.memory_space<vmem>>)
      %dma_wait3A_461 = arith.constant 6 : i32
      %dma_wait3A_462 = arith.constant 750 : i32
      %dma_wait3A_463 = arith.constant 0 : i32
      %dma_wait3A_464 = tpu.memref_slice %arg15[%dma_wait3A_462, %dma_wait3A_463] : memref<1000x16xf32, #tpu.memory_space<vmem>> -> memref<125x16xf32, #tpu.memory_space<vmem>>
      %dma_wait3A_465 = arith.constant 0 : i32
      %dma_wait3A_466 = tpu.memref_slice %arg12[%dma_wait3A_461, %dma_wait3A_465] : memref<8x125xi32, #tpu.memory_space<vmem>> -> memref<1x125xi32, #tpu.memory_space<vmem>>
      %dma_wait3A_467 = tpu.memref_squeeze %dma_wait3A_466 : memref<1x125xi32, #tpu.memory_space<vmem>> -> memref<125xi32, #tpu.memory_space<vmem>>
      %dma_wait3A_468 = arith.constant 0 : i32
      %dma_wait3A_469 = arith.constant 0 : i32
      %dma_wait3A_470 = tpu.memref_slice %arg5[%dma_wait3A_468, %dma_wait3A_469] : memref<10000x16xf32, #tpu.memory_space<hbm>> -> memref<10000x16xf32, #tpu.memory_space<hbm>>
      tpu.wait_indirect_dma semaphore(%arg22 : memref<!tpu.dma_semaphore, #tpu.memory_space<semaphore_mem>>) src(%dma_wait3A_470 : memref<10000x16xf32, #tpu.memory_space<hbm>>) dst(%dma_wait3A_464 : memref<125x16xf32, #tpu.memory_space<vmem>>)
      %dma_wait3A_471 = arith.constant 7 : i32
      %dma_wait3A_472 = arith.constant 875 : i32
      %dma_wait3A_473 = arith.constant 0 : i32
      %dma_wait3A_474 = tpu.memref_slice %arg14[%dma_wait3A_472, %dma_wait3A_473] : memref<1000x16xf32, #tpu.memory_space<vmem>> -> memref<125x16xf32, #tpu.memory_space<vmem>>
      %dma_wait3A_475 = arith.constant 0 : i32
      %dma_wait3A_476 = tpu.memref_slice %arg11[%dma_wait3A_471, %dma_wait3A_475] : memref<8x125xi32, #tpu.memory_space<vmem>> -> memref<1x125xi32, #tpu.memory_space<vmem>>
      %dma_wait3A_477 = tpu.memref_squeeze %dma_wait3A_476 : memref<1x125xi32, #tpu.memory_space<vmem>> -> memref<125xi32, #tpu.memory_space<vmem>>
      %dma_wait3A_478 = arith.constant 0 : i32
      %dma_wait3A_479 = arith.constant 0 : i32
      %dma_wait3A_480 = tpu.memref_slice %arg4[%dma_wait3A_478, %dma_wait3A_479] : memref<10000x16xf32, #tpu.memory_space<hbm>> -> memref<10000x16xf32, #tpu.memory_space<hbm>>
      tpu.wait_indirect_dma semaphore(%arg21 : memref<!tpu.dma_semaphore, #tpu.memory_space<semaphore_mem>>) src(%dma_wait3A_480 : memref<10000x16xf32, #tpu.memory_space<hbm>>) dst(%dma_wait3A_474 : memref<125x16xf32, #tpu.memory_space<vmem>>)
      %dma_wait3A_481 = arith.constant 7 : i32
      %dma_wait3A_482 = arith.constant 875 : i32
      %dma_wait3A_483 = arith.constant 0 : i32
      %dma_wait3A_484 = tpu.memref_slice %arg15[%dma_wait3A_482, %dma_wait3A_483] : memref<1000x16xf32, #tpu.memory_space<vmem>> -> memref<125x16xf32, #tpu.memory_space<vmem>>
      %dma_wait3A_485 = arith.constant 0 : i32
      %dma_wait3A_486 = tpu.memref_slice %arg12[%dma_wait3A_481, %dma_wait3A_485] : memref<8x125xi32, #tpu.memory_space<vmem>> -> memref<1x125xi32, #tpu.memory_space<vmem>>
      %dma_wait3A_487 = tpu.memref_squeeze %dma_wait3A_486 : memref<1x125xi32, #tpu.memory_space<vmem>> -> memref<125xi32, #tpu.memory_space<vmem>>
      %dma_wait3A_488 = arith.constant 0 : i32
      %dma_wait3A_489 = arith.constant 0 : i32
      %dma_wait3A_490 = tpu.memref_slice %arg5[%dma_wait3A_488, %dma_wait3A_489] : memref<10000x16xf32, #tpu.memory_space<hbm>> -> memref<10000x16xf32, #tpu.memory_space<hbm>>
      tpu.wait_indirect_dma semaphore(%arg22 : memref<!tpu.dma_semaphore, #tpu.memory_space<semaphore_mem>>) src(%dma_wait3A_490 : memref<10000x16xf32, #tpu.memory_space<hbm>>) dst(%dma_wait3A_484 : memref<125x16xf32, #tpu.memory_space<vmem>>)
      %dma_wait3A_491 = arith.constant 0 : i32
      %dma_wait3A_492 = arith.constant 0 : i32
      %dma_wait3A_493 = tpu.memref_slice %arg13[%dma_wait3A_492] : memref<16000xf32, #tpu.memory_space<vmem>> -> memref<1000xf32, #tpu.memory_space<vmem>>
      %dma_wait3A_494 = tpu.memref_slice %arg3[%dma_wait3A_491, %add3A_22] : memref<16x320000xf32, #tpu.memory_space<hbm>> -> memref<1x1000xf32, #tpu.memory_space<hbm>>
      %dma_wait3A_495 = tpu.memref_squeeze %dma_wait3A_494 : memref<1x1000xf32, #tpu.memory_space<hbm>> -> memref<1000xf32, #tpu.memory_space<hbm>>
      %dma_wait3A_496 = arith.constant 0 : i32
      %dma_wait3A_497 = tpu.memref_slice %arg13[%dma_wait3A_496] : memref<16000xf32, #tpu.memory_space<vmem>> -> memref<1000xf32, #tpu.memory_space<vmem>>
      %dma_wait3A_498 = tpu.memref_slice %arg3[%dma_wait3A_491, %add3A_22] : memref<16x320000xf32, #tpu.memory_space<hbm>> -> memref<1x1000xf32, #tpu.memory_space<hbm>>
      %dma_wait3A_499 = tpu.memref_squeeze %dma_wait3A_498 : memref<1x1000xf32, #tpu.memory_space<hbm>> -> memref<1000xf32, #tpu.memory_space<hbm>>
      tpu.wait_dma2 semaphore(%arg21 : memref<!tpu.dma_semaphore, #tpu.memory_space<semaphore_mem>>) src(%dma_wait3A_499 : memref<1000xf32, #tpu.memory_space<hbm>>) dst(%dma_wait3A_497 : memref<1000xf32, #tpu.memory_space<vmem>>)
      %dma_wait3A_500 = arith.constant 1 : i32
      %dma_wait3A_501 = arith.constant 1000 : i32
      %dma_wait3A_502 = tpu.memref_slice %arg13[%dma_wait3A_501] : memref<16000xf32, #tpu.memory_space<vmem>> -> memref<1000xf32, #tpu.memory_space<vmem>>
      %dma_wait3A_503 = tpu.memref_slice %arg3[%dma_wait3A_500, %add3A_22] : memref<16x320000xf32, #tpu.memory_space<hbm>> -> memref<1x1000xf32, #tpu.memory_space<hbm>>
      %dma_wait3A_504 = tpu.memref_squeeze %dma_wait3A_503 : memref<1x1000xf32, #tpu.memory_space<hbm>> -> memref<1000xf32, #tpu.memory_space<hbm>>
      %dma_wait3A_505 = arith.constant 1000 : i32
      %dma_wait3A_506 = tpu.memref_slice %arg13[%dma_wait3A_505] : memref<16000xf32, #tpu.memory_space<vmem>> -> memref<1000xf32, #tpu.memory_space<vmem>>
      %dma_wait3A_507 = tpu.memref_slice %arg3[%dma_wait3A_500, %add3A_22] : memref<16x320000xf32, #tpu.memory_space<hbm>> -> memref<1x1000xf32, #tpu.memory_space<hbm>>
      %dma_wait3A_508 = tpu.memref_squeeze %dma_wait3A_507 : memref<1x1000xf32, #tpu.memory_space<hbm>> -> memref<1000xf32, #tpu.memory_space<hbm>>
      tpu.wait_dma2 semaphore(%arg21 : memref<!tpu.dma_semaphore, #tpu.memory_space<semaphore_mem>>) src(%dma_wait3A_508 : memref<1000xf32, #tpu.memory_space<hbm>>) dst(%dma_wait3A_506 : memref<1000xf32, #tpu.memory_space<vmem>>)
      %dma_wait3A_509 = arith.constant 2 : i32
      %dma_wait3A_510 = arith.constant 2000 : i32
      %dma_wait3A_511 = tpu.memref_slice %arg13[%dma_wait3A_510] : memref<16000xf32, #tpu.memory_space<vmem>> -> memref<1000xf32, #tpu.memory_space<vmem>>
      %dma_wait3A_512 = tpu.memref_slice %arg3[%dma_wait3A_509, %add3A_22] : memref<16x320000xf32, #tpu.memory_space<hbm>> -> memref<1x1000xf32, #tpu.memory_space<hbm>>
      %dma_wait3A_513 = tpu.memref_squeeze %dma_wait3A_512 : memref<1x1000xf32, #tpu.memory_space<hbm>> -> memref<1000xf32, #tpu.memory_space<hbm>>
      %dma_wait3A_514 = arith.constant 2000 : i32
      %dma_wait3A_515 = tpu.memref_slice %arg13[%dma_wait3A_514] : memref<16000xf32, #tpu.memory_space<vmem>> -> memref<1000xf32, #tpu.memory_space<vmem>>
      %dma_wait3A_516 = tpu.memref_slice %arg3[%dma_wait3A_509, %add3A_22] : memref<16x320000xf32, #tpu.memory_space<hbm>> -> memref<1x1000xf32, #tpu.memory_space<hbm>>
      %dma_wait3A_517 = tpu.memref_squeeze %dma_wait3A_516 : memref<1x1000xf32, #tpu.memory_space<hbm>> -> memref<1000xf32, #tpu.memory_space<hbm>>
      tpu.wait_dma2 semaphore(%arg21 : memref<!tpu.dma_semaphore, #tpu.memory_space<semaphore_mem>>) src(%dma_wait3A_517 : memref<1000xf32, #tpu.memory_space<hbm>>) dst(%dma_wait3A_515 : memref<1000xf32, #tpu.memory_space<vmem>>)
      %dma_wait3A_518 = arith.constant 3 : i32
      %dma_wait3A_519 = arith.constant 3000 : i32
      %dma_wait3A_520 = tpu.memref_slice %arg13[%dma_wait3A_519] : memref<16000xf32, #tpu.memory_space<vmem>> -> memref<1000xf32, #tpu.memory_space<vmem>>
      %dma_wait3A_521 = tpu.memref_slice %arg3[%dma_wait3A_518, %add3A_22] : memref<16x320000xf32, #tpu.memory_space<hbm>> -> memref<1x1000xf32, #tpu.memory_space<hbm>>
      %dma_wait3A_522 = tpu.memref_squeeze %dma_wait3A_521 : memref<1x1000xf32, #tpu.memory_space<hbm>> -> memref<1000xf32, #tpu.memory_space<hbm>>
      %dma_wait3A_523 = arith.constant 3000 : i32
      %dma_wait3A_524 = tpu.memref_slice %arg13[%dma_wait3A_523] : memref<16000xf32, #tpu.memory_space<vmem>> -> memref<1000xf32, #tpu.memory_space<vmem>>
      %dma_wait3A_525 = tpu.memref_slice %arg3[%dma_wait3A_518, %add3A_22] : memref<16x320000xf32, #tpu.memory_space<hbm>> -> memref<1x1000xf32, #tpu.memory_space<hbm>>
      %dma_wait3A_526 = tpu.memref_squeeze %dma_wait3A_525 : memref<1x1000xf32, #tpu.memory_space<hbm>> -> memref<1000xf32, #tpu.memory_space<hbm>>
      tpu.wait_dma2 semaphore(%arg21 : memref<!tpu.dma_semaphore, #tpu.memory_space<semaphore_mem>>) src(%dma_wait3A_526 : memref<1000xf32, #tpu.memory_space<hbm>>) dst(%dma_wait3A_524 : memref<1000xf32, #tpu.memory_space<vmem>>)
      %dma_wait3A_527 = arith.constant 4 : i32
      %dma_wait3A_528 = arith.constant 4000 : i32
      %dma_wait3A_529 = tpu.memref_slice %arg13[%dma_wait3A_528] : memref<16000xf32, #tpu.memory_space<vmem>> -> memref<1000xf32, #tpu.memory_space<vmem>>
      %dma_wait3A_530 = tpu.memref_slice %arg3[%dma_wait3A_527, %add3A_22] : memref<16x320000xf32, #tpu.memory_space<hbm>> -> memref<1x1000xf32, #tpu.memory_space<hbm>>
      %dma_wait3A_531 = tpu.memref_squeeze %dma_wait3A_530 : memref<1x1000xf32, #tpu.memory_space<hbm>> -> memref<1000xf32, #tpu.memory_space<hbm>>
      %dma_wait3A_532 = arith.constant 4000 : i32
      %dma_wait3A_533 = tpu.memref_slice %arg13[%dma_wait3A_532] : memref<16000xf32, #tpu.memory_space<vmem>> -> memref<1000xf32, #tpu.memory_space<vmem>>
      %dma_wait3A_534 = tpu.memref_slice %arg3[%dma_wait3A_527, %add3A_22] : memref<16x320000xf32, #tpu.memory_space<hbm>> -> memref<1x1000xf32, #tpu.memory_space<hbm>>
      %dma_wait3A_535 = tpu.memref_squeeze %dma_wait3A_534 : memref<1x1000xf32, #tpu.memory_space<hbm>> -> memref<1000xf32, #tpu.memory_space<hbm>>
      tpu.wait_dma2 semaphore(%arg21 : memref<!tpu.dma_semaphore, #tpu.memory_space<semaphore_mem>>) src(%dma_wait3A_535 : memref<1000xf32, #tpu.memory_space<hbm>>) dst(%dma_wait3A_533 : memref<1000xf32, #tpu.memory_space<vmem>>)
      %dma_wait3A_536 = arith.constant 5 : i32
      %dma_wait3A_537 = arith.constant 5000 : i32
      %dma_wait3A_538 = tpu.memref_slice %arg13[%dma_wait3A_537] : memref<16000xf32, #tpu.memory_space<vmem>> -> memref<1000xf32, #tpu.memory_space<vmem>>
      %dma_wait3A_539 = tpu.memref_slice %arg3[%dma_wait3A_536, %add3A_22] : memref<16x320000xf32, #tpu.memory_space<hbm>> -> memref<1x1000xf32, #tpu.memory_space<hbm>>
      %dma_wait3A_540 = tpu.memref_squeeze %dma_wait3A_539 : memref<1x1000xf32, #tpu.memory_space<hbm>> -> memref<1000xf32, #tpu.memory_space<hbm>>
      %dma_wait3A_541 = arith.constant 5000 : i32
      %dma_wait3A_542 = tpu.memref_slice %arg13[%dma_wait3A_541] : memref<16000xf32, #tpu.memory_space<vmem>> -> memref<1000xf32, #tpu.memory_space<vmem>>
      %dma_wait3A_543 = tpu.memref_slice %arg3[%dma_wait3A_536, %add3A_22] : memref<16x320000xf32, #tpu.memory_space<hbm>> -> memref<1x1000xf32, #tpu.memory_space<hbm>>
      %dma_wait3A_544 = tpu.memref_squeeze %dma_wait3A_543 : memref<1x1000xf32, #tpu.memory_space<hbm>> -> memref<1000xf32, #tpu.memory_space<hbm>>
      tpu.wait_dma2 semaphore(%arg21 : memref<!tpu.dma_semaphore, #tpu.memory_space<semaphore_mem>>) src(%dma_wait3A_544 : memref<1000xf32, #tpu.memory_space<hbm>>) dst(%dma_wait3A_542 : memref<1000xf32, #tpu.memory_space<vmem>>)
      %dma_wait3A_545 = arith.constant 6 : i32
      %dma_wait3A_546 = arith.constant 6000 : i32
      %dma_wait3A_547 = tpu.memref_slice %arg13[%dma_wait3A_546] : memref<16000xf32, #tpu.memory_space<vmem>> -> memref<1000xf32, #tpu.memory_space<vmem>>
      %dma_wait3A_548 = tpu.memref_slice %arg3[%dma_wait3A_545, %add3A_22] : memref<16x320000xf32, #tpu.memory_space<hbm>> -> memref<1x1000xf32, #tpu.memory_space<hbm>>
      %dma_wait3A_549 = tpu.memref_squeeze %dma_wait3A_548 : memref<1x1000xf32, #tpu.memory_space<hbm>> -> memref<1000xf32, #tpu.memory_space<hbm>>
      %dma_wait3A_550 = arith.constant 6000 : i32
      %dma_wait3A_551 = tpu.memref_slice %arg13[%dma_wait3A_550] : memref<16000xf32, #tpu.memory_space<vmem>> -> memref<1000xf32, #tpu.memory_space<vmem>>
      %dma_wait3A_552 = tpu.memref_slice %arg3[%dma_wait3A_545, %add3A_22] : memref<16x320000xf32, #tpu.memory_space<hbm>> -> memref<1x1000xf32, #tpu.memory_space<hbm>>
      %dma_wait3A_553 = tpu.memref_squeeze %dma_wait3A_552 : memref<1x1000xf32, #tpu.memory_space<hbm>> -> memref<1000xf32, #tpu.memory_space<hbm>>
      tpu.wait_dma2 semaphore(%arg21 : memref<!tpu.dma_semaphore, #tpu.memory_space<semaphore_mem>>) src(%dma_wait3A_553 : memref<1000xf32, #tpu.memory_space<hbm>>) dst(%dma_wait3A_551 : memref<1000xf32, #tpu.memory_space<vmem>>)
      %dma_wait3A_554 = arith.constant 7 : i32
      %dma_wait3A_555 = arith.constant 7000 : i32
      %dma_wait3A_556 = tpu.memref_slice %arg13[%dma_wait3A_555] : memref<16000xf32, #tpu.memory_space<vmem>> -> memref<1000xf32, #tpu.memory_space<vmem>>
      %dma_wait3A_557 = tpu.memref_slice %arg3[%dma_wait3A_554, %add3A_22] : memref<16x320000xf32, #tpu.memory_space<hbm>> -> memref<1x1000xf32, #tpu.memory_space<hbm>>
      %dma_wait3A_558 = tpu.memref_squeeze %dma_wait3A_557 : memref<1x1000xf32, #tpu.memory_space<hbm>> -> memref<1000xf32, #tpu.memory_space<hbm>>
      %dma_wait3A_559 = arith.constant 7000 : i32
      %dma_wait3A_560 = tpu.memref_slice %arg13[%dma_wait3A_559] : memref<16000xf32, #tpu.memory_space<vmem>> -> memref<1000xf32, #tpu.memory_space<vmem>>
      %dma_wait3A_561 = tpu.memref_slice %arg3[%dma_wait3A_554, %add3A_22] : memref<16x320000xf32, #tpu.memory_space<hbm>> -> memref<1x1000xf32, #tpu.memory_space<hbm>>
      %dma_wait3A_562 = tpu.memref_squeeze %dma_wait3A_561 : memref<1x1000xf32, #tpu.memory_space<hbm>> -> memref<1000xf32, #tpu.memory_space<hbm>>
      tpu.wait_dma2 semaphore(%arg21 : memref<!tpu.dma_semaphore, #tpu.memory_space<semaphore_mem>>) src(%dma_wait3A_562 : memref<1000xf32, #tpu.memory_space<hbm>>) dst(%dma_wait3A_560 : memref<1000xf32, #tpu.memory_space<vmem>>)
      %dma_wait3A_563 = arith.constant 8 : i32
      %dma_wait3A_564 = arith.constant 8000 : i32
      %dma_wait3A_565 = tpu.memref_slice %arg13[%dma_wait3A_564] : memref<16000xf32, #tpu.memory_space<vmem>> -> memref<1000xf32, #tpu.memory_space<vmem>>
      %dma_wait3A_566 = tpu.memref_slice %arg3[%dma_wait3A_563, %add3A_22] : memref<16x320000xf32, #tpu.memory_space<hbm>> -> memref<1x1000xf32, #tpu.memory_space<hbm>>
      %dma_wait3A_567 = tpu.memref_squeeze %dma_wait3A_566 : memref<1x1000xf32, #tpu.memory_space<hbm>> -> memref<1000xf32, #tpu.memory_space<hbm>>
      %dma_wait3A_568 = arith.constant 8000 : i32
      %dma_wait3A_569 = tpu.memref_slice %arg13[%dma_wait3A_568] : memref<16000xf32, #tpu.memory_space<vmem>> -> memref<1000xf32, #tpu.memory_space<vmem>>
      %dma_wait3A_570 = tpu.memref_slice %arg3[%dma_wait3A_563, %add3A_22] : memref<16x320000xf32, #tpu.memory_space<hbm>> -> memref<1x1000xf32, #tpu.memory_space<hbm>>
      %dma_wait3A_571 = tpu.memref_squeeze %dma_wait3A_570 : memref<1x1000xf32, #tpu.memory_space<hbm>> -> memref<1000xf32, #tpu.memory_space<hbm>>
      tpu.wait_dma2 semaphore(%arg21 : memref<!tpu.dma_semaphore, #tpu.memory_space<semaphore_mem>>) src(%dma_wait3A_571 : memref<1000xf32, #tpu.memory_space<hbm>>) dst(%dma_wait3A_569 : memref<1000xf32, #tpu.memory_space<vmem>>)
      %dma_wait3A_572 = arith.constant 9 : i32
      %dma_wait3A_573 = arith.constant 9000 : i32
      %dma_wait3A_574 = tpu.memref_slice %arg13[%dma_wait3A_573] : memref<16000xf32, #tpu.memory_space<vmem>> -> memref<1000xf32, #tpu.memory_space<vmem>>
      %dma_wait3A_575 = tpu.memref_slice %arg3[%dma_wait3A_572, %add3A_22] : memref<16x320000xf32, #tpu.memory_space<hbm>> -> memref<1x1000xf32, #tpu.memory_space<hbm>>
      %dma_wait3A_576 = tpu.memref_squeeze %dma_wait3A_575 : memref<1x1000xf32, #tpu.memory_space<hbm>> -> memref<1000xf32, #tpu.memory_space<hbm>>
      %dma_wait3A_577 = arith.constant 9000 : i32
      %dma_wait3A_578 = tpu.memref_slice %arg13[%dma_wait3A_577] : memref<16000xf32, #tpu.memory_space<vmem>> -> memref<1000xf32, #tpu.memory_space<vmem>>
      %dma_wait3A_579 = tpu.memref_slice %arg3[%dma_wait3A_572, %add3A_22] : memref<16x320000xf32, #tpu.memory_space<hbm>> -> memref<1x1000xf32, #tpu.memory_space<hbm>>
      %dma_wait3A_580 = tpu.memref_squeeze %dma_wait3A_579 : memref<1x1000xf32, #tpu.memory_space<hbm>> -> memref<1000xf32, #tpu.memory_space<hbm>>
      tpu.wait_dma2 semaphore(%arg21 : memref<!tpu.dma_semaphore, #tpu.memory_space<semaphore_mem>>) src(%dma_wait3A_580 : memref<1000xf32, #tpu.memory_space<hbm>>) dst(%dma_wait3A_578 : memref<1000xf32, #tpu.memory_space<vmem>>)
      %dma_wait3A_581 = arith.constant 10 : i32
      %dma_wait3A_582 = arith.constant 10000 : i32
      %dma_wait3A_583 = tpu.memref_slice %arg13[%dma_wait3A_582] : memref<16000xf32, #tpu.memory_space<vmem>> -> memref<1000xf32, #tpu.memory_space<vmem>>
      %dma_wait3A_584 = tpu.memref_slice %arg3[%dma_wait3A_581, %add3A_22] : memref<16x320000xf32, #tpu.memory_space<hbm>> -> memref<1x1000xf32, #tpu.memory_space<hbm>>
      %dma_wait3A_585 = tpu.memref_squeeze %dma_wait3A_584 : memref<1x1000xf32, #tpu.memory_space<hbm>> -> memref<1000xf32, #tpu.memory_space<hbm>>
      %dma_wait3A_586 = arith.constant 10000 : i32
      %dma_wait3A_587 = tpu.memref_slice %arg13[%dma_wait3A_586] : memref<16000xf32, #tpu.memory_space<vmem>> -> memref<1000xf32, #tpu.memory_space<vmem>>
      %dma_wait3A_588 = tpu.memref_slice %arg3[%dma_wait3A_581, %add3A_22] : memref<16x320000xf32, #tpu.memory_space<hbm>> -> memref<1x1000xf32, #tpu.memory_space<hbm>>
      %dma_wait3A_589 = tpu.memref_squeeze %dma_wait3A_588 : memref<1x1000xf32, #tpu.memory_space<hbm>> -> memref<1000xf32, #tpu.memory_space<hbm>>
      tpu.wait_dma2 semaphore(%arg21 : memref<!tpu.dma_semaphore, #tpu.memory_space<semaphore_mem>>) src(%dma_wait3A_589 : memref<1000xf32, #tpu.memory_space<hbm>>) dst(%dma_wait3A_587 : memref<1000xf32, #tpu.memory_space<vmem>>)
      %dma_wait3A_590 = arith.constant 11 : i32
      %dma_wait3A_591 = arith.constant 11000 : i32
      %dma_wait3A_592 = tpu.memref_slice %arg13[%dma_wait3A_591] : memref<16000xf32, #tpu.memory_space<vmem>> -> memref<1000xf32, #tpu.memory_space<vmem>>
      %dma_wait3A_593 = tpu.memref_slice %arg3[%dma_wait3A_590, %add3A_22] : memref<16x320000xf32, #tpu.memory_space<hbm>> -> memref<1x1000xf32, #tpu.memory_space<hbm>>
      %dma_wait3A_594 = tpu.memref_squeeze %dma_wait3A_593 : memref<1x1000xf32, #tpu.memory_space<hbm>> -> memref<1000xf32, #tpu.memory_space<hbm>>
      %dma_wait3A_595 = arith.constant 11000 : i32
      %dma_wait3A_596 = tpu.memref_slice %arg13[%dma_wait3A_595] : memref<16000xf32, #tpu.memory_space<vmem>> -> memref<1000xf32, #tpu.memory_space<vmem>>
      %dma_wait3A_597 = tpu.memref_slice %arg3[%dma_wait3A_590, %add3A_22] : memref<16x320000xf32, #tpu.memory_space<hbm>> -> memref<1x1000xf32, #tpu.memory_space<hbm>>
      %dma_wait3A_598 = tpu.memref_squeeze %dma_wait3A_597 : memref<1x1000xf32, #tpu.memory_space<hbm>> -> memref<1000xf32, #tpu.memory_space<hbm>>
      tpu.wait_dma2 semaphore(%arg21 : memref<!tpu.dma_semaphore, #tpu.memory_space<semaphore_mem>>) src(%dma_wait3A_598 : memref<1000xf32, #tpu.memory_space<hbm>>) dst(%dma_wait3A_596 : memref<1000xf32, #tpu.memory_space<vmem>>)
      %dma_wait3A_599 = arith.constant 12 : i32
      %dma_wait3A_600 = arith.constant 12000 : i32
      %dma_wait3A_601 = tpu.memref_slice %arg13[%dma_wait3A_600] : memref<16000xf32, #tpu.memory_space<vmem>> -> memref<1000xf32, #tpu.memory_space<vmem>>
      %dma_wait3A_602 = tpu.memref_slice %arg3[%dma_wait3A_599, %add3A_22] : memref<16x320000xf32, #tpu.memory_space<hbm>> -> memref<1x1000xf32, #tpu.memory_space<hbm>>
      %dma_wait3A_603 = tpu.memref_squeeze %dma_wait3A_602 : memref<1x1000xf32, #tpu.memory_space<hbm>> -> memref<1000xf32, #tpu.memory_space<hbm>>
      %dma_wait3A_604 = arith.constant 12000 : i32
      %dma_wait3A_605 = tpu.memref_slice %arg13[%dma_wait3A_604] : memref<16000xf32, #tpu.memory_space<vmem>> -> memref<1000xf32, #tpu.memory_space<vmem>>
      %dma_wait3A_606 = tpu.memref_slice %arg3[%dma_wait3A_599, %add3A_22] : memref<16x320000xf32, #tpu.memory_space<hbm>> -> memref<1x1000xf32, #tpu.memory_space<hbm>>
      %dma_wait3A_607 = tpu.memref_squeeze %dma_wait3A_606 : memref<1x1000xf32, #tpu.memory_space<hbm>> -> memref<1000xf32, #tpu.memory_space<hbm>>
      tpu.wait_dma2 semaphore(%arg21 : memref<!tpu.dma_semaphore, #tpu.memory_space<semaphore_mem>>) src(%dma_wait3A_607 : memref<1000xf32, #tpu.memory_space<hbm>>) dst(%dma_wait3A_605 : memref<1000xf32, #tpu.memory_space<vmem>>)
      %dma_wait3A_608 = arith.constant 13 : i32
      %dma_wait3A_609 = arith.constant 13000 : i32
      %dma_wait3A_610 = tpu.memref_slice %arg13[%dma_wait3A_609] : memref<16000xf32, #tpu.memory_space<vmem>> -> memref<1000xf32, #tpu.memory_space<vmem>>
      %dma_wait3A_611 = tpu.memref_slice %arg3[%dma_wait3A_608, %add3A_22] : memref<16x320000xf32, #tpu.memory_space<hbm>> -> memref<1x1000xf32, #tpu.memory_space<hbm>>
      %dma_wait3A_612 = tpu.memref_squeeze %dma_wait3A_611 : memref<1x1000xf32, #tpu.memory_space<hbm>> -> memref<1000xf32, #tpu.memory_space<hbm>>
      %dma_wait3A_613 = arith.constant 13000 : i32
      %dma_wait3A_614 = tpu.memref_slice %arg13[%dma_wait3A_613] : memref<16000xf32, #tpu.memory_space<vmem>> -> memref<1000xf32, #tpu.memory_space<vmem>>
      %dma_wait3A_615 = tpu.memref_slice %arg3[%dma_wait3A_608, %add3A_22] : memref<16x320000xf32, #tpu.memory_space<hbm>> -> memref<1x1000xf32, #tpu.memory_space<hbm>>
      %dma_wait3A_616 = tpu.memref_squeeze %dma_wait3A_615 : memref<1x1000xf32, #tpu.memory_space<hbm>> -> memref<1000xf32, #tpu.memory_space<hbm>>
      tpu.wait_dma2 semaphore(%arg21 : memref<!tpu.dma_semaphore, #tpu.memory_space<semaphore_mem>>) src(%dma_wait3A_616 : memref<1000xf32, #tpu.memory_space<hbm>>) dst(%dma_wait3A_614 : memref<1000xf32, #tpu.memory_space<vmem>>)
      %dma_wait3A_617 = arith.constant 14 : i32
      %dma_wait3A_618 = arith.constant 14000 : i32
      %dma_wait3A_619 = tpu.memref_slice %arg13[%dma_wait3A_618] : memref<16000xf32, #tpu.memory_space<vmem>> -> memref<1000xf32, #tpu.memory_space<vmem>>
      %dma_wait3A_620 = tpu.memref_slice %arg3[%dma_wait3A_617, %add3A_22] : memref<16x320000xf32, #tpu.memory_space<hbm>> -> memref<1x1000xf32, #tpu.memory_space<hbm>>
      %dma_wait3A_621 = tpu.memref_squeeze %dma_wait3A_620 : memref<1x1000xf32, #tpu.memory_space<hbm>> -> memref<1000xf32, #tpu.memory_space<hbm>>
      %dma_wait3A_622 = arith.constant 14000 : i32
      %dma_wait3A_623 = tpu.memref_slice %arg13[%dma_wait3A_622] : memref<16000xf32, #tpu.memory_space<vmem>> -> memref<1000xf32, #tpu.memory_space<vmem>>
      %dma_wait3A_624 = tpu.memref_slice %arg3[%dma_wait3A_617, %add3A_22] : memref<16x320000xf32, #tpu.memory_space<hbm>> -> memref<1x1000xf32, #tpu.memory_space<hbm>>
      %dma_wait3A_625 = tpu.memref_squeeze %dma_wait3A_624 : memref<1x1000xf32, #tpu.memory_space<hbm>> -> memref<1000xf32, #tpu.memory_space<hbm>>
      tpu.wait_dma2 semaphore(%arg21 : memref<!tpu.dma_semaphore, #tpu.memory_space<semaphore_mem>>) src(%dma_wait3A_625 : memref<1000xf32, #tpu.memory_space<hbm>>) dst(%dma_wait3A_623 : memref<1000xf32, #tpu.memory_space<vmem>>)
      %dma_wait3A_626 = arith.constant 15 : i32
      %dma_wait3A_627 = arith.constant 15000 : i32
      %dma_wait3A_628 = tpu.memref_slice %arg13[%dma_wait3A_627] : memref<16000xf32, #tpu.memory_space<vmem>> -> memref<1000xf32, #tpu.memory_space<vmem>>
      %dma_wait3A_629 = tpu.memref_slice %arg3[%dma_wait3A_626, %add3A_22] : memref<16x320000xf32, #tpu.memory_space<hbm>> -> memref<1x1000xf32, #tpu.memory_space<hbm>>
      %dma_wait3A_630 = tpu.memref_squeeze %dma_wait3A_629 : memref<1x1000xf32, #tpu.memory_space<hbm>> -> memref<1000xf32, #tpu.memory_space<hbm>>
      %dma_wait3A_631 = arith.constant 15000 : i32
      %dma_wait3A_632 = tpu.memref_slice %arg13[%dma_wait3A_631] : memref<16000xf32, #tpu.memory_space<vmem>> -> memref<1000xf32, #tpu.memory_space<vmem>>
      %dma_wait3A_633 = tpu.memref_slice %arg3[%dma_wait3A_626, %add3A_22] : memref<16x320000xf32, #tpu.memory_space<hbm>> -> memref<1x1000xf32, #tpu.memory_space<hbm>>
      %dma_wait3A_634 = tpu.memref_squeeze %dma_wait3A_633 : memref<1x1000xf32, #tpu.memory_space<hbm>> -> memref<1000xf32, #tpu.memory_space<hbm>>
      tpu.wait_dma2 semaphore(%arg21 : memref<!tpu.dma_semaphore, #tpu.memory_space<semaphore_mem>>) src(%dma_wait3A_634 : memref<1000xf32, #tpu.memory_space<hbm>>) dst(%dma_wait3A_632 : memref<1000xf32, #tpu.memory_space<vmem>>)
      %parallel_loop3A = arith.constant 0 : i32
      %parallel_loop3A_635 = arith.constant 1000 : i32
      %parallel_loop3A_636 = arith.constant 1 : i32
      scf.for %parallel_loop3A_1197 = %parallel_loop3A to %parallel_loop3A_635 step %parallel_loop3A_636  : i32 {
        %parallel_loop3A_1198 = vector.broadcast %parallel_loop3A_1197 : i32 to vector<16xi32>
        %parallel_loop3A_1199 = arith.addi %mul3A_5, %parallel_loop3A_1198 : vector<16xi32>
        %parallel_loop3A_1200 = tpu.vector_load_idx %arg13[%parallel_loop3A_1199] : memref<16000xf32, #tpu.memory_space<vmem>>[vector<16xi32>], vector<16xf32>,
        %parallel_loop3A_1201 = arith.index_cast %parallel_loop3A_1197 : i32 to index
        %parallel_loop3A_1202 = arith.constant 0 : index
        %parallel_loop3A_1203 = tpu.vector_load %arg14[%parallel_loop3A_1201, %parallel_loop3A_1202] {strides = array<i32>} : memref<1000x16xf32, #tpu.memory_space<vmem>>, vector<16xf32>,
        %parallel_loop3A_1204 = arith.addf %parallel_loop3A_1200, %parallel_loop3A_1203 : vector<16xf32>
        %parallel_loop3A_1205 = arith.index_cast %parallel_loop3A_1197 : i32 to index
        %parallel_loop3A_1206 = arith.constant 0 : index
        %parallel_loop3A_1207 = tpu.vector_load %arg15[%parallel_loop3A_1205, %parallel_loop3A_1206] {strides = array<i32>} : memref<1000x16xf32, #tpu.memory_space<vmem>>, vector<16xf32>,
        %parallel_loop3A_1208 = arith.addf %parallel_loop3A_1204, %parallel_loop3A_1207 : vector<16xf32>
        %parallel_loop3A_1209 = arith.index_cast %parallel_loop3A_1197 : i32 to index
        %parallel_loop3A_1210 = arith.constant 0 : index
        %parallel_loop3A_1211 = tpu.vector_load %arg16[%parallel_loop3A_1209, %parallel_loop3A_1210] {strides = array<i32>} : memref<1000x16xf32, #tpu.memory_space<vmem>>, vector<16xf32>,
        tpu.vector_store %arg16[%parallel_loop3A_1209, %parallel_loop3A_1210], %parallel_loop3A_1208 {strides = array<i32>} : memref<1000x16xf32, #tpu.memory_space<vmem>>, vector<16xf32>,
        tpu.vector_store_idx %arg17[%parallel_loop3A_1199], %parallel_loop3A_1208 : memref<16000xf32, #tpu.memory_space<vmem>>[vector<16xi32>], vector<16xf32>,
      } {sc.loop_unroll_factor = 16 : i64, sc.parallel_access}
      %dma_start3A_637 = arith.constant 0 : i32
      %dma_start3A_638 = arith.constant 0 : i32
      %dma_start3A_639 = tpu.memref_slice %arg17[%dma_start3A_638] : memref<16000xf32, #tpu.memory_space<vmem>> -> memref<1000xf32, #tpu.memory_space<vmem>>
      %dma_start3A_640 = tpu.memref_slice %arg8[%dma_start3A_637, %add3A_22] : memref<16x320000xf32, #tpu.memory_space<hbm>> -> memref<1x1000xf32, #tpu.memory_space<hbm>>
      %dma_start3A_641 = tpu.memref_squeeze %dma_start3A_640 : memref<1x1000xf32, #tpu.memory_space<hbm>> -> memref<1000xf32, #tpu.memory_space<hbm>>
      %dma_start3A_642 = tpu.memref_slice %arg8[%dma_start3A_637, %add3A_22] : memref<16x320000xf32, #tpu.memory_space<hbm>> -> memref<1x1000xf32, #tpu.memory_space<hbm>>
      %dma_start3A_643 = tpu.memref_squeeze %dma_start3A_642 : memref<1x1000xf32, #tpu.memory_space<hbm>> -> memref<1000xf32, #tpu.memory_space<hbm>>
      %dma_start3A_644 = arith.constant 0 : i32
      %dma_start3A_645 = tpu.memref_slice %arg17[%dma_start3A_644] : memref<16000xf32, #tpu.memory_space<vmem>> -> memref<1000xf32, #tpu.memory_space<vmem>>
      tpu.enqueue_dma source(%dma_start3A_645 : memref<1000xf32, #tpu.memory_space<vmem>>) target(%dma_start3A_643 : memref<1000xf32, #tpu.memory_space<hbm>>) target_semaphore(%arg21 : memref<!tpu.dma_semaphore, #tpu.memory_space<semaphore_mem>>)
      %dma_start3A_646 = arith.constant 1 : i32
      %dma_start3A_647 = arith.constant 1000 : i32
      %dma_start3A_648 = tpu.memref_slice %arg17[%dma_start3A_647] : memref<16000xf32, #tpu.memory_space<vmem>> -> memref<1000xf32, #tpu.memory_space<vmem>>
      %dma_start3A_649 = tpu.memref_slice %arg8[%dma_start3A_646, %add3A_22] : memref<16x320000xf32, #tpu.memory_space<hbm>> -> memref<1x1000xf32, #tpu.memory_space<hbm>>
      %dma_start3A_650 = tpu.memref_squeeze %dma_start3A_649 : memref<1x1000xf32, #tpu.memory_space<hbm>> -> memref<1000xf32, #tpu.memory_space<hbm>>
      %dma_start3A_651 = tpu.memref_slice %arg8[%dma_start3A_646, %add3A_22] : memref<16x320000xf32, #tpu.memory_space<hbm>> -> memref<1x1000xf32, #tpu.memory_space<hbm>>
      %dma_start3A_652 = tpu.memref_squeeze %dma_start3A_651 : memref<1x1000xf32, #tpu.memory_space<hbm>> -> memref<1000xf32, #tpu.memory_space<hbm>>
      %dma_start3A_653 = arith.constant 1000 : i32
      %dma_start3A_654 = tpu.memref_slice %arg17[%dma_start3A_653] : memref<16000xf32, #tpu.memory_space<vmem>> -> memref<1000xf32, #tpu.memory_space<vmem>>
      tpu.enqueue_dma source(%dma_start3A_654 : memref<1000xf32, #tpu.memory_space<vmem>>) target(%dma_start3A_652 : memref<1000xf32, #tpu.memory_space<hbm>>) target_semaphore(%arg21 : memref<!tpu.dma_semaphore, #tpu.memory_space<semaphore_mem>>)
      %dma_start3A_655 = arith.constant 2 : i32
      %dma_start3A_656 = arith.constant 2000 : i32
      %dma_start3A_657 = tpu.memref_slice %arg17[%dma_start3A_656] : memref<16000xf32, #tpu.memory_space<vmem>> -> memref<1000xf32, #tpu.memory_space<vmem>>
      %dma_start3A_658 = tpu.memref_slice %arg8[%dma_start3A_655, %add3A_22] : memref<16x320000xf32, #tpu.memory_space<hbm>> -> memref<1x1000xf32, #tpu.memory_space<hbm>>
      %dma_start3A_659 = tpu.memref_squeeze %dma_start3A_658 : memref<1x1000xf32, #tpu.memory_space<hbm>> -> memref<1000xf32, #tpu.memory_space<hbm>>
      %dma_start3A_660 = tpu.memref_slice %arg8[%dma_start3A_655, %add3A_22] : memref<16x320000xf32, #tpu.memory_space<hbm>> -> memref<1x1000xf32, #tpu.memory_space<hbm>>
      %dma_start3A_661 = tpu.memref_squeeze %dma_start3A_660 : memref<1x1000xf32, #tpu.memory_space<hbm>> -> memref<1000xf32, #tpu.memory_space<hbm>>
      %dma_start3A_662 = arith.constant 2000 : i32
      %dma_start3A_663 = tpu.memref_slice %arg17[%dma_start3A_662] : memref<16000xf32, #tpu.memory_space<vmem>> -> memref<1000xf32, #tpu.memory_space<vmem>>
      tpu.enqueue_dma source(%dma_start3A_663 : memref<1000xf32, #tpu.memory_space<vmem>>) target(%dma_start3A_661 : memref<1000xf32, #tpu.memory_space<hbm>>) target_semaphore(%arg21 : memref<!tpu.dma_semaphore, #tpu.memory_space<semaphore_mem>>)
      %dma_start3A_664 = arith.constant 3 : i32
      %dma_start3A_665 = arith.constant 3000 : i32
      %dma_start3A_666 = tpu.memref_slice %arg17[%dma_start3A_665] : memref<16000xf32, #tpu.memory_space<vmem>> -> memref<1000xf32, #tpu.memory_space<vmem>>
      %dma_start3A_667 = tpu.memref_slice %arg8[%dma_start3A_664, %add3A_22] : memref<16x320000xf32, #tpu.memory_space<hbm>> -> memref<1x1000xf32, #tpu.memory_space<hbm>>
      %dma_start3A_668 = tpu.memref_squeeze %dma_start3A_667 : memref<1x1000xf32, #tpu.memory_space<hbm>> -> memref<1000xf32, #tpu.memory_space<hbm>>
      %dma_start3A_669 = tpu.memref_slice %arg8[%dma_start3A_664, %add3A_22] : memref<16x320000xf32, #tpu.memory_space<hbm>> -> memref<1x1000xf32, #tpu.memory_space<hbm>>
      %dma_start3A_670 = tpu.memref_squeeze %dma_start3A_669 : memref<1x1000xf32, #tpu.memory_space<hbm>> -> memref<1000xf32, #tpu.memory_space<hbm>>
      %dma_start3A_671 = arith.constant 3000 : i32
      %dma_start3A_672 = tpu.memref_slice %arg17[%dma_start3A_671] : memref<16000xf32, #tpu.memory_space<vmem>> -> memref<1000xf32, #tpu.memory_space<vmem>>
      tpu.enqueue_dma source(%dma_start3A_672 : memref<1000xf32, #tpu.memory_space<vmem>>) target(%dma_start3A_670 : memref<1000xf32, #tpu.memory_space<hbm>>) target_semaphore(%arg21 : memref<!tpu.dma_semaphore, #tpu.memory_space<semaphore_mem>>)
      %dma_start3A_673 = arith.constant 4 : i32
      %dma_start3A_674 = arith.constant 4000 : i32
      %dma_start3A_675 = tpu.memref_slice %arg17[%dma_start3A_674] : memref<16000xf32, #tpu.memory_space<vmem>> -> memref<1000xf32, #tpu.memory_space<vmem>>
      %dma_start3A_676 = tpu.memref_slice %arg8[%dma_start3A_673, %add3A_22] : memref<16x320000xf32, #tpu.memory_space<hbm>> -> memref<1x1000xf32, #tpu.memory_space<hbm>>
      %dma_start3A_677 = tpu.memref_squeeze %dma_start3A_676 : memref<1x1000xf32, #tpu.memory_space<hbm>> -> memref<1000xf32, #tpu.memory_space<hbm>>
      %dma_start3A_678 = tpu.memref_slice %arg8[%dma_start3A_673, %add3A_22] : memref<16x320000xf32, #tpu.memory_space<hbm>> -> memref<1x1000xf32, #tpu.memory_space<hbm>>
      %dma_start3A_679 = tpu.memref_squeeze %dma_start3A_678 : memref<1x1000xf32, #tpu.memory_space<hbm>> -> memref<1000xf32, #tpu.memory_space<hbm>>
      %dma_start3A_680 = arith.constant 4000 : i32
      %dma_start3A_681 = tpu.memref_slice %arg17[%dma_start3A_680] : memref<16000xf32, #tpu.memory_space<vmem>> -> memref<1000xf32, #tpu.memory_space<vmem>>
      tpu.enqueue_dma source(%dma_start3A_681 : memref<1000xf32, #tpu.memory_space<vmem>>) target(%dma_start3A_679 : memref<1000xf32, #tpu.memory_space<hbm>>) target_semaphore(%arg21 : memref<!tpu.dma_semaphore, #tpu.memory_space<semaphore_mem>>)
      %dma_start3A_682 = arith.constant 5 : i32
      %dma_start3A_683 = arith.constant 5000 : i32
      %dma_start3A_684 = tpu.memref_slice %arg17[%dma_start3A_683] : memref<16000xf32, #tpu.memory_space<vmem>> -> memref<1000xf32, #tpu.memory_space<vmem>>
      %dma_start3A_685 = tpu.memref_slice %arg8[%dma_start3A_682, %add3A_22] : memref<16x320000xf32, #tpu.memory_space<hbm>> -> memref<1x1000xf32, #tpu.memory_space<hbm>>
      %dma_start3A_686 = tpu.memref_squeeze %dma_start3A_685 : memref<1x1000xf32, #tpu.memory_space<hbm>> -> memref<1000xf32, #tpu.memory_space<hbm>>
      %dma_start3A_687 = tpu.memref_slice %arg8[%dma_start3A_682, %add3A_22] : memref<16x320000xf32, #tpu.memory_space<hbm>> -> memref<1x1000xf32, #tpu.memory_space<hbm>>
      %dma_start3A_688 = tpu.memref_squeeze %dma_start3A_687 : memref<1x1000xf32, #tpu.memory_space<hbm>> -> memref<1000xf32, #tpu.memory_space<hbm>>
      %dma_start3A_689 = arith.constant 5000 : i32
      %dma_start3A_690 = tpu.memref_slice %arg17[%dma_start3A_689] : memref<16000xf32, #tpu.memory_space<vmem>> -> memref<1000xf32, #tpu.memory_space<vmem>>
      tpu.enqueue_dma source(%dma_start3A_690 : memref<1000xf32, #tpu.memory_space<vmem>>) target(%dma_start3A_688 : memref<1000xf32, #tpu.memory_space<hbm>>) target_semaphore(%arg21 : memref<!tpu.dma_semaphore, #tpu.memory_space<semaphore_mem>>)
      %dma_start3A_691 = arith.constant 6 : i32
      %dma_start3A_692 = arith.constant 6000 : i32
      %dma_start3A_693 = tpu.memref_slice %arg17[%dma_start3A_692] : memref<16000xf32, #tpu.memory_space<vmem>> -> memref<1000xf32, #tpu.memory_space<vmem>>
      %dma_start3A_694 = tpu.memref_slice %arg8[%dma_start3A_691, %add3A_22] : memref<16x320000xf32, #tpu.memory_space<hbm>> -> memref<1x1000xf32, #tpu.memory_space<hbm>>
      %dma_start3A_695 = tpu.memref_squeeze %dma_start3A_694 : memref<1x1000xf32, #tpu.memory_space<hbm>> -> memref<1000xf32, #tpu.memory_space<hbm>>
      %dma_start3A_696 = tpu.memref_slice %arg8[%dma_start3A_691, %add3A_22] : memref<16x320000xf32, #tpu.memory_space<hbm>> -> memref<1x1000xf32, #tpu.memory_space<hbm>>
      %dma_start3A_697 = tpu.memref_squeeze %dma_start3A_696 : memref<1x1000xf32, #tpu.memory_space<hbm>> -> memref<1000xf32, #tpu.memory_space<hbm>>
      %dma_start3A_698 = arith.constant 6000 : i32
      %dma_start3A_699 = tpu.memref_slice %arg17[%dma_start3A_698] : memref<16000xf32, #tpu.memory_space<vmem>> -> memref<1000xf32, #tpu.memory_space<vmem>>
      tpu.enqueue_dma source(%dma_start3A_699 : memref<1000xf32, #tpu.memory_space<vmem>>) target(%dma_start3A_697 : memref<1000xf32, #tpu.memory_space<hbm>>) target_semaphore(%arg21 : memref<!tpu.dma_semaphore, #tpu.memory_space<semaphore_mem>>)
      %dma_start3A_700 = arith.constant 7 : i32
      %dma_start3A_701 = arith.constant 7000 : i32
      %dma_start3A_702 = tpu.memref_slice %arg17[%dma_start3A_701] : memref<16000xf32, #tpu.memory_space<vmem>> -> memref<1000xf32, #tpu.memory_space<vmem>>
      %dma_start3A_703 = tpu.memref_slice %arg8[%dma_start3A_700, %add3A_22] : memref<16x320000xf32, #tpu.memory_space<hbm>> -> memref<1x1000xf32, #tpu.memory_space<hbm>>
      %dma_start3A_704 = tpu.memref_squeeze %dma_start3A_703 : memref<1x1000xf32, #tpu.memory_space<hbm>> -> memref<1000xf32, #tpu.memory_space<hbm>>
      %dma_start3A_705 = tpu.memref_slice %arg8[%dma_start3A_700, %add3A_22] : memref<16x320000xf32, #tpu.memory_space<hbm>> -> memref<1x1000xf32, #tpu.memory_space<hbm>>
      %dma_start3A_706 = tpu.memref_squeeze %dma_start3A_705 : memref<1x1000xf32, #tpu.memory_space<hbm>> -> memref<1000xf32, #tpu.memory_space<hbm>>
      %dma_start3A_707 = arith.constant 7000 : i32
      %dma_start3A_708 = tpu.memref_slice %arg17[%dma_start3A_707] : memref<16000xf32, #tpu.memory_space<vmem>> -> memref<1000xf32, #tpu.memory_space<vmem>>
      tpu.enqueue_dma source(%dma_start3A_708 : memref<1000xf32, #tpu.memory_space<vmem>>) target(%dma_start3A_706 : memref<1000xf32, #tpu.memory_space<hbm>>) target_semaphore(%arg21 : memref<!tpu.dma_semaphore, #tpu.memory_space<semaphore_mem>>)
      %dma_start3A_709 = arith.constant 8 : i32
      %dma_start3A_710 = arith.constant 8000 : i32
      %dma_start3A_711 = tpu.memref_slice %arg17[%dma_start3A_710] : memref<16000xf32, #tpu.memory_space<vmem>> -> memref<1000xf32, #tpu.memory_space<vmem>>
      %dma_start3A_712 = tpu.memref_slice %arg8[%dma_start3A_709, %add3A_22] : memref<16x320000xf32, #tpu.memory_space<hbm>> -> memref<1x1000xf32, #tpu.memory_space<hbm>>
      %dma_start3A_713 = tpu.memref_squeeze %dma_start3A_712 : memref<1x1000xf32, #tpu.memory_space<hbm>> -> memref<1000xf32, #tpu.memory_space<hbm>>
      %dma_start3A_714 = tpu.memref_slice %arg8[%dma_start3A_709, %add3A_22] : memref<16x320000xf32, #tpu.memory_space<hbm>> -> memref<1x1000xf32, #tpu.memory_space<hbm>>
      %dma_start3A_715 = tpu.memref_squeeze %dma_start3A_714 : memref<1x1000xf32, #tpu.memory_space<hbm>> -> memref<1000xf32, #tpu.memory_space<hbm>>
      %dma_start3A_716 = arith.constant 8000 : i32
      %dma_start3A_717 = tpu.memref_slice %arg17[%dma_start3A_716] : memref<16000xf32, #tpu.memory_space<vmem>> -> memref<1000xf32, #tpu.memory_space<vmem>>
      tpu.enqueue_dma source(%dma_start3A_717 : memref<1000xf32, #tpu.memory_space<vmem>>) target(%dma_start3A_715 : memref<1000xf32, #tpu.memory_space<hbm>>) target_semaphore(%arg21 : memref<!tpu.dma_semaphore, #tpu.memory_space<semaphore_mem>>)
      %dma_start3A_718 = arith.constant 9 : i32
      %dma_start3A_719 = arith.constant 9000 : i32
      %dma_start3A_720 = tpu.memref_slice %arg17[%dma_start3A_719] : memref<16000xf32, #tpu.memory_space<vmem>> -> memref<1000xf32, #tpu.memory_space<vmem>>
      %dma_start3A_721 = tpu.memref_slice %arg8[%dma_start3A_718, %add3A_22] : memref<16x320000xf32, #tpu.memory_space<hbm>> -> memref<1x1000xf32, #tpu.memory_space<hbm>>
      %dma_start3A_722 = tpu.memref_squeeze %dma_start3A_721 : memref<1x1000xf32, #tpu.memory_space<hbm>> -> memref<1000xf32, #tpu.memory_space<hbm>>
      %dma_start3A_723 = tpu.memref_slice %arg8[%dma_start3A_718, %add3A_22] : memref<16x320000xf32, #tpu.memory_space<hbm>> -> memref<1x1000xf32, #tpu.memory_space<hbm>>
      %dma_start3A_724 = tpu.memref_squeeze %dma_start3A_723 : memref<1x1000xf32, #tpu.memory_space<hbm>> -> memref<1000xf32, #tpu.memory_space<hbm>>
      %dma_start3A_725 = arith.constant 9000 : i32
      %dma_start3A_726 = tpu.memref_slice %arg17[%dma_start3A_725] : memref<16000xf32, #tpu.memory_space<vmem>> -> memref<1000xf32, #tpu.memory_space<vmem>>
      tpu.enqueue_dma source(%dma_start3A_726 : memref<1000xf32, #tpu.memory_space<vmem>>) target(%dma_start3A_724 : memref<1000xf32, #tpu.memory_space<hbm>>) target_semaphore(%arg21 : memref<!tpu.dma_semaphore, #tpu.memory_space<semaphore_mem>>)
      %dma_start3A_727 = arith.constant 10 : i32
      %dma_start3A_728 = arith.constant 10000 : i32
      %dma_start3A_729 = tpu.memref_slice %arg17[%dma_start3A_728] : memref<16000xf32, #tpu.memory_space<vmem>> -> memref<1000xf32, #tpu.memory_space<vmem>>
      %dma_start3A_730 = tpu.memref_slice %arg8[%dma_start3A_727, %add3A_22] : memref<16x320000xf32, #tpu.memory_space<hbm>> -> memref<1x1000xf32, #tpu.memory_space<hbm>>
      %dma_start3A_731 = tpu.memref_squeeze %dma_start3A_730 : memref<1x1000xf32, #tpu.memory_space<hbm>> -> memref<1000xf32, #tpu.memory_space<hbm>>
      %dma_start3A_732 = tpu.memref_slice %arg8[%dma_start3A_727, %add3A_22] : memref<16x320000xf32, #tpu.memory_space<hbm>> -> memref<1x1000xf32, #tpu.memory_space<hbm>>
      %dma_start3A_733 = tpu.memref_squeeze %dma_start3A_732 : memref<1x1000xf32, #tpu.memory_space<hbm>> -> memref<1000xf32, #tpu.memory_space<hbm>>
      %dma_start3A_734 = arith.constant 10000 : i32
      %dma_start3A_735 = tpu.memref_slice %arg17[%dma_start3A_734] : memref<16000xf32, #tpu.memory_space<vmem>> -> memref<1000xf32, #tpu.memory_space<vmem>>
      tpu.enqueue_dma source(%dma_start3A_735 : memref<1000xf32, #tpu.memory_space<vmem>>) target(%dma_start3A_733 : memref<1000xf32, #tpu.memory_space<hbm>>) target_semaphore(%arg21 : memref<!tpu.dma_semaphore, #tpu.memory_space<semaphore_mem>>)
      %dma_start3A_736 = arith.constant 11 : i32
      %dma_start3A_737 = arith.constant 11000 : i32
      %dma_start3A_738 = tpu.memref_slice %arg17[%dma_start3A_737] : memref<16000xf32, #tpu.memory_space<vmem>> -> memref<1000xf32, #tpu.memory_space<vmem>>
      %dma_start3A_739 = tpu.memref_slice %arg8[%dma_start3A_736, %add3A_22] : memref<16x320000xf32, #tpu.memory_space<hbm>> -> memref<1x1000xf32, #tpu.memory_space<hbm>>
      %dma_start3A_740 = tpu.memref_squeeze %dma_start3A_739 : memref<1x1000xf32, #tpu.memory_space<hbm>> -> memref<1000xf32, #tpu.memory_space<hbm>>
      %dma_start3A_741 = tpu.memref_slice %arg8[%dma_start3A_736, %add3A_22] : memref<16x320000xf32, #tpu.memory_space<hbm>> -> memref<1x1000xf32, #tpu.memory_space<hbm>>
      %dma_start3A_742 = tpu.memref_squeeze %dma_start3A_741 : memref<1x1000xf32, #tpu.memory_space<hbm>> -> memref<1000xf32, #tpu.memory_space<hbm>>
      %dma_start3A_743 = arith.constant 11000 : i32
      %dma_start3A_744 = tpu.memref_slice %arg17[%dma_start3A_743] : memref<16000xf32, #tpu.memory_space<vmem>> -> memref<1000xf32, #tpu.memory_space<vmem>>
      tpu.enqueue_dma source(%dma_start3A_744 : memref<1000xf32, #tpu.memory_space<vmem>>) target(%dma_start3A_742 : memref<1000xf32, #tpu.memory_space<hbm>>) target_semaphore(%arg21 : memref<!tpu.dma_semaphore, #tpu.memory_space<semaphore_mem>>)
      %dma_start3A_745 = arith.constant 12 : i32
      %dma_start3A_746 = arith.constant 12000 : i32
      %dma_start3A_747 = tpu.memref_slice %arg17[%dma_start3A_746] : memref<16000xf32, #tpu.memory_space<vmem>> -> memref<1000xf32, #tpu.memory_space<vmem>>
      %dma_start3A_748 = tpu.memref_slice %arg8[%dma_start3A_745, %add3A_22] : memref<16x320000xf32, #tpu.memory_space<hbm>> -> memref<1x1000xf32, #tpu.memory_space<hbm>>
      %dma_start3A_749 = tpu.memref_squeeze %dma_start3A_748 : memref<1x1000xf32, #tpu.memory_space<hbm>> -> memref<1000xf32, #tpu.memory_space<hbm>>
      %dma_start3A_750 = tpu.memref_slice %arg8[%dma_start3A_745, %add3A_22] : memref<16x320000xf32, #tpu.memory_space<hbm>> -> memref<1x1000xf32, #tpu.memory_space<hbm>>
      %dma_start3A_751 = tpu.memref_squeeze %dma_start3A_750 : memref<1x1000xf32, #tpu.memory_space<hbm>> -> memref<1000xf32, #tpu.memory_space<hbm>>
      %dma_start3A_752 = arith.constant 12000 : i32
      %dma_start3A_753 = tpu.memref_slice %arg17[%dma_start3A_752] : memref<16000xf32, #tpu.memory_space<vmem>> -> memref<1000xf32, #tpu.memory_space<vmem>>
      tpu.enqueue_dma source(%dma_start3A_753 : memref<1000xf32, #tpu.memory_space<vmem>>) target(%dma_start3A_751 : memref<1000xf32, #tpu.memory_space<hbm>>) target_semaphore(%arg21 : memref<!tpu.dma_semaphore, #tpu.memory_space<semaphore_mem>>)
      %dma_start3A_754 = arith.constant 13 : i32
      %dma_start3A_755 = arith.constant 13000 : i32
      %dma_start3A_756 = tpu.memref_slice %arg17[%dma_start3A_755] : memref<16000xf32, #tpu.memory_space<vmem>> -> memref<1000xf32, #tpu.memory_space<vmem>>
      %dma_start3A_757 = tpu.memref_slice %arg8[%dma_start3A_754, %add3A_22] : memref<16x320000xf32, #tpu.memory_space<hbm>> -> memref<1x1000xf32, #tpu.memory_space<hbm>>
      %dma_start3A_758 = tpu.memref_squeeze %dma_start3A_757 : memref<1x1000xf32, #tpu.memory_space<hbm>> -> memref<1000xf32, #tpu.memory_space<hbm>>
      %dma_start3A_759 = tpu.memref_slice %arg8[%dma_start3A_754, %add3A_22] : memref<16x320000xf32, #tpu.memory_space<hbm>> -> memref<1x1000xf32, #tpu.memory_space<hbm>>
      %dma_start3A_760 = tpu.memref_squeeze %dma_start3A_759 : memref<1x1000xf32, #tpu.memory_space<hbm>> -> memref<1000xf32, #tpu.memory_space<hbm>>
      %dma_start3A_761 = arith.constant 13000 : i32
      %dma_start3A_762 = tpu.memref_slice %arg17[%dma_start3A_761] : memref<16000xf32, #tpu.memory_space<vmem>> -> memref<1000xf32, #tpu.memory_space<vmem>>
      tpu.enqueue_dma source(%dma_start3A_762 : memref<1000xf32, #tpu.memory_space<vmem>>) target(%dma_start3A_760 : memref<1000xf32, #tpu.memory_space<hbm>>) target_semaphore(%arg21 : memref<!tpu.dma_semaphore, #tpu.memory_space<semaphore_mem>>)
      %dma_start3A_763 = arith.constant 14 : i32
      %dma_start3A_764 = arith.constant 14000 : i32
      %dma_start3A_765 = tpu.memref_slice %arg17[%dma_start3A_764] : memref<16000xf32, #tpu.memory_space<vmem>> -> memref<1000xf32, #tpu.memory_space<vmem>>
      %dma_start3A_766 = tpu.memref_slice %arg8[%dma_start3A_763, %add3A_22] : memref<16x320000xf32, #tpu.memory_space<hbm>> -> memref<1x1000xf32, #tpu.memory_space<hbm>>
      %dma_start3A_767 = tpu.memref_squeeze %dma_start3A_766 : memref<1x1000xf32, #tpu.memory_space<hbm>> -> memref<1000xf32, #tpu.memory_space<hbm>>
      %dma_start3A_768 = tpu.memref_slice %arg8[%dma_start3A_763, %add3A_22] : memref<16x320000xf32, #tpu.memory_space<hbm>> -> memref<1x1000xf32, #tpu.memory_space<hbm>>
      %dma_start3A_769 = tpu.memref_squeeze %dma_start3A_768 : memref<1x1000xf32, #tpu.memory_space<hbm>> -> memref<1000xf32, #tpu.memory_space<hbm>>
      %dma_start3A_770 = arith.constant 14000 : i32
      %dma_start3A_771 = tpu.memref_slice %arg17[%dma_start3A_770] : memref<16000xf32, #tpu.memory_space<vmem>> -> memref<1000xf32, #tpu.memory_space<vmem>>
      tpu.enqueue_dma source(%dma_start3A_771 : memref<1000xf32, #tpu.memory_space<vmem>>) target(%dma_start3A_769 : memref<1000xf32, #tpu.memory_space<hbm>>) target_semaphore(%arg21 : memref<!tpu.dma_semaphore, #tpu.memory_space<semaphore_mem>>)
      %dma_start3A_772 = arith.constant 15 : i32
      %dma_start3A_773 = arith.constant 15000 : i32
      %dma_start3A_774 = tpu.memref_slice %arg17[%dma_start3A_773] : memref<16000xf32, #tpu.memory_space<vmem>> -> memref<1000xf32, #tpu.memory_space<vmem>>
      %dma_start3A_775 = tpu.memref_slice %arg8[%dma_start3A_772, %add3A_22] : memref<16x320000xf32, #tpu.memory_space<hbm>> -> memref<1x1000xf32, #tpu.memory_space<hbm>>
      %dma_start3A_776 = tpu.memref_squeeze %dma_start3A_775 : memref<1x1000xf32, #tpu.memory_space<hbm>> -> memref<1000xf32, #tpu.memory_space<hbm>>
      %dma_start3A_777 = tpu.memref_slice %arg8[%dma_start3A_772, %add3A_22] : memref<16x320000xf32, #tpu.memory_space<hbm>> -> memref<1x1000xf32, #tpu.memory_space<hbm>>
      %dma_start3A_778 = tpu.memref_squeeze %dma_start3A_777 : memref<1x1000xf32, #tpu.memory_space<hbm>> -> memref<1000xf32, #tpu.memory_space<hbm>>
      %dma_start3A_779 = arith.constant 15000 : i32
      %dma_start3A_780 = tpu.memref_slice %arg17[%dma_start3A_779] : memref<16000xf32, #tpu.memory_space<vmem>> -> memref<1000xf32, #tpu.memory_space<vmem>>
      tpu.enqueue_dma source(%dma_start3A_780 : memref<1000xf32, #tpu.memory_space<vmem>>) target(%dma_start3A_778 : memref<1000xf32, #tpu.memory_space<hbm>>) target_semaphore(%arg21 : memref<!tpu.dma_semaphore, #tpu.memory_space<semaphore_mem>>)
      %dma_start3A_781 = arith.constant 0 : i32
      %dma_start3A_782 = arith.constant 0 : i32
      %dma_start3A_783 = arith.constant 0 : i32
      %dma_start3A_784 = tpu.memref_slice %arg16[%dma_start3A_782, %dma_start3A_783] : memref<1000x16xf32, #tpu.memory_space<vmem>> -> memref<125x16xf32, #tpu.memory_space<vmem>>
      %dma_start3A_785 = arith.constant 0 : i32
      %dma_start3A_786 = tpu.memref_slice %arg12[%dma_start3A_781, %dma_start3A_785] : memref<8x125xi32, #tpu.memory_space<vmem>> -> memref<1x125xi32, #tpu.memory_space<vmem>>
      %dma_start3A_787 = tpu.memref_squeeze %dma_start3A_786 : memref<1x125xi32, #tpu.memory_space<vmem>> -> memref<125xi32, #tpu.memory_space<vmem>>
      %dma_start3A_788 = arith.constant 0 : i32
      %dma_start3A_789 = arith.constant 0 : i32
      %dma_start3A_790 = tpu.memref_slice %arg19[%dma_start3A_788, %dma_start3A_789] : memref<10000x16xf32, #tpu.memory_space<vmem_shared>> -> memref<10000x16xf32, #tpu.memory_space<vmem_shared>>
      tpu.enqueue_indirect_dma source(%dma_start3A_784 : memref<125x16xf32, #tpu.memory_space<vmem>>) target(%dma_start3A_790 : memref<10000x16xf32, #tpu.memory_space<vmem_shared>>) offsets(%dma_start3A_787 : memref<125xi32, #tpu.memory_space<vmem>>) semaphore(%arg22 : memref<!tpu.dma_semaphore, #tpu.memory_space<semaphore_mem>>) {add = true}
      %dma_start3A_791 = arith.constant 0 : i32
      %dma_start3A_792 = arith.constant 0 : i32
      %dma_start3A_793 = tpu.memref_slice %arg12[%dma_start3A_791, %dma_start3A_792] : memref<8x125xi32, #tpu.memory_space<vmem>> -> memref<1x125xi32, #tpu.memory_space<vmem>>
      %dma_start3A_794 = tpu.memref_squeeze %dma_start3A_793 : memref<1x125xi32, #tpu.memory_space<vmem>> -> memref<125xi32, #tpu.memory_space<vmem>>
      %dma_start3A_795 = arith.constant 0 : i32
      %dma_start3A_796 = arith.constant 0 : i32
      %dma_start3A_797 = tpu.memref_slice %arg20[%dma_start3A_795, %dma_start3A_796] : memref<10000x16xf32, #tpu.memory_space<vmem_shared>> -> memref<10000x16xf32, #tpu.memory_space<vmem_shared>>
      tpu.enqueue_indirect_dma source(%arg18 : memref<125x16xf32, #tpu.memory_space<vmem>>) target(%dma_start3A_797 : memref<10000x16xf32, #tpu.memory_space<vmem_shared>>) offsets(%dma_start3A_794 : memref<125xi32, #tpu.memory_space<vmem>>) semaphore(%arg22 : memref<!tpu.dma_semaphore, #tpu.memory_space<semaphore_mem>>) {add = true}
      %dma_start3A_798 = arith.constant 1 : i32
      %dma_start3A_799 = arith.constant 125 : i32
      %dma_start3A_800 = arith.constant 0 : i32
      %dma_start3A_801 = tpu.memref_slice %arg16[%dma_start3A_799, %dma_start3A_800] : memref<1000x16xf32, #tpu.memory_space<vmem>> -> memref<125x16xf32, #tpu.memory_space<vmem>>
      %dma_start3A_802 = arith.constant 0 : i32
      %dma_start3A_803 = tpu.memref_slice %arg12[%dma_start3A_798, %dma_start3A_802] : memref<8x125xi32, #tpu.memory_space<vmem>> -> memref<1x125xi32, #tpu.memory_space<vmem>>
      %dma_start3A_804 = tpu.memref_squeeze %dma_start3A_803 : memref<1x125xi32, #tpu.memory_space<vmem>> -> memref<125xi32, #tpu.memory_space<vmem>>
      %dma_start3A_805 = arith.constant 0 : i32
      %dma_start3A_806 = arith.constant 0 : i32
      %dma_start3A_807 = tpu.memref_slice %arg19[%dma_start3A_805, %dma_start3A_806] : memref<10000x16xf32, #tpu.memory_space<vmem_shared>> -> memref<10000x16xf32, #tpu.memory_space<vmem_shared>>
      tpu.enqueue_indirect_dma source(%dma_start3A_801 : memref<125x16xf32, #tpu.memory_space<vmem>>) target(%dma_start3A_807 : memref<10000x16xf32, #tpu.memory_space<vmem_shared>>) offsets(%dma_start3A_804 : memref<125xi32, #tpu.memory_space<vmem>>) semaphore(%arg22 : memref<!tpu.dma_semaphore, #tpu.memory_space<semaphore_mem>>) {add = true}
      %dma_start3A_808 = arith.constant 1 : i32
      %dma_start3A_809 = arith.constant 0 : i32
      %dma_start3A_810 = tpu.memref_slice %arg12[%dma_start3A_808, %dma_start3A_809] : memref<8x125xi32, #tpu.memory_space<vmem>> -> memref<1x125xi32, #tpu.memory_space<vmem>>
      %dma_start3A_811 = tpu.memref_squeeze %dma_start3A_810 : memref<1x125xi32, #tpu.memory_space<vmem>> -> memref<125xi32, #tpu.memory_space<vmem>>
      %dma_start3A_812 = arith.constant 0 : i32
      %dma_start3A_813 = arith.constant 0 : i32
      %dma_start3A_814 = tpu.memref_slice %arg20[%dma_start3A_812, %dma_start3A_813] : memref<10000x16xf32, #tpu.memory_space<vmem_shared>> -> memref<10000x16xf32, #tpu.memory_space<vmem_shared>>
      tpu.enqueue_indirect_dma source(%arg18 : memref<125x16xf32, #tpu.memory_space<vmem>>) target(%dma_start3A_814 : memref<10000x16xf32, #tpu.memory_space<vmem_shared>>) offsets(%dma_start3A_811 : memref<125xi32, #tpu.memory_space<vmem>>) semaphore(%arg22 : memref<!tpu.dma_semaphore, #tpu.memory_space<semaphore_mem>>) {add = true}
      %dma_start3A_815 = arith.constant 2 : i32
      %dma_start3A_816 = arith.constant 250 : i32
      %dma_start3A_817 = arith.constant 0 : i32
      %dma_start3A_818 = tpu.memref_slice %arg16[%dma_start3A_816, %dma_start3A_817] : memref<1000x16xf32, #tpu.memory_space<vmem>> -> memref<125x16xf32, #tpu.memory_space<vmem>>
      %dma_start3A_819 = arith.constant 0 : i32
      %dma_start3A_820 = tpu.memref_slice %arg12[%dma_start3A_815, %dma_start3A_819] : memref<8x125xi32, #tpu.memory_space<vmem>> -> memref<1x125xi32, #tpu.memory_space<vmem>>
      %dma_start3A_821 = tpu.memref_squeeze %dma_start3A_820 : memref<1x125xi32, #tpu.memory_space<vmem>> -> memref<125xi32, #tpu.memory_space<vmem>>
      %dma_start3A_822 = arith.constant 0 : i32
      %dma_start3A_823 = arith.constant 0 : i32
      %dma_start3A_824 = tpu.memref_slice %arg19[%dma_start3A_822, %dma_start3A_823] : memref<10000x16xf32, #tpu.memory_space<vmem_shared>> -> memref<10000x16xf32, #tpu.memory_space<vmem_shared>>
      tpu.enqueue_indirect_dma source(%dma_start3A_818 : memref<125x16xf32, #tpu.memory_space<vmem>>) target(%dma_start3A_824 : memref<10000x16xf32, #tpu.memory_space<vmem_shared>>) offsets(%dma_start3A_821 : memref<125xi32, #tpu.memory_space<vmem>>) semaphore(%arg22 : memref<!tpu.dma_semaphore, #tpu.memory_space<semaphore_mem>>) {add = true}
      %dma_start3A_825 = arith.constant 2 : i32
      %dma_start3A_826 = arith.constant 0 : i32
      %dma_start3A_827 = tpu.memref_slice %arg12[%dma_start3A_825, %dma_start3A_826] : memref<8x125xi32, #tpu.memory_space<vmem>> -> memref<1x125xi32, #tpu.memory_space<vmem>>
      %dma_start3A_828 = tpu.memref_squeeze %dma_start3A_827 : memref<1x125xi32, #tpu.memory_space<vmem>> -> memref<125xi32, #tpu.memory_space<vmem>>
      %dma_start3A_829 = arith.constant 0 : i32
      %dma_start3A_830 = arith.constant 0 : i32
      %dma_start3A_831 = tpu.memref_slice %arg20[%dma_start3A_829, %dma_start3A_830] : memref<10000x16xf32, #tpu.memory_space<vmem_shared>> -> memref<10000x16xf32, #tpu.memory_space<vmem_shared>>
      tpu.enqueue_indirect_dma source(%arg18 : memref<125x16xf32, #tpu.memory_space<vmem>>) target(%dma_start3A_831 : memref<10000x16xf32, #tpu.memory_space<vmem_shared>>) offsets(%dma_start3A_828 : memref<125xi32, #tpu.memory_space<vmem>>) semaphore(%arg22 : memref<!tpu.dma_semaphore, #tpu.memory_space<semaphore_mem>>) {add = true}
      %dma_start3A_832 = arith.constant 3 : i32
      %dma_start3A_833 = arith.constant 375 : i32
      %dma_start3A_834 = arith.constant 0 : i32
      %dma_start3A_835 = tpu.memref_slice %arg16[%dma_start3A_833, %dma_start3A_834] : memref<1000x16xf32, #tpu.memory_space<vmem>> -> memref<125x16xf32, #tpu.memory_space<vmem>>
      %dma_start3A_836 = arith.constant 0 : i32
      %dma_start3A_837 = tpu.memref_slice %arg12[%dma_start3A_832, %dma_start3A_836] : memref<8x125xi32, #tpu.memory_space<vmem>> -> memref<1x125xi32, #tpu.memory_space<vmem>>
      %dma_start3A_838 = tpu.memref_squeeze %dma_start3A_837 : memref<1x125xi32, #tpu.memory_space<vmem>> -> memref<125xi32, #tpu.memory_space<vmem>>
      %dma_start3A_839 = arith.constant 0 : i32
      %dma_start3A_840 = arith.constant 0 : i32
      %dma_start3A_841 = tpu.memref_slice %arg19[%dma_start3A_839, %dma_start3A_840] : memref<10000x16xf32, #tpu.memory_space<vmem_shared>> -> memref<10000x16xf32, #tpu.memory_space<vmem_shared>>
      tpu.enqueue_indirect_dma source(%dma_start3A_835 : memref<125x16xf32, #tpu.memory_space<vmem>>) target(%dma_start3A_841 : memref<10000x16xf32, #tpu.memory_space<vmem_shared>>) offsets(%dma_start3A_838 : memref<125xi32, #tpu.memory_space<vmem>>) semaphore(%arg22 : memref<!tpu.dma_semaphore, #tpu.memory_space<semaphore_mem>>) {add = true}
      %dma_start3A_842 = arith.constant 3 : i32
      %dma_start3A_843 = arith.constant 0 : i32
      %dma_start3A_844 = tpu.memref_slice %arg12[%dma_start3A_842, %dma_start3A_843] : memref<8x125xi32, #tpu.memory_space<vmem>> -> memref<1x125xi32, #tpu.memory_space<vmem>>
      %dma_start3A_845 = tpu.memref_squeeze %dma_start3A_844 : memref<1x125xi32, #tpu.memory_space<vmem>> -> memref<125xi32, #tpu.memory_space<vmem>>
      %dma_start3A_846 = arith.constant 0 : i32
      %dma_start3A_847 = arith.constant 0 : i32
      %dma_start3A_848 = tpu.memref_slice %arg20[%dma_start3A_846, %dma_start3A_847] : memref<10000x16xf32, #tpu.memory_space<vmem_shared>> -> memref<10000x16xf32, #tpu.memory_space<vmem_shared>>
      tpu.enqueue_indirect_dma source(%arg18 : memref<125x16xf32, #tpu.memory_space<vmem>>) target(%dma_start3A_848 : memref<10000x16xf32, #tpu.memory_space<vmem_shared>>) offsets(%dma_start3A_845 : memref<125xi32, #tpu.memory_space<vmem>>) semaphore(%arg22 : memref<!tpu.dma_semaphore, #tpu.memory_space<semaphore_mem>>) {add = true}
      %dma_start3A_849 = arith.constant 4 : i32
      %dma_start3A_850 = arith.constant 500 : i32
      %dma_start3A_851 = arith.constant 0 : i32
      %dma_start3A_852 = tpu.memref_slice %arg16[%dma_start3A_850, %dma_start3A_851] : memref<1000x16xf32, #tpu.memory_space<vmem>> -> memref<125x16xf32, #tpu.memory_space<vmem>>
      %dma_start3A_853 = arith.constant 0 : i32
      %dma_start3A_854 = tpu.memref_slice %arg12[%dma_start3A_849, %dma_start3A_853] : memref<8x125xi32, #tpu.memory_space<vmem>> -> memref<1x125xi32, #tpu.memory_space<vmem>>
      %dma_start3A_855 = tpu.memref_squeeze %dma_start3A_854 : memref<1x125xi32, #tpu.memory_space<vmem>> -> memref<125xi32, #tpu.memory_space<vmem>>
      %dma_start3A_856 = arith.constant 0 : i32
      %dma_start3A_857 = arith.constant 0 : i32
      %dma_start3A_858 = tpu.memref_slice %arg19[%dma_start3A_856, %dma_start3A_857] : memref<10000x16xf32, #tpu.memory_space<vmem_shared>> -> memref<10000x16xf32, #tpu.memory_space<vmem_shared>>
      tpu.enqueue_indirect_dma source(%dma_start3A_852 : memref<125x16xf32, #tpu.memory_space<vmem>>) target(%dma_start3A_858 : memref<10000x16xf32, #tpu.memory_space<vmem_shared>>) offsets(%dma_start3A_855 : memref<125xi32, #tpu.memory_space<vmem>>) semaphore(%arg22 : memref<!tpu.dma_semaphore, #tpu.memory_space<semaphore_mem>>) {add = true}
      %dma_start3A_859 = arith.constant 4 : i32
      %dma_start3A_860 = arith.constant 0 : i32
      %dma_start3A_861 = tpu.memref_slice %arg12[%dma_start3A_859, %dma_start3A_860] : memref<8x125xi32, #tpu.memory_space<vmem>> -> memref<1x125xi32, #tpu.memory_space<vmem>>
      %dma_start3A_862 = tpu.memref_squeeze %dma_start3A_861 : memref<1x125xi32, #tpu.memory_space<vmem>> -> memref<125xi32, #tpu.memory_space<vmem>>
      %dma_start3A_863 = arith.constant 0 : i32
      %dma_start3A_864 = arith.constant 0 : i32
      %dma_start3A_865 = tpu.memref_slice %arg20[%dma_start3A_863, %dma_start3A_864] : memref<10000x16xf32, #tpu.memory_space<vmem_shared>> -> memref<10000x16xf32, #tpu.memory_space<vmem_shared>>
      tpu.enqueue_indirect_dma source(%arg18 : memref<125x16xf32, #tpu.memory_space<vmem>>) target(%dma_start3A_865 : memref<10000x16xf32, #tpu.memory_space<vmem_shared>>) offsets(%dma_start3A_862 : memref<125xi32, #tpu.memory_space<vmem>>) semaphore(%arg22 : memref<!tpu.dma_semaphore, #tpu.memory_space<semaphore_mem>>) {add = true}
      %dma_start3A_866 = arith.constant 5 : i32
      %dma_start3A_867 = arith.constant 625 : i32
      %dma_start3A_868 = arith.constant 0 : i32
      %dma_start3A_869 = tpu.memref_slice %arg16[%dma_start3A_867, %dma_start3A_868] : memref<1000x16xf32, #tpu.memory_space<vmem>> -> memref<125x16xf32, #tpu.memory_space<vmem>>
      %dma_start3A_870 = arith.constant 0 : i32
      %dma_start3A_871 = tpu.memref_slice %arg12[%dma_start3A_866, %dma_start3A_870] : memref<8x125xi32, #tpu.memory_space<vmem>> -> memref<1x125xi32, #tpu.memory_space<vmem>>
      %dma_start3A_872 = tpu.memref_squeeze %dma_start3A_871 : memref<1x125xi32, #tpu.memory_space<vmem>> -> memref<125xi32, #tpu.memory_space<vmem>>
      %dma_start3A_873 = arith.constant 0 : i32
      %dma_start3A_874 = arith.constant 0 : i32
      %dma_start3A_875 = tpu.memref_slice %arg19[%dma_start3A_873, %dma_start3A_874] : memref<10000x16xf32, #tpu.memory_space<vmem_shared>> -> memref<10000x16xf32, #tpu.memory_space<vmem_shared>>
      tpu.enqueue_indirect_dma source(%dma_start3A_869 : memref<125x16xf32, #tpu.memory_space<vmem>>) target(%dma_start3A_875 : memref<10000x16xf32, #tpu.memory_space<vmem_shared>>) offsets(%dma_start3A_872 : memref<125xi32, #tpu.memory_space<vmem>>) semaphore(%arg22 : memref<!tpu.dma_semaphore, #tpu.memory_space<semaphore_mem>>) {add = true}
      %dma_start3A_876 = arith.constant 5 : i32
      %dma_start3A_877 = arith.constant 0 : i32
      %dma_start3A_878 = tpu.memref_slice %arg12[%dma_start3A_876, %dma_start3A_877] : memref<8x125xi32, #tpu.memory_space<vmem>> -> memref<1x125xi32, #tpu.memory_space<vmem>>
      %dma_start3A_879 = tpu.memref_squeeze %dma_start3A_878 : memref<1x125xi32, #tpu.memory_space<vmem>> -> memref<125xi32, #tpu.memory_space<vmem>>
      %dma_start3A_880 = arith.constant 0 : i32
      %dma_start3A_881 = arith.constant 0 : i32
      %dma_start3A_882 = tpu.memref_slice %arg20[%dma_start3A_880, %dma_start3A_881] : memref<10000x16xf32, #tpu.memory_space<vmem_shared>> -> memref<10000x16xf32, #tpu.memory_space<vmem_shared>>
      tpu.enqueue_indirect_dma source(%arg18 : memref<125x16xf32, #tpu.memory_space<vmem>>) target(%dma_start3A_882 : memref<10000x16xf32, #tpu.memory_space<vmem_shared>>) offsets(%dma_start3A_879 : memref<125xi32, #tpu.memory_space<vmem>>) semaphore(%arg22 : memref<!tpu.dma_semaphore, #tpu.memory_space<semaphore_mem>>) {add = true}
      %dma_start3A_883 = arith.constant 6 : i32
      %dma_start3A_884 = arith.constant 750 : i32
      %dma_start3A_885 = arith.constant 0 : i32
      %dma_start3A_886 = tpu.memref_slice %arg16[%dma_start3A_884, %dma_start3A_885] : memref<1000x16xf32, #tpu.memory_space<vmem>> -> memref<125x16xf32, #tpu.memory_space<vmem>>
      %dma_start3A_887 = arith.constant 0 : i32
      %dma_start3A_888 = tpu.memref_slice %arg12[%dma_start3A_883, %dma_start3A_887] : memref<8x125xi32, #tpu.memory_space<vmem>> -> memref<1x125xi32, #tpu.memory_space<vmem>>
      %dma_start3A_889 = tpu.memref_squeeze %dma_start3A_888 : memref<1x125xi32, #tpu.memory_space<vmem>> -> memref<125xi32, #tpu.memory_space<vmem>>
      %dma_start3A_890 = arith.constant 0 : i32
      %dma_start3A_891 = arith.constant 0 : i32
      %dma_start3A_892 = tpu.memref_slice %arg19[%dma_start3A_890, %dma_start3A_891] : memref<10000x16xf32, #tpu.memory_space<vmem_shared>> -> memref<10000x16xf32, #tpu.memory_space<vmem_shared>>
      tpu.enqueue_indirect_dma source(%dma_start3A_886 : memref<125x16xf32, #tpu.memory_space<vmem>>) target(%dma_start3A_892 : memref<10000x16xf32, #tpu.memory_space<vmem_shared>>) offsets(%dma_start3A_889 : memref<125xi32, #tpu.memory_space<vmem>>) semaphore(%arg22 : memref<!tpu.dma_semaphore, #tpu.memory_space<semaphore_mem>>) {add = true}
      %dma_start3A_893 = arith.constant 6 : i32
      %dma_start3A_894 = arith.constant 0 : i32
      %dma_start3A_895 = tpu.memref_slice %arg12[%dma_start3A_893, %dma_start3A_894] : memref<8x125xi32, #tpu.memory_space<vmem>> -> memref<1x125xi32, #tpu.memory_space<vmem>>
      %dma_start3A_896 = tpu.memref_squeeze %dma_start3A_895 : memref<1x125xi32, #tpu.memory_space<vmem>> -> memref<125xi32, #tpu.memory_space<vmem>>
      %dma_start3A_897 = arith.constant 0 : i32
      %dma_start3A_898 = arith.constant 0 : i32
      %dma_start3A_899 = tpu.memref_slice %arg20[%dma_start3A_897, %dma_start3A_898] : memref<10000x16xf32, #tpu.memory_space<vmem_shared>> -> memref<10000x16xf32, #tpu.memory_space<vmem_shared>>
      tpu.enqueue_indirect_dma source(%arg18 : memref<125x16xf32, #tpu.memory_space<vmem>>) target(%dma_start3A_899 : memref<10000x16xf32, #tpu.memory_space<vmem_shared>>) offsets(%dma_start3A_896 : memref<125xi32, #tpu.memory_space<vmem>>) semaphore(%arg22 : memref<!tpu.dma_semaphore, #tpu.memory_space<semaphore_mem>>) {add = true}
      %dma_start3A_900 = arith.constant 7 : i32
      %dma_start3A_901 = arith.constant 875 : i32
      %dma_start3A_902 = arith.constant 0 : i32
      %dma_start3A_903 = tpu.memref_slice %arg16[%dma_start3A_901, %dma_start3A_902] : memref<1000x16xf32, #tpu.memory_space<vmem>> -> memref<125x16xf32, #tpu.memory_space<vmem>>
      %dma_start3A_904 = arith.constant 0 : i32
      %dma_start3A_905 = tpu.memref_slice %arg12[%dma_start3A_900, %dma_start3A_904] : memref<8x125xi32, #tpu.memory_space<vmem>> -> memref<1x125xi32, #tpu.memory_space<vmem>>
      %dma_start3A_906 = tpu.memref_squeeze %dma_start3A_905 : memref<1x125xi32, #tpu.memory_space<vmem>> -> memref<125xi32, #tpu.memory_space<vmem>>
      %dma_start3A_907 = arith.constant 0 : i32
      %dma_start3A_908 = arith.constant 0 : i32
      %dma_start3A_909 = tpu.memref_slice %arg19[%dma_start3A_907, %dma_start3A_908] : memref<10000x16xf32, #tpu.memory_space<vmem_shared>> -> memref<10000x16xf32, #tpu.memory_space<vmem_shared>>
      tpu.enqueue_indirect_dma source(%dma_start3A_903 : memref<125x16xf32, #tpu.memory_space<vmem>>) target(%dma_start3A_909 : memref<10000x16xf32, #tpu.memory_space<vmem_shared>>) offsets(%dma_start3A_906 : memref<125xi32, #tpu.memory_space<vmem>>) semaphore(%arg22 : memref<!tpu.dma_semaphore, #tpu.memory_space<semaphore_mem>>) {add = true}
      %dma_start3A_910 = arith.constant 7 : i32
      %dma_start3A_911 = arith.constant 0 : i32
      %dma_start3A_912 = tpu.memref_slice %arg12[%dma_start3A_910, %dma_start3A_911] : memref<8x125xi32, #tpu.memory_space<vmem>> -> memref<1x125xi32, #tpu.memory_space<vmem>>
      %dma_start3A_913 = tpu.memref_squeeze %dma_start3A_912 : memref<1x125xi32, #tpu.memory_space<vmem>> -> memref<125xi32, #tpu.memory_space<vmem>>
      %dma_start3A_914 = arith.constant 0 : i32
      %dma_start3A_915 = arith.constant 0 : i32
      %dma_start3A_916 = tpu.memref_slice %arg20[%dma_start3A_914, %dma_start3A_915] : memref<10000x16xf32, #tpu.memory_space<vmem_shared>> -> memref<10000x16xf32, #tpu.memory_space<vmem_shared>>
      tpu.enqueue_indirect_dma source(%arg18 : memref<125x16xf32, #tpu.memory_space<vmem>>) target(%dma_start3A_916 : memref<10000x16xf32, #tpu.memory_space<vmem_shared>>) offsets(%dma_start3A_913 : memref<125xi32, #tpu.memory_space<vmem>>) semaphore(%arg22 : memref<!tpu.dma_semaphore, #tpu.memory_space<semaphore_mem>>) {add = true}
      %dma_wait3A_917 = arith.constant 0 : i32
      %dma_wait3A_918 = arith.constant 0 : i32
      %dma_wait3A_919 = tpu.memref_slice %arg17[%dma_wait3A_918] : memref<16000xf32, #tpu.memory_space<vmem>> -> memref<1000xf32, #tpu.memory_space<vmem>>
      %dma_wait3A_920 = tpu.memref_slice %arg8[%dma_wait3A_917, %add3A_22] : memref<16x320000xf32, #tpu.memory_space<hbm>> -> memref<1x1000xf32, #tpu.memory_space<hbm>>
      %dma_wait3A_921 = tpu.memref_squeeze %dma_wait3A_920 : memref<1x1000xf32, #tpu.memory_space<hbm>> -> memref<1000xf32, #tpu.memory_space<hbm>>
      %dma_wait3A_922 = tpu.memref_slice %arg8[%dma_wait3A_917, %add3A_22] : memref<16x320000xf32, #tpu.memory_space<hbm>> -> memref<1x1000xf32, #tpu.memory_space<hbm>>
      %dma_wait3A_923 = tpu.memref_squeeze %dma_wait3A_922 : memref<1x1000xf32, #tpu.memory_space<hbm>> -> memref<1000xf32, #tpu.memory_space<hbm>>
      %dma_wait3A_924 = arith.constant 0 : i32
      %dma_wait3A_925 = tpu.memref_slice %arg17[%dma_wait3A_924] : memref<16000xf32, #tpu.memory_space<vmem>> -> memref<1000xf32, #tpu.memory_space<vmem>>
      tpu.wait_dma2 semaphore(%arg21 : memref<!tpu.dma_semaphore, #tpu.memory_space<semaphore_mem>>) src(%dma_wait3A_925 : memref<1000xf32, #tpu.memory_space<vmem>>) dst(%dma_wait3A_923 : memref<1000xf32, #tpu.memory_space<hbm>>)
      %dma_wait3A_926 = arith.constant 1 : i32
      %dma_wait3A_927 = arith.constant 1000 : i32
      %dma_wait3A_928 = tpu.memref_slice %arg17[%dma_wait3A_927] : memref<16000xf32, #tpu.memory_space<vmem>> -> memref<1000xf32, #tpu.memory_space<vmem>>
      %dma_wait3A_929 = tpu.memref_slice %arg8[%dma_wait3A_926, %add3A_22] : memref<16x320000xf32, #tpu.memory_space<hbm>> -> memref<1x1000xf32, #tpu.memory_space<hbm>>
      %dma_wait3A_930 = tpu.memref_squeeze %dma_wait3A_929 : memref<1x1000xf32, #tpu.memory_space<hbm>> -> memref<1000xf32, #tpu.memory_space<hbm>>
      %dma_wait3A_931 = tpu.memref_slice %arg8[%dma_wait3A_926, %add3A_22] : memref<16x320000xf32, #tpu.memory_space<hbm>> -> memref<1x1000xf32, #tpu.memory_space<hbm>>
      %dma_wait3A_932 = tpu.memref_squeeze %dma_wait3A_931 : memref<1x1000xf32, #tpu.memory_space<hbm>> -> memref<1000xf32, #tpu.memory_space<hbm>>
      %dma_wait3A_933 = arith.constant 1000 : i32
      %dma_wait3A_934 = tpu.memref_slice %arg17[%dma_wait3A_933] : memref<16000xf32, #tpu.memory_space<vmem>> -> memref<1000xf32, #tpu.memory_space<vmem>>
      tpu.wait_dma2 semaphore(%arg21 : memref<!tpu.dma_semaphore, #tpu.memory_space<semaphore_mem>>) src(%dma_wait3A_934 : memref<1000xf32, #tpu.memory_space<vmem>>) dst(%dma_wait3A_932 : memref<1000xf32, #tpu.memory_space<hbm>>)
      %dma_wait3A_935 = arith.constant 2 : i32
      %dma_wait3A_936 = arith.constant 2000 : i32
      %dma_wait3A_937 = tpu.memref_slice %arg17[%dma_wait3A_936] : memref<16000xf32, #tpu.memory_space<vmem>> -> memref<1000xf32, #tpu.memory_space<vmem>>
      %dma_wait3A_938 = tpu.memref_slice %arg8[%dma_wait3A_935, %add3A_22] : memref<16x320000xf32, #tpu.memory_space<hbm>> -> memref<1x1000xf32, #tpu.memory_space<hbm>>
      %dma_wait3A_939 = tpu.memref_squeeze %dma_wait3A_938 : memref<1x1000xf32, #tpu.memory_space<hbm>> -> memref<1000xf32, #tpu.memory_space<hbm>>
      %dma_wait3A_940 = tpu.memref_slice %arg8[%dma_wait3A_935, %add3A_22] : memref<16x320000xf32, #tpu.memory_space<hbm>> -> memref<1x1000xf32, #tpu.memory_space<hbm>>
      %dma_wait3A_941 = tpu.memref_squeeze %dma_wait3A_940 : memref<1x1000xf32, #tpu.memory_space<hbm>> -> memref<1000xf32, #tpu.memory_space<hbm>>
      %dma_wait3A_942 = arith.constant 2000 : i32
      %dma_wait3A_943 = tpu.memref_slice %arg17[%dma_wait3A_942] : memref<16000xf32, #tpu.memory_space<vmem>> -> memref<1000xf32, #tpu.memory_space<vmem>>
      tpu.wait_dma2 semaphore(%arg21 : memref<!tpu.dma_semaphore, #tpu.memory_space<semaphore_mem>>) src(%dma_wait3A_943 : memref<1000xf32, #tpu.memory_space<vmem>>) dst(%dma_wait3A_941 : memref<1000xf32, #tpu.memory_space<hbm>>)
      %dma_wait3A_944 = arith.constant 3 : i32
      %dma_wait3A_945 = arith.constant 3000 : i32
      %dma_wait3A_946 = tpu.memref_slice %arg17[%dma_wait3A_945] : memref<16000xf32, #tpu.memory_space<vmem>> -> memref<1000xf32, #tpu.memory_space<vmem>>
      %dma_wait3A_947 = tpu.memref_slice %arg8[%dma_wait3A_944, %add3A_22] : memref<16x320000xf32, #tpu.memory_space<hbm>> -> memref<1x1000xf32, #tpu.memory_space<hbm>>
      %dma_wait3A_948 = tpu.memref_squeeze %dma_wait3A_947 : memref<1x1000xf32, #tpu.memory_space<hbm>> -> memref<1000xf32, #tpu.memory_space<hbm>>
      %dma_wait3A_949 = tpu.memref_slice %arg8[%dma_wait3A_944, %add3A_22] : memref<16x320000xf32, #tpu.memory_space<hbm>> -> memref<1x1000xf32, #tpu.memory_space<hbm>>
      %dma_wait3A_950 = tpu.memref_squeeze %dma_wait3A_949 : memref<1x1000xf32, #tpu.memory_space<hbm>> -> memref<1000xf32, #tpu.memory_space<hbm>>
      %dma_wait3A_951 = arith.constant 3000 : i32
      %dma_wait3A_952 = tpu.memref_slice %arg17[%dma_wait3A_951] : memref<16000xf32, #tpu.memory_space<vmem>> -> memref<1000xf32, #tpu.memory_space<vmem>>
      tpu.wait_dma2 semaphore(%arg21 : memref<!tpu.dma_semaphore, #tpu.memory_space<semaphore_mem>>) src(%dma_wait3A_952 : memref<1000xf32, #tpu.memory_space<vmem>>) dst(%dma_wait3A_950 : memref<1000xf32, #tpu.memory_space<hbm>>)
      %dma_wait3A_953 = arith.constant 4 : i32
      %dma_wait3A_954 = arith.constant 4000 : i32
      %dma_wait3A_955 = tpu.memref_slice %arg17[%dma_wait3A_954] : memref<16000xf32, #tpu.memory_space<vmem>> -> memref<1000xf32, #tpu.memory_space<vmem>>
      %dma_wait3A_956 = tpu.memref_slice %arg8[%dma_wait3A_953, %add3A_22] : memref<16x320000xf32, #tpu.memory_space<hbm>> -> memref<1x1000xf32, #tpu.memory_space<hbm>>
      %dma_wait3A_957 = tpu.memref_squeeze %dma_wait3A_956 : memref<1x1000xf32, #tpu.memory_space<hbm>> -> memref<1000xf32, #tpu.memory_space<hbm>>
      %dma_wait3A_958 = tpu.memref_slice %arg8[%dma_wait3A_953, %add3A_22] : memref<16x320000xf32, #tpu.memory_space<hbm>> -> memref<1x1000xf32, #tpu.memory_space<hbm>>
      %dma_wait3A_959 = tpu.memref_squeeze %dma_wait3A_958 : memref<1x1000xf32, #tpu.memory_space<hbm>> -> memref<1000xf32, #tpu.memory_space<hbm>>
      %dma_wait3A_960 = arith.constant 4000 : i32
      %dma_wait3A_961 = tpu.memref_slice %arg17[%dma_wait3A_960] : memref<16000xf32, #tpu.memory_space<vmem>> -> memref<1000xf32, #tpu.memory_space<vmem>>
      tpu.wait_dma2 semaphore(%arg21 : memref<!tpu.dma_semaphore, #tpu.memory_space<semaphore_mem>>) src(%dma_wait3A_961 : memref<1000xf32, #tpu.memory_space<vmem>>) dst(%dma_wait3A_959 : memref<1000xf32, #tpu.memory_space<hbm>>)
      %dma_wait3A_962 = arith.constant 5 : i32
      %dma_wait3A_963 = arith.constant 5000 : i32
      %dma_wait3A_964 = tpu.memref_slice %arg17[%dma_wait3A_963] : memref<16000xf32, #tpu.memory_space<vmem>> -> memref<1000xf32, #tpu.memory_space<vmem>>
      %dma_wait3A_965 = tpu.memref_slice %arg8[%dma_wait3A_962, %add3A_22] : memref<16x320000xf32, #tpu.memory_space<hbm>> -> memref<1x1000xf32, #tpu.memory_space<hbm>>
      %dma_wait3A_966 = tpu.memref_squeeze %dma_wait3A_965 : memref<1x1000xf32, #tpu.memory_space<hbm>> -> memref<1000xf32, #tpu.memory_space<hbm>>
      %dma_wait3A_967 = tpu.memref_slice %arg8[%dma_wait3A_962, %add3A_22] : memref<16x320000xf32, #tpu.memory_space<hbm>> -> memref<1x1000xf32, #tpu.memory_space<hbm>>
      %dma_wait3A_968 = tpu.memref_squeeze %dma_wait3A_967 : memref<1x1000xf32, #tpu.memory_space<hbm>> -> memref<1000xf32, #tpu.memory_space<hbm>>
      %dma_wait3A_969 = arith.constant 5000 : i32
      %dma_wait3A_970 = tpu.memref_slice %arg17[%dma_wait3A_969] : memref<16000xf32, #tpu.memory_space<vmem>> -> memref<1000xf32, #tpu.memory_space<vmem>>
      tpu.wait_dma2 semaphore(%arg21 : memref<!tpu.dma_semaphore, #tpu.memory_space<semaphore_mem>>) src(%dma_wait3A_970 : memref<1000xf32, #tpu.memory_space<vmem>>) dst(%dma_wait3A_968 : memref<1000xf32, #tpu.memory_space<hbm>>)
      %dma_wait3A_971 = arith.constant 6 : i32
      %dma_wait3A_972 = arith.constant 6000 : i32
      %dma_wait3A_973 = tpu.memref_slice %arg17[%dma_wait3A_972] : memref<16000xf32, #tpu.memory_space<vmem>> -> memref<1000xf32, #tpu.memory_space<vmem>>
      %dma_wait3A_974 = tpu.memref_slice %arg8[%dma_wait3A_971, %add3A_22] : memref<16x320000xf32, #tpu.memory_space<hbm>> -> memref<1x1000xf32, #tpu.memory_space<hbm>>
      %dma_wait3A_975 = tpu.memref_squeeze %dma_wait3A_974 : memref<1x1000xf32, #tpu.memory_space<hbm>> -> memref<1000xf32, #tpu.memory_space<hbm>>
      %dma_wait3A_976 = tpu.memref_slice %arg8[%dma_wait3A_971, %add3A_22] : memref<16x320000xf32, #tpu.memory_space<hbm>> -> memref<1x1000xf32, #tpu.memory_space<hbm>>
      %dma_wait3A_977 = tpu.memref_squeeze %dma_wait3A_976 : memref<1x1000xf32, #tpu.memory_space<hbm>> -> memref<1000xf32, #tpu.memory_space<hbm>>
      %dma_wait3A_978 = arith.constant 6000 : i32
      %dma_wait3A_979 = tpu.memref_slice %arg17[%dma_wait3A_978] : memref<16000xf32, #tpu.memory_space<vmem>> -> memref<1000xf32, #tpu.memory_space<vmem>>
      tpu.wait_dma2 semaphore(%arg21 : memref<!tpu.dma_semaphore, #tpu.memory_space<semaphore_mem>>) src(%dma_wait3A_979 : memref<1000xf32, #tpu.memory_space<vmem>>) dst(%dma_wait3A_977 : memref<1000xf32, #tpu.memory_space<hbm>>)
      %dma_wait3A_980 = arith.constant 7 : i32
      %dma_wait3A_981 = arith.constant 7000 : i32
      %dma_wait3A_982 = tpu.memref_slice %arg17[%dma_wait3A_981] : memref<16000xf32, #tpu.memory_space<vmem>> -> memref<1000xf32, #tpu.memory_space<vmem>>
      %dma_wait3A_983 = tpu.memref_slice %arg8[%dma_wait3A_980, %add3A_22] : memref<16x320000xf32, #tpu.memory_space<hbm>> -> memref<1x1000xf32, #tpu.memory_space<hbm>>
      %dma_wait3A_984 = tpu.memref_squeeze %dma_wait3A_983 : memref<1x1000xf32, #tpu.memory_space<hbm>> -> memref<1000xf32, #tpu.memory_space<hbm>>
      %dma_wait3A_985 = tpu.memref_slice %arg8[%dma_wait3A_980, %add3A_22] : memref<16x320000xf32, #tpu.memory_space<hbm>> -> memref<1x1000xf32, #tpu.memory_space<hbm>>
      %dma_wait3A_986 = tpu.memref_squeeze %dma_wait3A_985 : memref<1x1000xf32, #tpu.memory_space<hbm>> -> memref<1000xf32, #tpu.memory_space<hbm>>
      %dma_wait3A_987 = arith.constant 7000 : i32
      %dma_wait3A_988 = tpu.memref_slice %arg17[%dma_wait3A_987] : memref<16000xf32, #tpu.memory_space<vmem>> -> memref<1000xf32, #tpu.memory_space<vmem>>
      tpu.wait_dma2 semaphore(%arg21 : memref<!tpu.dma_semaphore, #tpu.memory_space<semaphore_mem>>) src(%dma_wait3A_988 : memref<1000xf32, #tpu.memory_space<vmem>>) dst(%dma_wait3A_986 : memref<1000xf32, #tpu.memory_space<hbm>>)
      %dma_wait3A_989 = arith.constant 8 : i32
      %dma_wait3A_990 = arith.constant 8000 : i32
      %dma_wait3A_991 = tpu.memref_slice %arg17[%dma_wait3A_990] : memref<16000xf32, #tpu.memory_space<vmem>> -> memref<1000xf32, #tpu.memory_space<vmem>>
      %dma_wait3A_992 = tpu.memref_slice %arg8[%dma_wait3A_989, %add3A_22] : memref<16x320000xf32, #tpu.memory_space<hbm>> -> memref<1x1000xf32, #tpu.memory_space<hbm>>
      %dma_wait3A_993 = tpu.memref_squeeze %dma_wait3A_992 : memref<1x1000xf32, #tpu.memory_space<hbm>> -> memref<1000xf32, #tpu.memory_space<hbm>>
      %dma_wait3A_994 = tpu.memref_slice %arg8[%dma_wait3A_989, %add3A_22] : memref<16x320000xf32, #tpu.memory_space<hbm>> -> memref<1x1000xf32, #tpu.memory_space<hbm>>
      %dma_wait3A_995 = tpu.memref_squeeze %dma_wait3A_994 : memref<1x1000xf32, #tpu.memory_space<hbm>> -> memref<1000xf32, #tpu.memory_space<hbm>>
      %dma_wait3A_996 = arith.constant 8000 : i32
      %dma_wait3A_997 = tpu.memref_slice %arg17[%dma_wait3A_996] : memref<16000xf32, #tpu.memory_space<vmem>> -> memref<1000xf32, #tpu.memory_space<vmem>>
      tpu.wait_dma2 semaphore(%arg21 : memref<!tpu.dma_semaphore, #tpu.memory_space<semaphore_mem>>) src(%dma_wait3A_997 : memref<1000xf32, #tpu.memory_space<vmem>>) dst(%dma_wait3A_995 : memref<1000xf32, #tpu.memory_space<hbm>>)
      %dma_wait3A_998 = arith.constant 9 : i32
      %dma_wait3A_999 = arith.constant 9000 : i32
      %dma_wait3A_1000 = tpu.memref_slice %arg17[%dma_wait3A_999] : memref<16000xf32, #tpu.memory_space<vmem>> -> memref<1000xf32, #tpu.memory_space<vmem>>
      %dma_wait3A_1001 = tpu.memref_slice %arg8[%dma_wait3A_998, %add3A_22] : memref<16x320000xf32, #tpu.memory_space<hbm>> -> memref<1x1000xf32, #tpu.memory_space<hbm>>
      %dma_wait3A_1002 = tpu.memref_squeeze %dma_wait3A_1001 : memref<1x1000xf32, #tpu.memory_space<hbm>> -> memref<1000xf32, #tpu.memory_space<hbm>>
      %dma_wait3A_1003 = tpu.memref_slice %arg8[%dma_wait3A_998, %add3A_22] : memref<16x320000xf32, #tpu.memory_space<hbm>> -> memref<1x1000xf32, #tpu.memory_space<hbm>>
      %dma_wait3A_1004 = tpu.memref_squeeze %dma_wait3A_1003 : memref<1x1000xf32, #tpu.memory_space<hbm>> -> memref<1000xf32, #tpu.memory_space<hbm>>
      %dma_wait3A_1005 = arith.constant 9000 : i32
      %dma_wait3A_1006 = tpu.memref_slice %arg17[%dma_wait3A_1005] : memref<16000xf32, #tpu.memory_space<vmem>> -> memref<1000xf32, #tpu.memory_space<vmem>>
      tpu.wait_dma2 semaphore(%arg21 : memref<!tpu.dma_semaphore, #tpu.memory_space<semaphore_mem>>) src(%dma_wait3A_1006 : memref<1000xf32, #tpu.memory_space<vmem>>) dst(%dma_wait3A_1004 : memref<1000xf32, #tpu.memory_space<hbm>>)
      %dma_wait3A_1007 = arith.constant 10 : i32
      %dma_wait3A_1008 = arith.constant 10000 : i32
      %dma_wait3A_1009 = tpu.memref_slice %arg17[%dma_wait3A_1008] : memref<16000xf32, #tpu.memory_space<vmem>> -> memref<1000xf32, #tpu.memory_space<vmem>>
      %dma_wait3A_1010 = tpu.memref_slice %arg8[%dma_wait3A_1007, %add3A_22] : memref<16x320000xf32, #tpu.memory_space<hbm>> -> memref<1x1000xf32, #tpu.memory_space<hbm>>
      %dma_wait3A_1011 = tpu.memref_squeeze %dma_wait3A_1010 : memref<1x1000xf32, #tpu.memory_space<hbm>> -> memref<1000xf32, #tpu.memory_space<hbm>>
      %dma_wait3A_1012 = tpu.memref_slice %arg8[%dma_wait3A_1007, %add3A_22] : memref<16x320000xf32, #tpu.memory_space<hbm>> -> memref<1x1000xf32, #tpu.memory_space<hbm>>
      %dma_wait3A_1013 = tpu.memref_squeeze %dma_wait3A_1012 : memref<1x1000xf32, #tpu.memory_space<hbm>> -> memref<1000xf32, #tpu.memory_space<hbm>>
      %dma_wait3A_1014 = arith.constant 10000 : i32
      %dma_wait3A_1015 = tpu.memref_slice %arg17[%dma_wait3A_1014] : memref<16000xf32, #tpu.memory_space<vmem>> -> memref<1000xf32, #tpu.memory_space<vmem>>
      tpu.wait_dma2 semaphore(%arg21 : memref<!tpu.dma_semaphore, #tpu.memory_space<semaphore_mem>>) src(%dma_wait3A_1015 : memref<1000xf32, #tpu.memory_space<vmem>>) dst(%dma_wait3A_1013 : memref<1000xf32, #tpu.memory_space<hbm>>)
      %dma_wait3A_1016 = arith.constant 11 : i32
      %dma_wait3A_1017 = arith.constant 11000 : i32
      %dma_wait3A_1018 = tpu.memref_slice %arg17[%dma_wait3A_1017] : memref<16000xf32, #tpu.memory_space<vmem>> -> memref<1000xf32, #tpu.memory_space<vmem>>
      %dma_wait3A_1019 = tpu.memref_slice %arg8[%dma_wait3A_1016, %add3A_22] : memref<16x320000xf32, #tpu.memory_space<hbm>> -> memref<1x1000xf32, #tpu.memory_space<hbm>>
      %dma_wait3A_1020 = tpu.memref_squeeze %dma_wait3A_1019 : memref<1x1000xf32, #tpu.memory_space<hbm>> -> memref<1000xf32, #tpu.memory_space<hbm>>
      %dma_wait3A_1021 = tpu.memref_slice %arg8[%dma_wait3A_1016, %add3A_22] : memref<16x320000xf32, #tpu.memory_space<hbm>> -> memref<1x1000xf32, #tpu.memory_space<hbm>>
      %dma_wait3A_1022 = tpu.memref_squeeze %dma_wait3A_1021 : memref<1x1000xf32, #tpu.memory_space<hbm>> -> memref<1000xf32, #tpu.memory_space<hbm>>
      %dma_wait3A_1023 = arith.constant 11000 : i32
      %dma_wait3A_1024 = tpu.memref_slice %arg17[%dma_wait3A_1023] : memref<16000xf32, #tpu.memory_space<vmem>> -> memref<1000xf32, #tpu.memory_space<vmem>>
      tpu.wait_dma2 semaphore(%arg21 : memref<!tpu.dma_semaphore, #tpu.memory_space<semaphore_mem>>) src(%dma_wait3A_1024 : memref<1000xf32, #tpu.memory_space<vmem>>) dst(%dma_wait3A_1022 : memref<1000xf32, #tpu.memory_space<hbm>>)
      %dma_wait3A_1025 = arith.constant 12 : i32
      %dma_wait3A_1026 = arith.constant 12000 : i32
      %dma_wait3A_1027 = tpu.memref_slice %arg17[%dma_wait3A_1026] : memref<16000xf32, #tpu.memory_space<vmem>> -> memref<1000xf32, #tpu.memory_space<vmem>>
      %dma_wait3A_1028 = tpu.memref_slice %arg8[%dma_wait3A_1025, %add3A_22] : memref<16x320000xf32, #tpu.memory_space<hbm>> -> memref<1x1000xf32, #tpu.memory_space<hbm>>
      %dma_wait3A_1029 = tpu.memref_squeeze %dma_wait3A_1028 : memref<1x1000xf32, #tpu.memory_space<hbm>> -> memref<1000xf32, #tpu.memory_space<hbm>>
      %dma_wait3A_1030 = tpu.memref_slice %arg8[%dma_wait3A_1025, %add3A_22] : memref<16x320000xf32, #tpu.memory_space<hbm>> -> memref<1x1000xf32, #tpu.memory_space<hbm>>
      %dma_wait3A_1031 = tpu.memref_squeeze %dma_wait3A_1030 : memref<1x1000xf32, #tpu.memory_space<hbm>> -> memref<1000xf32, #tpu.memory_space<hbm>>
      %dma_wait3A_1032 = arith.constant 12000 : i32
      %dma_wait3A_1033 = tpu.memref_slice %arg17[%dma_wait3A_1032] : memref<16000xf32, #tpu.memory_space<vmem>> -> memref<1000xf32, #tpu.memory_space<vmem>>
      tpu.wait_dma2 semaphore(%arg21 : memref<!tpu.dma_semaphore, #tpu.memory_space<semaphore_mem>>) src(%dma_wait3A_1033 : memref<1000xf32, #tpu.memory_space<vmem>>) dst(%dma_wait3A_1031 : memref<1000xf32, #tpu.memory_space<hbm>>)
      %dma_wait3A_1034 = arith.constant 13 : i32
      %dma_wait3A_1035 = arith.constant 13000 : i32
      %dma_wait3A_1036 = tpu.memref_slice %arg17[%dma_wait3A_1035] : memref<16000xf32, #tpu.memory_space<vmem>> -> memref<1000xf32, #tpu.memory_space<vmem>>
      %dma_wait3A_1037 = tpu.memref_slice %arg8[%dma_wait3A_1034, %add3A_22] : memref<16x320000xf32, #tpu.memory_space<hbm>> -> memref<1x1000xf32, #tpu.memory_space<hbm>>
      %dma_wait3A_1038 = tpu.memref_squeeze %dma_wait3A_1037 : memref<1x1000xf32, #tpu.memory_space<hbm>> -> memref<1000xf32, #tpu.memory_space<hbm>>
      %dma_wait3A_1039 = tpu.memref_slice %arg8[%dma_wait3A_1034, %add3A_22] : memref<16x320000xf32, #tpu.memory_space<hbm>> -> memref<1x1000xf32, #tpu.memory_space<hbm>>
      %dma_wait3A_1040 = tpu.memref_squeeze %dma_wait3A_1039 : memref<1x1000xf32, #tpu.memory_space<hbm>> -> memref<1000xf32, #tpu.memory_space<hbm>>
      %dma_wait3A_1041 = arith.constant 13000 : i32
      %dma_wait3A_1042 = tpu.memref_slice %arg17[%dma_wait3A_1041] : memref<16000xf32, #tpu.memory_space<vmem>> -> memref<1000xf32, #tpu.memory_space<vmem>>
      tpu.wait_dma2 semaphore(%arg21 : memref<!tpu.dma_semaphore, #tpu.memory_space<semaphore_mem>>) src(%dma_wait3A_1042 : memref<1000xf32, #tpu.memory_space<vmem>>) dst(%dma_wait3A_1040 : memref<1000xf32, #tpu.memory_space<hbm>>)
      %dma_wait3A_1043 = arith.constant 14 : i32
      %dma_wait3A_1044 = arith.constant 14000 : i32
      %dma_wait3A_1045 = tpu.memref_slice %arg17[%dma_wait3A_1044] : memref<16000xf32, #tpu.memory_space<vmem>> -> memref<1000xf32, #tpu.memory_space<vmem>>
      %dma_wait3A_1046 = tpu.memref_slice %arg8[%dma_wait3A_1043, %add3A_22] : memref<16x320000xf32, #tpu.memory_space<hbm>> -> memref<1x1000xf32, #tpu.memory_space<hbm>>
      %dma_wait3A_1047 = tpu.memref_squeeze %dma_wait3A_1046 : memref<1x1000xf32, #tpu.memory_space<hbm>> -> memref<1000xf32, #tpu.memory_space<hbm>>
      %dma_wait3A_1048 = tpu.memref_slice %arg8[%dma_wait3A_1043, %add3A_22] : memref<16x320000xf32, #tpu.memory_space<hbm>> -> memref<1x1000xf32, #tpu.memory_space<hbm>>
      %dma_wait3A_1049 = tpu.memref_squeeze %dma_wait3A_1048 : memref<1x1000xf32, #tpu.memory_space<hbm>> -> memref<1000xf32, #tpu.memory_space<hbm>>
      %dma_wait3A_1050 = arith.constant 14000 : i32
      %dma_wait3A_1051 = tpu.memref_slice %arg17[%dma_wait3A_1050] : memref<16000xf32, #tpu.memory_space<vmem>> -> memref<1000xf32, #tpu.memory_space<vmem>>
      tpu.wait_dma2 semaphore(%arg21 : memref<!tpu.dma_semaphore, #tpu.memory_space<semaphore_mem>>) src(%dma_wait3A_1051 : memref<1000xf32, #tpu.memory_space<vmem>>) dst(%dma_wait3A_1049 : memref<1000xf32, #tpu.memory_space<hbm>>)
      %dma_wait3A_1052 = arith.constant 15 : i32
      %dma_wait3A_1053 = arith.constant 15000 : i32
      %dma_wait3A_1054 = tpu.memref_slice %arg17[%dma_wait3A_1053] : memref<16000xf32, #tpu.memory_space<vmem>> -> memref<1000xf32, #tpu.memory_space<vmem>>
      %dma_wait3A_1055 = tpu.memref_slice %arg8[%dma_wait3A_1052, %add3A_22] : memref<16x320000xf32, #tpu.memory_space<hbm>> -> memref<1x1000xf32, #tpu.memory_space<hbm>>
      %dma_wait3A_1056 = tpu.memref_squeeze %dma_wait3A_1055 : memref<1x1000xf32, #tpu.memory_space<hbm>> -> memref<1000xf32, #tpu.memory_space<hbm>>
      %dma_wait3A_1057 = tpu.memref_slice %arg8[%dma_wait3A_1052, %add3A_22] : memref<16x320000xf32, #tpu.memory_space<hbm>> -> memref<1x1000xf32, #tpu.memory_space<hbm>>
      %dma_wait3A_1058 = tpu.memref_squeeze %dma_wait3A_1057 : memref<1x1000xf32, #tpu.memory_space<hbm>> -> memref<1000xf32, #tpu.memory_space<hbm>>
      %dma_wait3A_1059 = arith.constant 15000 : i32
      %dma_wait3A_1060 = tpu.memref_slice %arg17[%dma_wait3A_1059] : memref<16000xf32, #tpu.memory_space<vmem>> -> memref<1000xf32, #tpu.memory_space<vmem>>
      tpu.wait_dma2 semaphore(%arg21 : memref<!tpu.dma_semaphore, #tpu.memory_space<semaphore_mem>>) src(%dma_wait3A_1060 : memref<1000xf32, #tpu.memory_space<vmem>>) dst(%dma_wait3A_1058 : memref<1000xf32, #tpu.memory_space<hbm>>)
      %dma_wait3A_1061 = arith.constant 0 : i32
      %dma_wait3A_1062 = arith.constant 0 : i32
      %dma_wait3A_1063 = arith.constant 0 : i32
      %dma_wait3A_1064 = tpu.memref_slice %arg16[%dma_wait3A_1062, %dma_wait3A_1063] : memref<1000x16xf32, #tpu.memory_space<vmem>> -> memref<125x16xf32, #tpu.memory_space<vmem>>
      %dma_wait3A_1065 = arith.constant 0 : i32
      %dma_wait3A_1066 = tpu.memref_slice %arg12[%dma_wait3A_1061, %dma_wait3A_1065] : memref<8x125xi32, #tpu.memory_space<vmem>> -> memref<1x125xi32, #tpu.memory_space<vmem>>
      %dma_wait3A_1067 = tpu.memref_squeeze %dma_wait3A_1066 : memref<1x125xi32, #tpu.memory_space<vmem>> -> memref<125xi32, #tpu.memory_space<vmem>>
      %dma_wait3A_1068 = arith.constant 0 : i32
      %dma_wait3A_1069 = arith.constant 0 : i32
      %dma_wait3A_1070 = tpu.memref_slice %arg19[%dma_wait3A_1068, %dma_wait3A_1069] : memref<10000x16xf32, #tpu.memory_space<vmem_shared>> -> memref<10000x16xf32, #tpu.memory_space<vmem_shared>>
      tpu.wait_indirect_dma semaphore(%arg22 : memref<!tpu.dma_semaphore, #tpu.memory_space<semaphore_mem>>) src(%dma_wait3A_1064 : memref<125x16xf32, #tpu.memory_space<vmem>>) dst(%dma_wait3A_1070 : memref<10000x16xf32, #tpu.memory_space<vmem_shared>>)
      %dma_wait3A_1071 = arith.constant 0 : i32
      %dma_wait3A_1072 = arith.constant 0 : i32
      %dma_wait3A_1073 = tpu.memref_slice %arg12[%dma_wait3A_1071, %dma_wait3A_1072] : memref<8x125xi32, #tpu.memory_space<vmem>> -> memref<1x125xi32, #tpu.memory_space<vmem>>
      %dma_wait3A_1074 = tpu.memref_squeeze %dma_wait3A_1073 : memref<1x125xi32, #tpu.memory_space<vmem>> -> memref<125xi32, #tpu.memory_space<vmem>>
      %dma_wait3A_1075 = arith.constant 0 : i32
      %dma_wait3A_1076 = arith.constant 0 : i32
      %dma_wait3A_1077 = tpu.memref_slice %arg20[%dma_wait3A_1075, %dma_wait3A_1076] : memref<10000x16xf32, #tpu.memory_space<vmem_shared>> -> memref<10000x16xf32, #tpu.memory_space<vmem_shared>>
      tpu.wait_indirect_dma semaphore(%arg22 : memref<!tpu.dma_semaphore, #tpu.memory_space<semaphore_mem>>) src(%arg18 : memref<125x16xf32, #tpu.memory_space<vmem>>) dst(%dma_wait3A_1077 : memref<10000x16xf32, #tpu.memory_space<vmem_shared>>)
      %dma_wait3A_1078 = arith.constant 1 : i32
      %dma_wait3A_1079 = arith.constant 125 : i32
      %dma_wait3A_1080 = arith.constant 0 : i32
      %dma_wait3A_1081 = tpu.memref_slice %arg16[%dma_wait3A_1079, %dma_wait3A_1080] : memref<1000x16xf32, #tpu.memory_space<vmem>> -> memref<125x16xf32, #tpu.memory_space<vmem>>
      %dma_wait3A_1082 = arith.constant 0 : i32
      %dma_wait3A_1083 = tpu.memref_slice %arg12[%dma_wait3A_1078, %dma_wait3A_1082] : memref<8x125xi32, #tpu.memory_space<vmem>> -> memref<1x125xi32, #tpu.memory_space<vmem>>
      %dma_wait3A_1084 = tpu.memref_squeeze %dma_wait3A_1083 : memref<1x125xi32, #tpu.memory_space<vmem>> -> memref<125xi32, #tpu.memory_space<vmem>>
      %dma_wait3A_1085 = arith.constant 0 : i32
      %dma_wait3A_1086 = arith.constant 0 : i32
      %dma_wait3A_1087 = tpu.memref_slice %arg19[%dma_wait3A_1085, %dma_wait3A_1086] : memref<10000x16xf32, #tpu.memory_space<vmem_shared>> -> memref<10000x16xf32, #tpu.memory_space<vmem_shared>>
      tpu.wait_indirect_dma semaphore(%arg22 : memref<!tpu.dma_semaphore, #tpu.memory_space<semaphore_mem>>) src(%dma_wait3A_1081 : memref<125x16xf32, #tpu.memory_space<vmem>>) dst(%dma_wait3A_1087 : memref<10000x16xf32, #tpu.memory_space<vmem_shared>>)
      %dma_wait3A_1088 = arith.constant 1 : i32
      %dma_wait3A_1089 = arith.constant 0 : i32
      %dma_wait3A_1090 = tpu.memref_slice %arg12[%dma_wait3A_1088, %dma_wait3A_1089] : memref<8x125xi32, #tpu.memory_space<vmem>> -> memref<1x125xi32, #tpu.memory_space<vmem>>
      %dma_wait3A_1091 = tpu.memref_squeeze %dma_wait3A_1090 : memref<1x125xi32, #tpu.memory_space<vmem>> -> memref<125xi32, #tpu.memory_space<vmem>>
      %dma_wait3A_1092 = arith.constant 0 : i32
      %dma_wait3A_1093 = arith.constant 0 : i32
      %dma_wait3A_1094 = tpu.memref_slice %arg20[%dma_wait3A_1092, %dma_wait3A_1093] : memref<10000x16xf32, #tpu.memory_space<vmem_shared>> -> memref<10000x16xf32, #tpu.memory_space<vmem_shared>>
      tpu.wait_indirect_dma semaphore(%arg22 : memref<!tpu.dma_semaphore, #tpu.memory_space<semaphore_mem>>) src(%arg18 : memref<125x16xf32, #tpu.memory_space<vmem>>) dst(%dma_wait3A_1094 : memref<10000x16xf32, #tpu.memory_space<vmem_shared>>)
      %dma_wait3A_1095 = arith.constant 2 : i32
      %dma_wait3A_1096 = arith.constant 250 : i32
      %dma_wait3A_1097 = arith.constant 0 : i32
      %dma_wait3A_1098 = tpu.memref_slice %arg16[%dma_wait3A_1096, %dma_wait3A_1097] : memref<1000x16xf32, #tpu.memory_space<vmem>> -> memref<125x16xf32, #tpu.memory_space<vmem>>
      %dma_wait3A_1099 = arith.constant 0 : i32
      %dma_wait3A_1100 = tpu.memref_slice %arg12[%dma_wait3A_1095, %dma_wait3A_1099] : memref<8x125xi32, #tpu.memory_space<vmem>> -> memref<1x125xi32, #tpu.memory_space<vmem>>
      %dma_wait3A_1101 = tpu.memref_squeeze %dma_wait3A_1100 : memref<1x125xi32, #tpu.memory_space<vmem>> -> memref<125xi32, #tpu.memory_space<vmem>>
      %dma_wait3A_1102 = arith.constant 0 : i32
      %dma_wait3A_1103 = arith.constant 0 : i32
      %dma_wait3A_1104 = tpu.memref_slice %arg19[%dma_wait3A_1102, %dma_wait3A_1103] : memref<10000x16xf32, #tpu.memory_space<vmem_shared>> -> memref<10000x16xf32, #tpu.memory_space<vmem_shared>>
      tpu.wait_indirect_dma semaphore(%arg22 : memref<!tpu.dma_semaphore, #tpu.memory_space<semaphore_mem>>) src(%dma_wait3A_1098 : memref<125x16xf32, #tpu.memory_space<vmem>>) dst(%dma_wait3A_1104 : memref<10000x16xf32, #tpu.memory_space<vmem_shared>>)
      %dma_wait3A_1105 = arith.constant 2 : i32
      %dma_wait3A_1106 = arith.constant 0 : i32
      %dma_wait3A_1107 = tpu.memref_slice %arg12[%dma_wait3A_1105, %dma_wait3A_1106] : memref<8x125xi32, #tpu.memory_space<vmem>> -> memref<1x125xi32, #tpu.memory_space<vmem>>
      %dma_wait3A_1108 = tpu.memref_squeeze %dma_wait3A_1107 : memref<1x125xi32, #tpu.memory_space<vmem>> -> memref<125xi32, #tpu.memory_space<vmem>>
      %dma_wait3A_1109 = arith.constant 0 : i32
      %dma_wait3A_1110 = arith.constant 0 : i32
      %dma_wait3A_1111 = tpu.memref_slice %arg20[%dma_wait3A_1109, %dma_wait3A_1110] : memref<10000x16xf32, #tpu.memory_space<vmem_shared>> -> memref<10000x16xf32, #tpu.memory_space<vmem_shared>>
      tpu.wait_indirect_dma semaphore(%arg22 : memref<!tpu.dma_semaphore, #tpu.memory_space<semaphore_mem>>) src(%arg18 : memref<125x16xf32, #tpu.memory_space<vmem>>) dst(%dma_wait3A_1111 : memref<10000x16xf32, #tpu.memory_space<vmem_shared>>)
      %dma_wait3A_1112 = arith.constant 3 : i32
      %dma_wait3A_1113 = arith.constant 375 : i32
      %dma_wait3A_1114 = arith.constant 0 : i32
      %dma_wait3A_1115 = tpu.memref_slice %arg16[%dma_wait3A_1113, %dma_wait3A_1114] : memref<1000x16xf32, #tpu.memory_space<vmem>> -> memref<125x16xf32, #tpu.memory_space<vmem>>
      %dma_wait3A_1116 = arith.constant 0 : i32
      %dma_wait3A_1117 = tpu.memref_slice %arg12[%dma_wait3A_1112, %dma_wait3A_1116] : memref<8x125xi32, #tpu.memory_space<vmem>> -> memref<1x125xi32, #tpu.memory_space<vmem>>
      %dma_wait3A_1118 = tpu.memref_squeeze %dma_wait3A_1117 : memref<1x125xi32, #tpu.memory_space<vmem>> -> memref<125xi32, #tpu.memory_space<vmem>>
      %dma_wait3A_1119 = arith.constant 0 : i32
      %dma_wait3A_1120 = arith.constant 0 : i32
      %dma_wait3A_1121 = tpu.memref_slice %arg19[%dma_wait3A_1119, %dma_wait3A_1120] : memref<10000x16xf32, #tpu.memory_space<vmem_shared>> -> memref<10000x16xf32, #tpu.memory_space<vmem_shared>>
      tpu.wait_indirect_dma semaphore(%arg22 : memref<!tpu.dma_semaphore, #tpu.memory_space<semaphore_mem>>) src(%dma_wait3A_1115 : memref<125x16xf32, #tpu.memory_space<vmem>>) dst(%dma_wait3A_1121 : memref<10000x16xf32, #tpu.memory_space<vmem_shared>>)
      %dma_wait3A_1122 = arith.constant 3 : i32
      %dma_wait3A_1123 = arith.constant 0 : i32
      %dma_wait3A_1124 = tpu.memref_slice %arg12[%dma_wait3A_1122, %dma_wait3A_1123] : memref<8x125xi32, #tpu.memory_space<vmem>> -> memref<1x125xi32, #tpu.memory_space<vmem>>
      %dma_wait3A_1125 = tpu.memref_squeeze %dma_wait3A_1124 : memref<1x125xi32, #tpu.memory_space<vmem>> -> memref<125xi32, #tpu.memory_space<vmem>>
      %dma_wait3A_1126 = arith.constant 0 : i32
      %dma_wait3A_1127 = arith.constant 0 : i32
      %dma_wait3A_1128 = tpu.memref_slice %arg20[%dma_wait3A_1126, %dma_wait3A_1127] : memref<10000x16xf32, #tpu.memory_space<vmem_shared>> -> memref<10000x16xf32, #tpu.memory_space<vmem_shared>>
      tpu.wait_indirect_dma semaphore(%arg22 : memref<!tpu.dma_semaphore, #tpu.memory_space<semaphore_mem>>) src(%arg18 : memref<125x16xf32, #tpu.memory_space<vmem>>) dst(%dma_wait3A_1128 : memref<10000x16xf32, #tpu.memory_space<vmem_shared>>)
      %dma_wait3A_1129 = arith.constant 4 : i32
      %dma_wait3A_1130 = arith.constant 500 : i32
      %dma_wait3A_1131 = arith.constant 0 : i32
      %dma_wait3A_1132 = tpu.memref_slice %arg16[%dma_wait3A_1130, %dma_wait3A_1131] : memref<1000x16xf32, #tpu.memory_space<vmem>> -> memref<125x16xf32, #tpu.memory_space<vmem>>
      %dma_wait3A_1133 = arith.constant 0 : i32
      %dma_wait3A_1134 = tpu.memref_slice %arg12[%dma_wait3A_1129, %dma_wait3A_1133] : memref<8x125xi32, #tpu.memory_space<vmem>> -> memref<1x125xi32, #tpu.memory_space<vmem>>
      %dma_wait3A_1135 = tpu.memref_squeeze %dma_wait3A_1134 : memref<1x125xi32, #tpu.memory_space<vmem>> -> memref<125xi32, #tpu.memory_space<vmem>>
      %dma_wait3A_1136 = arith.constant 0 : i32
      %dma_wait3A_1137 = arith.constant 0 : i32
      %dma_wait3A_1138 = tpu.memref_slice %arg19[%dma_wait3A_1136, %dma_wait3A_1137] : memref<10000x16xf32, #tpu.memory_space<vmem_shared>> -> memref<10000x16xf32, #tpu.memory_space<vmem_shared>>
      tpu.wait_indirect_dma semaphore(%arg22 : memref<!tpu.dma_semaphore, #tpu.memory_space<semaphore_mem>>) src(%dma_wait3A_1132 : memref<125x16xf32, #tpu.memory_space<vmem>>) dst(%dma_wait3A_1138 : memref<10000x16xf32, #tpu.memory_space<vmem_shared>>)
      %dma_wait3A_1139 = arith.constant 4 : i32
      %dma_wait3A_1140 = arith.constant 0 : i32
      %dma_wait3A_1141 = tpu.memref_slice %arg12[%dma_wait3A_1139, %dma_wait3A_1140] : memref<8x125xi32, #tpu.memory_space<vmem>> -> memref<1x125xi32, #tpu.memory_space<vmem>>
      %dma_wait3A_1142 = tpu.memref_squeeze %dma_wait3A_1141 : memref<1x125xi32, #tpu.memory_space<vmem>> -> memref<125xi32, #tpu.memory_space<vmem>>
      %dma_wait3A_1143 = arith.constant 0 : i32
      %dma_wait3A_1144 = arith.constant 0 : i32
      %dma_wait3A_1145 = tpu.memref_slice %arg20[%dma_wait3A_1143, %dma_wait3A_1144] : memref<10000x16xf32, #tpu.memory_space<vmem_shared>> -> memref<10000x16xf32, #tpu.memory_space<vmem_shared>>
      tpu.wait_indirect_dma semaphore(%arg22 : memref<!tpu.dma_semaphore, #tpu.memory_space<semaphore_mem>>) src(%arg18 : memref<125x16xf32, #tpu.memory_space<vmem>>) dst(%dma_wait3A_1145 : memref<10000x16xf32, #tpu.memory_space<vmem_shared>>)
      %dma_wait3A_1146 = arith.constant 5 : i32
      %dma_wait3A_1147 = arith.constant 625 : i32
      %dma_wait3A_1148 = arith.constant 0 : i32
      %dma_wait3A_1149 = tpu.memref_slice %arg16[%dma_wait3A_1147, %dma_wait3A_1148] : memref<1000x16xf32, #tpu.memory_space<vmem>> -> memref<125x16xf32, #tpu.memory_space<vmem>>
      %dma_wait3A_1150 = arith.constant 0 : i32
      %dma_wait3A_1151 = tpu.memref_slice %arg12[%dma_wait3A_1146, %dma_wait3A_1150] : memref<8x125xi32, #tpu.memory_space<vmem>> -> memref<1x125xi32, #tpu.memory_space<vmem>>
      %dma_wait3A_1152 = tpu.memref_squeeze %dma_wait3A_1151 : memref<1x125xi32, #tpu.memory_space<vmem>> -> memref<125xi32, #tpu.memory_space<vmem>>
      %dma_wait3A_1153 = arith.constant 0 : i32
      %dma_wait3A_1154 = arith.constant 0 : i32
      %dma_wait3A_1155 = tpu.memref_slice %arg19[%dma_wait3A_1153, %dma_wait3A_1154] : memref<10000x16xf32, #tpu.memory_space<vmem_shared>> -> memref<10000x16xf32, #tpu.memory_space<vmem_shared>>
      tpu.wait_indirect_dma semaphore(%arg22 : memref<!tpu.dma_semaphore, #tpu.memory_space<semaphore_mem>>) src(%dma_wait3A_1149 : memref<125x16xf32, #tpu.memory_space<vmem>>) dst(%dma_wait3A_1155 : memref<10000x16xf32, #tpu.memory_space<vmem_shared>>)
      %dma_wait3A_1156 = arith.constant 5 : i32
      %dma_wait3A_1157 = arith.constant 0 : i32
      %dma_wait3A_1158 = tpu.memref_slice %arg12[%dma_wait3A_1156, %dma_wait3A_1157] : memref<8x125xi32, #tpu.memory_space<vmem>> -> memref<1x125xi32, #tpu.memory_space<vmem>>
      %dma_wait3A_1159 = tpu.memref_squeeze %dma_wait3A_1158 : memref<1x125xi32, #tpu.memory_space<vmem>> -> memref<125xi32, #tpu.memory_space<vmem>>
      %dma_wait3A_1160 = arith.constant 0 : i32
      %dma_wait3A_1161 = arith.constant 0 : i32
      %dma_wait3A_1162 = tpu.memref_slice %arg20[%dma_wait3A_1160, %dma_wait3A_1161] : memref<10000x16xf32, #tpu.memory_space<vmem_shared>> -> memref<10000x16xf32, #tpu.memory_space<vmem_shared>>
      tpu.wait_indirect_dma semaphore(%arg22 : memref<!tpu.dma_semaphore, #tpu.memory_space<semaphore_mem>>) src(%arg18 : memref<125x16xf32, #tpu.memory_space<vmem>>) dst(%dma_wait3A_1162 : memref<10000x16xf32, #tpu.memory_space<vmem_shared>>)
      %dma_wait3A_1163 = arith.constant 6 : i32
      %dma_wait3A_1164 = arith.constant 750 : i32
      %dma_wait3A_1165 = arith.constant 0 : i32
      %dma_wait3A_1166 = tpu.memref_slice %arg16[%dma_wait3A_1164, %dma_wait3A_1165] : memref<1000x16xf32, #tpu.memory_space<vmem>> -> memref<125x16xf32, #tpu.memory_space<vmem>>
      %dma_wait3A_1167 = arith.constant 0 : i32
      %dma_wait3A_1168 = tpu.memref_slice %arg12[%dma_wait3A_1163, %dma_wait3A_1167] : memref<8x125xi32, #tpu.memory_space<vmem>> -> memref<1x125xi32, #tpu.memory_space<vmem>>
      %dma_wait3A_1169 = tpu.memref_squeeze %dma_wait3A_1168 : memref<1x125xi32, #tpu.memory_space<vmem>> -> memref<125xi32, #tpu.memory_space<vmem>>
      %dma_wait3A_1170 = arith.constant 0 : i32
      %dma_wait3A_1171 = arith.constant 0 : i32
      %dma_wait3A_1172 = tpu.memref_slice %arg19[%dma_wait3A_1170, %dma_wait3A_1171] : memref<10000x16xf32, #tpu.memory_space<vmem_shared>> -> memref<10000x16xf32, #tpu.memory_space<vmem_shared>>
      tpu.wait_indirect_dma semaphore(%arg22 : memref<!tpu.dma_semaphore, #tpu.memory_space<semaphore_mem>>) src(%dma_wait3A_1166 : memref<125x16xf32, #tpu.memory_space<vmem>>) dst(%dma_wait3A_1172 : memref<10000x16xf32, #tpu.memory_space<vmem_shared>>)
      %dma_wait3A_1173 = arith.constant 6 : i32
      %dma_wait3A_1174 = arith.constant 0 : i32
      %dma_wait3A_1175 = tpu.memref_slice %arg12[%dma_wait3A_1173, %dma_wait3A_1174] : memref<8x125xi32, #tpu.memory_space<vmem>> -> memref<1x125xi32, #tpu.memory_space<vmem>>
      %dma_wait3A_1176 = tpu.memref_squeeze %dma_wait3A_1175 : memref<1x125xi32, #tpu.memory_space<vmem>> -> memref<125xi32, #tpu.memory_space<vmem>>
      %dma_wait3A_1177 = arith.constant 0 : i32
      %dma_wait3A_1178 = arith.constant 0 : i32
      %dma_wait3A_1179 = tpu.memref_slice %arg20[%dma_wait3A_1177, %dma_wait3A_1178] : memref<10000x16xf32, #tpu.memory_space<vmem_shared>> -> memref<10000x16xf32, #tpu.memory_space<vmem_shared>>
      tpu.wait_indirect_dma semaphore(%arg22 : memref<!tpu.dma_semaphore, #tpu.memory_space<semaphore_mem>>) src(%arg18 : memref<125x16xf32, #tpu.memory_space<vmem>>) dst(%dma_wait3A_1179 : memref<10000x16xf32, #tpu.memory_space<vmem_shared>>)
      %dma_wait3A_1180 = arith.constant 7 : i32
      %dma_wait3A_1181 = arith.constant 875 : i32
      %dma_wait3A_1182 = arith.constant 0 : i32
      %dma_wait3A_1183 = tpu.memref_slice %arg16[%dma_wait3A_1181, %dma_wait3A_1182] : memref<1000x16xf32, #tpu.memory_space<vmem>> -> memref<125x16xf32, #tpu.memory_space<vmem>>
      %dma_wait3A_1184 = arith.constant 0 : i32
      %dma_wait3A_1185 = tpu.memref_slice %arg12[%dma_wait3A_1180, %dma_wait3A_1184] : memref<8x125xi32, #tpu.memory_space<vmem>> -> memref<1x125xi32, #tpu.memory_space<vmem>>
      %dma_wait3A_1186 = tpu.memref_squeeze %dma_wait3A_1185 : memref<1x125xi32, #tpu.memory_space<vmem>> -> memref<125xi32, #tpu.memory_space<vmem>>
      %dma_wait3A_1187 = arith.constant 0 : i32
      %dma_wait3A_1188 = arith.constant 0 : i32
      %dma_wait3A_1189 = tpu.memref_slice %arg19[%dma_wait3A_1187, %dma_wait3A_1188] : memref<10000x16xf32, #tpu.memory_space<vmem_shared>> -> memref<10000x16xf32, #tpu.memory_space<vmem_shared>>
      tpu.wait_indirect_dma semaphore(%arg22 : memref<!tpu.dma_semaphore, #tpu.memory_space<semaphore_mem>>) src(%dma_wait3A_1183 : memref<125x16xf32, #tpu.memory_space<vmem>>) dst(%dma_wait3A_1189 : memref<10000x16xf32, #tpu.memory_space<vmem_shared>>)
      %dma_wait3A_1190 = arith.constant 7 : i32
      %dma_wait3A_1191 = arith.constant 0 : i32
      %dma_wait3A_1192 = tpu.memref_slice %arg12[%dma_wait3A_1190, %dma_wait3A_1191] : memref<8x125xi32, #tpu.memory_space<vmem>> -> memref<1x125xi32, #tpu.memory_space<vmem>>
      %dma_wait3A_1193 = tpu.memref_squeeze %dma_wait3A_1192 : memref<1x125xi32, #tpu.memory_space<vmem>> -> memref<125xi32, #tpu.memory_space<vmem>>
      %dma_wait3A_1194 = arith.constant 0 : i32
      %dma_wait3A_1195 = arith.constant 0 : i32
      %dma_wait3A_1196 = tpu.memref_slice %arg20[%dma_wait3A_1194, %dma_wait3A_1195] : memref<10000x16xf32, #tpu.memory_space<vmem_shared>> -> memref<10000x16xf32, #tpu.memory_space<vmem_shared>>
      tpu.wait_indirect_dma semaphore(%arg22 : memref<!tpu.dma_semaphore, #tpu.memory_space<semaphore_mem>>) src(%arg18 : memref<125x16xf32, #tpu.memory_space<vmem>>) dst(%dma_wait3A_1196 : memref<10000x16xf32, #tpu.memory_space<vmem_shared>>)
    }
    %scan3A_10 = arith.constant 10 : i32
    %barrier3A_11 = arith.constant 0 : index
    tpu.barrier barrier_id(%barrier3A_11)
    %eq3A_12 = arith.constant 0 : i32
    %eq3A_13 = arith.cmpi eq, %arg1, %eq3A_12 : i32
    %convert_element_type3A_14 = arith.extui %eq3A_13 : i1 to i32
    %cond3A_15 = arith.constant 0 : i32
    %cond3A_16 = arith.cmpi ne, %convert_element_type3A_14, %cond3A_15 : i32
    scf.if %cond3A_16 {
      "tpu.region"() ({
        %run_scoped3A = tpu.sem_alloc : memref<!tpu.dma_semaphore, #tpu.memory_space<semaphore_mem>>
        %dma_start3A = arith.constant 0 : i32
        %dma_start3A_17 = arith.constant 0 : i32
        %dma_start3A_18 = tpu.memref_slice %arg9[%arg0, %dma_start3A, %dma_start3A_17] : memref<2x10000x16xf32, #tpu.memory_space<hbm>> -> memref<1x10000x16xf32, #tpu.memory_space<hbm>>
        %dma_start3A_19 = tpu.memref_squeeze %dma_start3A_18 : memref<1x10000x16xf32, #tpu.memory_space<hbm>> -> memref<10000x16xf32, #tpu.memory_space<hbm>>
        tpu.enqueue_dma source(%arg19 : memref<10000x16xf32, #tpu.memory_space<vmem_shared>>) target(%dma_start3A_19 : memref<10000x16xf32, #tpu.memory_space<hbm>>) target_semaphore(%run_scoped3A : memref<!tpu.dma_semaphore, #tpu.memory_space<semaphore_mem>>)
        %dma_wait3A = arith.constant 0 : i32
        %dma_wait3A_20 = arith.constant 0 : i32
        %dma_wait3A_21 = tpu.memref_slice %arg9[%arg0, %dma_wait3A, %dma_wait3A_20] : memref<2x10000x16xf32, #tpu.memory_space<hbm>> -> memref<1x10000x16xf32, #tpu.memory_space<hbm>>
        %dma_wait3A_22 = tpu.memref_squeeze %dma_wait3A_21 : memref<1x10000x16xf32, #tpu.memory_space<hbm>> -> memref<10000x16xf32, #tpu.memory_space<hbm>>
        tpu.wait_dma2 semaphore(%run_scoped3A : memref<!tpu.dma_semaphore, #tpu.memory_space<semaphore_mem>>) src(%arg19 : memref<10000x16xf32, #tpu.memory_space<vmem_shared>>) dst(%dma_wait3A_22 : memref<10000x16xf32, #tpu.memory_space<hbm>>)
        tpu.yield
      }) : () -> ()
      "tpu.region"() ({
        %run_scoped3A = tpu.sem_alloc : memref<!tpu.dma_semaphore, #tpu.memory_space<semaphore_mem>>
        %dma_start3A = arith.constant 0 : i32
        %dma_start3A_17 = arith.constant 0 : i32
        %dma_start3A_18 = tpu.memref_slice %arg10[%arg0, %dma_start3A, %dma_start3A_17] : memref<2x10000x16xf32, #tpu.memory_space<hbm>> -> memref<1x10000x16xf32, #tpu.memory_space<hbm>>
        %dma_start3A_19 = tpu.memref_squeeze %dma_start3A_18 : memref<1x10000x16xf32, #tpu.memory_space<hbm>> -> memref<10000x16xf32, #tpu.memory_space<hbm>>
        tpu.enqueue_dma source(%arg20 : memref<10000x16xf32, #tpu.memory_space<vmem_shared>>) target(%dma_start3A_19 : memref<10000x16xf32, #tpu.memory_space<hbm>>) target_semaphore(%run_scoped3A : memref<!tpu.dma_semaphore, #tpu.memory_space<semaphore_mem>>)
        %dma_wait3A = arith.constant 0 : i32
        %dma_wait3A_20 = arith.constant 0 : i32
        %dma_wait3A_21 = tpu.memref_slice %arg10[%arg0, %dma_wait3A, %dma_wait3A_20] : memref<2x10000x16xf32, #tpu.memory_space<hbm>> -> memref<1x10000x16xf32, #tpu.memory_space<hbm>>
        %dma_wait3A_22 = tpu.memref_squeeze %dma_wait3A_21 : memref<1x10000x16xf32, #tpu.memory_space<hbm>> -> memref<10000x16xf32, #tpu.memory_space<hbm>>
        tpu.wait_dma2 semaphore(%run_scoped3A : memref<!tpu.dma_semaphore, #tpu.memory_space<semaphore_mem>>) src(%arg20 : memref<10000x16xf32, #tpu.memory_space<vmem_shared>>) dst(%dma_wait3A_22 : memref<10000x16xf32, #tpu.memory_space<hbm>>)
        tpu.yield
      }) : () -> ()
    } else {
    }
    return
  }
}

module attributes {stable_mosaic.version = 14 : i64} {
  func.func @_proj_body(%arg0: i32, %arg1: memref<2000x128xf32, #tpu.memory_space<vmem>>, %arg2: memref<128x16xf32, #tpu.memory_space<vmem>>, %arg3: memref<128x16xf32, #tpu.memory_space<vmem>>, %arg4: memref<128x128xf32, #tpu.memory_space<vmem>>, %arg5: memref<2000x16xf32, #tpu.memory_space<vmem>>, %arg6: memref<2000x16xf32, #tpu.memory_space<vmem>>, %arg7: memref<2000x128xf32, #tpu.memory_space<vmem>>) attributes {dimension_semantics = [#tpu.dimension_semantics<arbitrary>], iteration_bounds = array<i64: 5>, scalar_prefetch = 0 : i64, scratch_operands = 0 : i64, tpu.core_type = #tpu.core_type<tc>, window_params = [{transform_indices = @transform_0, window_bounds = array<i64: 2000, 128>}, {pipeline_mode = #tpu.pipeline_mode<synchronous>, transform_indices = @transform_1, window_bounds = array<i64: 128, 16>}, {pipeline_mode = #tpu.pipeline_mode<synchronous>, transform_indices = @transform_2, window_bounds = array<i64: 128, 16>}, {pipeline_mode = #tpu.pipeline_mode<synchronous>, transform_indices = @transform_3, window_bounds = array<i64: 128, 128>}, {transform_indices = @transform_4, window_bounds = array<i64: 2000, 16>}, {transform_indices = @transform_5, window_bounds = array<i64: 2000, 16>}, {transform_indices = @transform_6, window_bounds = array<i64: 2000, 128>}]} {
    %get3A = arith.constant 0 : index
    %get3A_0 = arith.constant 0 : index
    %get3A_1 = vector.load %arg1[%get3A, %get3A_0] : memref<2000x128xf32, #tpu.memory_space<vmem>>, vector<2000x128xf32>
    %get3A_2 = arith.constant 0 : index
    %get3A_3 = arith.constant 0 : index
    %get3A_4 = vector.load %arg2[%get3A_2, %get3A_3] : memref<128x16xf32, #tpu.memory_space<vmem>>, vector<128x16xf32>
    %dot_general3A = arith.constant dense<0.000000e+00> : vector<2000x16xf32>
    %dot_general3A_5 = tpu.matmul %get3A_1, %get3A_4, %dot_general3A {dimension_numbers = #tpu.dot_dimension_numbers<[1], [0], [0], [1], [0, 0, 1, 1], [], []>, transpose_lhs_hint = false} : vector<2000x128xf32>, vector<128x16xf32>, vector<2000x16xf32> -> vector<2000x16xf32>
    %swap3A = arith.constant 0 : index
    %swap3A_6 = arith.constant 0 : index
    %swap3A_7 = vector.load %arg5[%swap3A, %swap3A_6] : memref<2000x16xf32, #tpu.memory_space<vmem>>, vector<2000x16xf32>
    tpu.vector_store %arg5[%swap3A, %swap3A_6], %dot_general3A_5 {strides = array<i32>} : memref<2000x16xf32, #tpu.memory_space<vmem>>, vector<2000x16xf32>,
    %get3A_8 = arith.constant 0 : index
    %get3A_9 = arith.constant 0 : index
    %get3A_10 = vector.load %arg3[%get3A_8, %get3A_9] : memref<128x16xf32, #tpu.memory_space<vmem>>, vector<128x16xf32>
    %dot_general3A_11 = arith.constant dense<0.000000e+00> : vector<2000x16xf32>
    %dot_general3A_12 = tpu.matmul %get3A_1, %get3A_10, %dot_general3A_11 {dimension_numbers = #tpu.dot_dimension_numbers<[1], [0], [0], [1], [0, 0, 1, 1], [], []>, transpose_lhs_hint = false} : vector<2000x128xf32>, vector<128x16xf32>, vector<2000x16xf32> -> vector<2000x16xf32>
    %swap3A_13 = arith.constant 0 : index
    %swap3A_14 = arith.constant 0 : index
    %swap3A_15 = vector.load %arg6[%swap3A_13, %swap3A_14] : memref<2000x16xf32, #tpu.memory_space<vmem>>, vector<2000x16xf32>
    tpu.vector_store %arg6[%swap3A_13, %swap3A_14], %dot_general3A_12 {strides = array<i32>} : memref<2000x16xf32, #tpu.memory_space<vmem>>, vector<2000x16xf32>,
    %get3A_16 = arith.constant 0 : index
    %get3A_17 = arith.constant 0 : index
    %get3A_18 = vector.load %arg4[%get3A_16, %get3A_17] : memref<128x128xf32, #tpu.memory_space<vmem>>, vector<128x128xf32>
    %dot_general3A_19 = arith.constant dense<0.000000e+00> : vector<2000x128xf32>
    %dot_general3A_20 = tpu.matmul %get3A_1, %get3A_18, %dot_general3A_19 {dimension_numbers = #tpu.dot_dimension_numbers<[1], [0], [0], [1], [0, 0, 1, 1], [], []>, transpose_lhs_hint = false} : vector<2000x128xf32>, vector<128x128xf32>, vector<2000x128xf32> -> vector<2000x128xf32>
    %swap3A_21 = arith.constant 0 : index
    %swap3A_22 = arith.constant 0 : index
    %swap3A_23 = vector.load %arg7[%swap3A_21, %swap3A_22] : memref<2000x128xf32, #tpu.memory_space<vmem>>, vector<2000x128xf32>
    tpu.vector_store %arg7[%swap3A_21, %swap3A_22], %dot_general3A_20 {strides = array<i32>} : memref<2000x128xf32, #tpu.memory_space<vmem>>, vector<2000x128xf32>,
    return
  }
  func.func @transform_0(%arg0: i32) -> (i32, i32) {
    %c0_i32 = arith.constant 0 : i32
    %c0_i32_0 = arith.constant 0 : i32
    return %arg0, %c0_i32 : i32, i32
  }
  func.func @transform_1(%arg0: i32) -> (i32, i32) {
    %c0_i32 = arith.constant 0 : i32
    %c0_i32_0 = arith.constant 0 : i32
    %c0_i32_1 = arith.constant 0 : i32
    return %c0_i32, %c0_i32_0 : i32, i32
  }
  func.func @transform_2(%arg0: i32) -> (i32, i32) {
    %c0_i32 = arith.constant 0 : i32
    %c0_i32_0 = arith.constant 0 : i32
    %c0_i32_1 = arith.constant 0 : i32
    return %c0_i32, %c0_i32_0 : i32, i32
  }
  func.func @transform_3(%arg0: i32) -> (i32, i32) {
    %c0_i32 = arith.constant 0 : i32
    %c0_i32_0 = arith.constant 0 : i32
    %c0_i32_1 = arith.constant 0 : i32
    return %c0_i32, %c0_i32_0 : i32, i32
  }
  func.func @transform_4(%arg0: i32) -> (i32, i32) {
    %c0_i32 = arith.constant 0 : i32
    %c0_i32_0 = arith.constant 0 : i32
    return %arg0, %c0_i32 : i32, i32
  }
  func.func @transform_5(%arg0: i32) -> (i32, i32) {
    %c0_i32 = arith.constant 0 : i32
    %c0_i32_0 = arith.constant 0 : i32
    return %arg0, %c0_i32 : i32, i32
  }
  func.func @transform_6(%arg0: i32) -> (i32, i32) {
    %c0_i32 = arith.constant 0 : i32
    %c0_i32_0 = arith.constant 0 : i32
    return %arg0, %c0_i32 : i32, i32
  }
}

module attributes {stable_mosaic.version = 14 : i64} {
  func.func @_edge_lin_body(%arg0: i32, %arg1: memref<16x12800xf32, #tpu.memory_space<vmem>>, %arg2: memref<16x16xf32, #tpu.memory_space<vmem>>, %arg3: memref<16x1xf32, #tpu.memory_space<vmem>>, %arg4: memref<16x12800xf32, #tpu.memory_space<vmem>>) attributes {dimension_semantics = [#tpu.dimension_semantics<arbitrary>], iteration_bounds = array<i64: 25>, scalar_prefetch = 0 : i64, scratch_operands = 0 : i64, tpu.core_type = #tpu.core_type<tc>, window_params = [{transform_indices = @transform_0, window_bounds = array<i64: 16, 12800>}, {pipeline_mode = #tpu.pipeline_mode<synchronous>, transform_indices = @transform_1, window_bounds = array<i64: 16, 16>}, {pipeline_mode = #tpu.pipeline_mode<synchronous>, transform_indices = @transform_2, window_bounds = array<i64: 16, 1>}, {transform_indices = @transform_3, window_bounds = array<i64: 16, 12800>}]} {
    %get3A = arith.constant 0 : index
    %get3A_0 = arith.constant 0 : index
    %get3A_1 = vector.load %arg2[%get3A, %get3A_0] : memref<16x16xf32, #tpu.memory_space<vmem>>, vector<16x16xf32>
    %get3A_2 = arith.constant 0 : index
    %get3A_3 = arith.constant 0 : index
    %get3A_4 = vector.load %arg1[%get3A_2, %get3A_3] : memref<16x12800xf32, #tpu.memory_space<vmem>>, vector<16x12800xf32>
    %dot_general3A = arith.constant dense<0.000000e+00> : vector<16x12800xf32>
    %dot_general3A_5 = tpu.matmul %get3A_1, %get3A_4, %dot_general3A {dimension_numbers = #tpu.dot_dimension_numbers<[0], [0], [1], [1], [0, 1, 1, 1], [], []>, transpose_lhs_hint = false} : vector<16x16xf32>, vector<16x12800xf32>, vector<16x12800xf32> -> vector<16x12800xf32>
    %get3A_6 = arith.constant 0 : index
    %get3A_7 = arith.constant 0 : index
    %get3A_8 = vector.load %arg3[%get3A_6, %get3A_7] : memref<16x1xf32, #tpu.memory_space<vmem>>, vector<16x1xf32>
    %add3A = vector.broadcast %get3A_8 : vector<16x1xf32> to vector<16x12800xf32>
    %add3A_9 = arith.addf %dot_general3A_5, %add3A : vector<16x12800xf32>
    %swap3A = arith.constant 0 : index
    %swap3A_10 = arith.constant 0 : index
    %swap3A_11 = vector.load %arg4[%swap3A, %swap3A_10] : memref<16x12800xf32, #tpu.memory_space<vmem>>, vector<16x12800xf32>
    tpu.vector_store %arg4[%swap3A, %swap3A_10], %add3A_9 {strides = array<i32>} : memref<16x12800xf32, #tpu.memory_space<vmem>>, vector<16x12800xf32>,
    return
  }
  func.func @transform_0(%arg0: i32) -> (i32, i32) {
    %c0_i32 = arith.constant 0 : i32
    %c0_i32_0 = arith.constant 0 : i32
    return %c0_i32, %arg0 : i32, i32
  }
  func.func @transform_1(%arg0: i32) -> (i32, i32) {
    %c0_i32 = arith.constant 0 : i32
    %c0_i32_0 = arith.constant 0 : i32
    %c0_i32_1 = arith.constant 0 : i32
    return %c0_i32, %c0_i32_0 : i32, i32
  }
  func.func @transform_2(%arg0: i32) -> (i32, i32) {
    %c0_i32 = arith.constant 0 : i32
    %c0_i32_0 = arith.constant 0 : i32
    %c0_i32_1 = arith.constant 0 : i32
    return %c0_i32, %c0_i32_0 : i32, i32
  }
  func.func @transform_3(%arg0: i32) -> (i32, i32) {
    %c0_i32 = arith.constant 0 : i32
    %c0_i32_0 = arith.constant 0 : i32
    return %c0_i32, %arg0 : i32, i32
  }
}

module attributes {stable_mosaic.version = 14 : i64} {
  func.func @_node_body(%arg0: i32, %arg1: memref<2000x128xf32, #tpu.memory_space<vmem>>, %arg2: memref<2000x128xf32, #tpu.memory_space<vmem>>, %arg3: memref<2x2000x16xf32, #tpu.memory_space<vmem>>, %arg4: memref<2x2000x16xf32, #tpu.memory_space<vmem>>, %arg5: memref<16x128xf32, #tpu.memory_space<vmem>>, %arg6: memref<1x128xf32, #tpu.memory_space<vmem>>, %arg7: memref<2000x128xf32, #tpu.memory_space<vmem>>) attributes {dimension_semantics = [#tpu.dimension_semantics<arbitrary>], iteration_bounds = array<i64: 5>, scalar_prefetch = 0 : i64, scratch_operands = 0 : i64, tpu.core_type = #tpu.core_type<tc>, window_params = [{transform_indices = @transform_0, window_bounds = array<i64: 2000, 128>}, {transform_indices = @transform_1, window_bounds = array<i64: 2000, 128>}, {transform_indices = @transform_2, window_bounds = array<i64: 2, 2000, 16>}, {transform_indices = @transform_3, window_bounds = array<i64: 2, 2000, 16>}, {pipeline_mode = #tpu.pipeline_mode<synchronous>, transform_indices = @transform_4, window_bounds = array<i64: 16, 128>}, {pipeline_mode = #tpu.pipeline_mode<synchronous>, transform_indices = @transform_5, window_bounds = array<i64: 1, 128>}, {transform_indices = @transform_6, window_bounds = array<i64: 2000, 128>}]} {
    %get3A = arith.constant 0 : index
    %get3A_0 = arith.constant 0 : index
    %get3A_1 = arith.constant 0 : index
    %get3A_2 = vector.load %arg3[%get3A, %get3A_0, %get3A_1] : memref<2x2000x16xf32, #tpu.memory_space<vmem>>, vector<1x2000x16xf32>
    %get3A_3 = vector.shape_cast %get3A_2 : vector<1x2000x16xf32> to vector<2000x16xf32>
    %get3A_4 = arith.constant 1 : index
    %get3A_5 = arith.constant 0 : index
    %get3A_6 = arith.constant 0 : index
    %get3A_7 = vector.load %arg3[%get3A_4, %get3A_5, %get3A_6] : memref<2x2000x16xf32, #tpu.memory_space<vmem>>, vector<1x2000x16xf32>
    %get3A_8 = vector.shape_cast %get3A_7 : vector<1x2000x16xf32> to vector<2000x16xf32>
    %add3A = arith.addf %get3A_3, %get3A_8 : vector<2000x16xf32>
    %get3A_9 = arith.constant 0 : index
    %get3A_10 = arith.constant 0 : index
    %get3A_11 = arith.constant 0 : index
    %get3A_12 = vector.load %arg4[%get3A_9, %get3A_10, %get3A_11] : memref<2x2000x16xf32, #tpu.memory_space<vmem>>, vector<1x2000x16xf32>
    %get3A_13 = vector.shape_cast %get3A_12 : vector<1x2000x16xf32> to vector<2000x16xf32>
    %get3A_14 = arith.constant 1 : index
    %get3A_15 = arith.constant 0 : index
    %get3A_16 = arith.constant 0 : index
    %get3A_17 = vector.load %arg4[%get3A_14, %get3A_15, %get3A_16] : memref<2x2000x16xf32, #tpu.memory_space<vmem>>, vector<1x2000x16xf32>
    %get3A_18 = vector.shape_cast %get3A_17 : vector<1x2000x16xf32> to vector<2000x16xf32>
    %add3A_19 = arith.addf %get3A_13, %get3A_18 : vector<2000x16xf32>
    %max3A = arith.constant 1.000000e+00 : f32
    %max3A_20 = vector.broadcast %max3A : f32 to vector<2000x16xf32>
    %max3A_21 = arith.maximumf %add3A_19, %max3A_20 : vector<2000x16xf32>
    %div3A = arith.divf %add3A, %max3A_21 : vector<2000x16xf32>
    %get3A_22 = arith.constant 0 : index
    %get3A_23 = arith.constant 0 : index
    %get3A_24 = vector.load %arg1[%get3A_22, %get3A_23] : memref<2000x128xf32, #tpu.memory_space<vmem>>, vector<2000x128xf32>
    %get3A_25 = arith.constant 0 : index
    %get3A_26 = arith.constant 0 : index
    %get3A_27 = vector.load %arg2[%get3A_25, %get3A_26] : memref<2000x128xf32, #tpu.memory_space<vmem>>, vector<2000x128xf32>
    %add3A_28 = arith.addf %get3A_24, %get3A_27 : vector<2000x128xf32>
    %get3A_29 = arith.constant 0 : index
    %get3A_30 = arith.constant 0 : index
    %get3A_31 = vector.load %arg5[%get3A_29, %get3A_30] : memref<16x128xf32, #tpu.memory_space<vmem>>, vector<16x128xf32>
    %dot_general3A = arith.constant dense<0.000000e+00> : vector<2000x128xf32>
    %dot_general3A_32 = tpu.matmul %div3A, %get3A_31, %dot_general3A {dimension_numbers = #tpu.dot_dimension_numbers<[1], [0], [0], [1], [0, 0, 1, 1], [], []>, transpose_lhs_hint = false} : vector<2000x16xf32>, vector<16x128xf32>, vector<2000x128xf32> -> vector<2000x128xf32>
    %add3A_33 = arith.addf %add3A_28, %dot_general3A_32 : vector<2000x128xf32>
    %get3A_34 = arith.constant 0 : index
    %get3A_35 = arith.constant 0 : index
    %get3A_36 = vector.load %arg6[%get3A_34, %get3A_35] : memref<1x128xf32, #tpu.memory_space<vmem>>, vector<1x128xf32>
    %add3A_37 = vector.broadcast %get3A_36 : vector<1x128xf32> to vector<2000x128xf32>
    %add3A_38 = arith.addf %add3A_33, %add3A_37 : vector<2000x128xf32>
    %swap3A = arith.constant 0 : index
    %swap3A_39 = arith.constant 0 : index
    %swap3A_40 = vector.load %arg7[%swap3A, %swap3A_39] : memref<2000x128xf32, #tpu.memory_space<vmem>>, vector<2000x128xf32>
    tpu.vector_store %arg7[%swap3A, %swap3A_39], %add3A_38 {strides = array<i32>} : memref<2000x128xf32, #tpu.memory_space<vmem>>, vector<2000x128xf32>,
    return
  }
  func.func @transform_0(%arg0: i32) -> (i32, i32) {
    %c0_i32 = arith.constant 0 : i32
    %c0_i32_0 = arith.constant 0 : i32
    return %arg0, %c0_i32 : i32, i32
  }
  func.func @transform_1(%arg0: i32) -> (i32, i32) {
    %c0_i32 = arith.constant 0 : i32
    %c0_i32_0 = arith.constant 0 : i32
    return %arg0, %c0_i32 : i32, i32
  }
  func.func @transform_2(%arg0: i32) -> (i32, i32, i32) {
    %c0_i32 = arith.constant 0 : i32
    %c0_i32_0 = arith.constant 0 : i32
    %c0_i32_1 = arith.constant 0 : i32
    return %c0_i32, %arg0, %c0_i32_0 : i32, i32, i32
  }
  func.func @transform_3(%arg0: i32) -> (i32, i32, i32) {
    %c0_i32 = arith.constant 0 : i32
    %c0_i32_0 = arith.constant 0 : i32
    %c0_i32_1 = arith.constant 0 : i32
    return %c0_i32, %arg0, %c0_i32_0 : i32, i32, i32
  }
  func.func @transform_4(%arg0: i32) -> (i32, i32) {
    %c0_i32 = arith.constant 0 : i32
    %c0_i32_0 = arith.constant 0 : i32
    %c0_i32_1 = arith.constant 0 : i32
    return %c0_i32, %c0_i32_0 : i32, i32
  }
  func.func @transform_5(%arg0: i32) -> (i32, i32) {
    %c0_i32 = arith.constant 0 : i32
    %c0_i32_0 = arith.constant 0 : i32
    %c0_i32_1 = arith.constant 0 : i32
    return %c0_i32, %c0_i32_0 : i32, i32
  }
  func.func @transform_6(%arg0: i32) -> (i32, i32) {
    %c0_i32 = arith.constant 0 : i32
    %c0_i32_0 = arith.constant 0 : i32
    return %arg0, %c0_i32 : i32, i32
  }
}

</mosaic_0001>

<sc_bundles>
// kernel: kernel.6.cloned.1.call-start
scs
__scs_entry_jumppad:
0x0: {  	(pc) =	sbr.rel $0x88, $3  }
0x1: {  	(tag) =	ssettag $0x0;
	lr =	simm.s32 $0x1  }
0x2: {  	[smem:$0x3F9A] =	sst lr;
	_ =	strace $0xD0000000  }
0x3: {  	_ = 	snop  }
0x4: {  	_ = 	snop  }
0x5: {  	_ = 	snop  }
0x6: {  	_ = 	snop  }
0x7: {  	_ = 	snop  }
__scs_overlays_trampoline_lowered:
0x8: {  	[smem:$0x3FA9] =	sst s0  }
0x9: {  	[smem:$0x3FAA] =	sst s1  }
0xa: {  	[smem:$0x3FAB] =	sst s2  }
0xb: {  	[smem:$0x3FAC] =	sst s3  }
0xc: {  	[smem:$0x3FAD] =	sst s4  }
0xd: {  	[smem:$0x3FAE] =	sst s5  }
0xe: {  	[smem:$0x3FAF] =	sst s6  }
0xf: {  	[smem:$0x3FB0] =	sst s7  }
0x10: {  	[smem:$0x3FB1] =	sst s8  }
0x11: {  	[smem:$0x3FB2] =	sst s9;
	s0 =	simm.s32 @!p0 $0x0  }
0x12: {  	s1 =	sld [smem:$0x3F98];
	s0 =	simm.s32 @p0 $0x1  }
0x13: {  	[smem:$0x3FB3] =	sst s0;
	s0 =	simm.s32 @!p1 $0x0  }
0x14: {  	s2 =	sld [smem:$0x3F97];
	s0 =	simm.s32 @p1 $0x1  }
0x15: {  	[smem:$0x3FB4] =	sst s0;
	s0 =	simm.s32 @!p2 $0x0  }
0x16: {  	s3 =	sld [smem:$0x3FDB];
	s0 =	simm.s32 @p2 $0x1  }
0x17: {  	s4 =	simm.s32 $0x1BF5;
	[smem:$0x3FB6] =	sst s0  }
0x18: {  	s0 =	sld [smem:$0x3F99];
	_ =	swait.ge [sflag:s4], $0x0  }
0x19: {  	s7 =	sld [smem:$0x3F9A]  }
0x1a: {  	s8 =	sadd.s32 $0xFFFFE003, lr  }
0x1b: {  	s9 =	sadd.s32 $0xFFFFFEF7, lr;
	s5 =	simm.s32 $0xFFFFFFFF;
	p2 =	slt.u32 s8, $0xFFFFF086  }
0x1c: {  	p1 =	slt.u32 s9, $0xF7A;
	s5 =	simm.s32 @!p2 $0x0  }
0x1d: {  	s5 =	simm.s32 @p1 $0x1;
	p0 =	seq.s32 s7, s2  }
0x1e: {  	s7 =	smul.u32 @!p0 $0xF7A, s2;
	p2 =	seq.s32 @!p0 s5, $0x0  }
0x1f: {  	s9 =	smul.u32 $0xF7A, s1;
	s8 =	simm.s32 @!p0 $0x1BF5;
	p2 =	por !p2, p0  }
0x20: {  	[sflag:s8] =	ssyncset.s32 @!p0 $0xFFFFF086;
	s6 =	sadd.s32 @!p0 s3, s7;
	s7 =	simm.s32 @!p0 $0x108  }
0x21: {  	s3 =	sadd.s32 s3, s9;
	s6 =	sadd.s32 @!p0 $0x88, s6;
	s7 =	simm.s32 @p2 $0x1082  }
0x22: {  	[simem:s7], [sflag:s8] =	dma.local @!p0 [hbm:s6], $0xF7A  }
0x23: {  	s9 =	sor.u32 $0xD0000000, s2;
	s6 =	simm.s32 $0x108;
	_ =	swait.ge @!p0 [sflag:s8], $0x0  }
0x24: {  	s3 =	sadd.s32 $0x88, s3;
	s6 =	simm.s32 @!p1 $0x1082;
	[sflag:s4] =	ssyncset.s32 $0xFFFFF086  }
0x25: {  	[simem:s6], [sflag:s4] =	dma.local [hbm:s3], $0xF7A  }
0x26: {  	[smem:$0x3F9A] =	sst s1;
	(tag) =	ssettag s2;
	_ =	strace s9  }
0x27: {  	s1 =	sld [smem:$0x3FAA]  }
0x28: {  	s2 =	sld [smem:$0x3FAB]  }
0x29: {  	s4 =	sld [smem:$0x3FAD]  }
0x2a: {  	p0 =	seq.s32 s5, $0x0;
	s5 =	sld [smem:$0x3FAE]  }
0x2b: {  	s6 =	sld [smem:$0x3FAF]  }
0x2c: {  	s7 =	sld [smem:$0x3FB0]  }
0x2d: {  	s3 =	simm.s32 $0x108;
	s8 =	sld [smem:$0x3FB1]  }
0x2e: {  	s3 =	simm.s32 @!p0 $0x1082;
	s9 =	sld [smem:$0x3FB2]  }
0x2f: {  	lr =	sadd.s32 s0, s3;
	s0 =	sld [smem:$0x3FA9]  }
0x30: {  	s3 =	sld [smem:$0x3FAC]  }
0x31: {  	[smem:$0x3FB5] =	sst s10  }
0x32: {  	s10 =	sld [smem:$0x3FB3];
	_ =	sdelay $0x3  }
0x33: {  	p0 =	seq.s32 s10, $0x1;
	s10 =	sld [smem:$0x3FB5];
	_ =	sdelay $0x3  }
0x34: {  	[smem:$0x3FB5] =	sst s10  }
0x35: {  	s10 =	sld [smem:$0x3FB4];
	_ =	sdelay $0x3  }
0x36: {  	p1 =	seq.s32 s10, $0x1;
	s10 =	sld [smem:$0x3FB5];
	_ =	sdelay $0x3  }
0x37: {  	[smem:$0x3FB5] =	sst s10  }
0x38: {  	s10 =	sld [smem:$0x3FB6]  }
0x39: {  	_ = 	snop;
	(pc) =	sbr.ind lr, $3  }
0x3a: {  	_ = 	snop  }
0x3b: {  	_ = 	snop  }
0x3c: {  	p2 =	seq.s32 s10, $0x1;
	s10 =	sld [smem:$0x3FB5]  }
0x3d: {  	_ =	shalt  }
0x3e: {  	_ =	shalt  }
0x3f: {  	_ =	shalt  }
0x40: {  	_ =	shalt  }
0x41: {  	_ =	shalt  }
0x42: {  	_ =	shalt  }
0x43: {  	_ =	shalt  }
0x44: {  	_ =	shalt  }
0x45: {  	_ =	shalt  }
0x46: {  	_ =	shalt  }
0x47: {  	_ =	shalt  }
0x48: {  	_ =	shalt  }
0x49: {  	_ =	shalt  }
0x4a: {  	_ =	shalt  }
0x4b: {  	_ =	shalt  }
0x4c: {  	_ =	shalt  }
0x4d: {  	_ =	shalt  }
0x4e: {  	_ =	shalt  }
0x4f: {  	_ =	shalt  }
0x50: {  	_ =	shalt  }
0x51: {  	_ =	shalt  }
0x52: {  	_ =	shalt  }
0x53: {  	_ =	shalt  }
0x54: {  	_ =	shalt  }
0x55: {  	_ =	shalt  }
0x56: {  	_ =	shalt  }
0x57: {  	_ =	shalt  }
0x58: {  	_ =	shalt  }
0x59: {  	_ =	shalt  }
0x5a: {  	_ =	shalt  }
0x5b: {  	_ =	shalt  }
0x5c: {  	_ =	shalt  }
0x5d: {  	_ =	shalt  }
0x5e: {  	_ =	shalt  }
0x5f: {  	_ =	shalt  }
0x60: {  	_ =	shalt  }
0x61: {  	_ =	shalt  }
0x62: {  	_ =	shalt  }
0x63: {  	_ =	shalt  }
0x64: {  	_ =	shalt  }
0x65: {  	_ =	shalt  }
0x66: {  	_ =	shalt  }
0x67: {  	_ =	shalt  }
0x68: {  	_ =	shalt  }
0x69: {  	_ =	shalt  }
0x6a: {  	_ =	shalt  }
0x6b: {  	_ =	shalt  }
0x6c: {  	_ =	shalt  }
0x6d: {  	_ =	shalt  }
0x6e: {  	_ =	shalt  }
0x6f: {  	_ =	shalt  }
0x70: {  	_ =	shalt  }
0x71: {  	_ =	shalt  }
0x72: {  	_ =	shalt  }
0x73: {  	_ =	shalt  }
0x74: {  	_ =	shalt  }
0x75: {  	_ =	shalt  }
0x76: {  	_ =	shalt  }
0x77: {  	_ =	shalt  }
0x78: {  	_ =	shalt  }
0x79: {  	_ =	shalt  }
0x7a: {  	_ =	shalt  }
0x7b: {  	_ =	shalt  }
0x7c: {  	_ =	shalt  }
0x7d: {  	_ =	shalt  }
0x7e: {  	_ =	shalt  }
0x7f: {  	_ =	shalt  }
0x80: {  	_ =	shalt  }
0x81: {  	_ =	shalt  }
0x82: {  	_ =	shalt  }
0x83: {  	_ =	shalt  }
0x84: {  	_ =	shalt  }
0x85: {  	_ =	shalt  }
0x86: {  	_ =	shalt  }
0x87: {  	_ =	shalt  }
.Lfunc_end0:
.L_simem_size_0:
called_computation_lowered:
.L_overlay_start_0:
0x88: {  	s2 =	sld [smem:$0x3FD9]  }
0x89: {  	s3 =	sld [smem:$0x3FFE];
	_ =	sdelay $0x1  }
0x8a: {  	s1 =	srdreg.scid  }
0x8b: {  	s0 =	sand.u32 $0x1, s1  }
0x8c: {  	s14 =	sshll.u32 s0, $0xA;
	s2 =	sadd.s32 s3, s2  }
0x8d: {  	s2 =	sadd.s32 s2, s14  }
0x8e: {  	[smem:$0x3FC1] =	sst s2  }
0x8f: {  	_ = 	snop  }
0x90: {  	s2 =	sld [smem:$0x3FD0];
	_ =	sdelay $0x2  }
0x91: {  	s15 =	simm.s32 $0xA;
	s4 =	simm.s32 $0x10  }
0x92: {  	[smem:s4], [sflag:s15] =	dma.local [hbm:s2], $0x1  }
0x93: {  	_ =	swait.eq [sflag:s15], $0x1  }
0x94: {  	[sflag:s15] =	ssyncset.done $0x0  }
0x95: {  	s16 =	sld [smem:$0x10];
	[sflag:s15] =	ssyncadd.s32 $0xFFFFFFFF  }
0x96: {  	s17 =	sld [smem:$0x11];
	(tm) =	ssettm $0x1  }
0x97: {  	s18 =	sld [smem:$0x3FFB];
	_ =	sdelay $0x3  }
0x98: {  	_ =	strace s18  }
0x99: {  	s4 =	sld [smem:$0x3FFC];
	_ =	sdelay $0x3  }
0x9a: {  	_ =	strace s4  }
0x9b: {  	s4 =	sld [smem:$0x3FFD];
	_ =	sdelay $0x3  }
0x9c: {  	_ =	strace s4  }
0x9d: {  	_ =	strace $0x8FFFFFFF  }
0x9e: {  	s19 =	sld [smem:$0x3FDB];
	_ =	sdelay $0x1  }
0x9f: {  	s5 =	simm.s32 $_scs_section_size  }
0xa0: {  	s6 =	simm.s32 $_size__tile_overlayer_lowered;
	s7 =	simm.s32 $_tile_overlayer_lowered  }
0xa1: {  	s22 =	simm.s32 $0x1BFF;
	s21 =	sshll.u32 s7, $0x1;
	s4 =	sadd.s32 s5, s19  }
0xa2: {  	s8 =	simm.s32 $0x0;
	s20 =	sshll.u32 s6, $0x1;
	s6 =	sadd.s32 s21, s4  }
0xa3: {  	[timem:s8], [sflag:s22] =	dma.local [hbm:s6], s20  }
0xa4: {  	_ =	swait.ge [sflag:s22], s20  }
0xa5: {  	s5 =	ssub.s32 $0x0, s20;
	[sflag:s22] =	ssyncset.done $0x0  }
0xa6: {  	[sflag:s22] =	ssyncadd.s32 s5;
	_ =	sdelay $0x1  }
0xa7: {  	s23 =	simm.s32 $0x1B8B  }
0xa8: {  	_ =	swait.ge [sflag:s23], $0x1  }
0xa9: {  	[sflag:s23] =	ssyncset.done $0x0  }
0xaa: {  	s25 =	simm.s32 $0x1B8E;
	s24 =	sld [smem:$0x3FFE];
	[sflag:s23] =	ssyncadd.s32 $0xFFFFFFFF  }
0xab: {  	s26 =	simm.s32 $execute0_lowered;
	[smem:$0x3FD2] =	sst s25  }
0xac: {  	s6 =	sshll.u32 s26, $0x1;
	_ =	strace $0x80000046;
	[dreg:$0x1] =	wrdreg $0xFFFFFFFF  }
0xad: {  	s28 =	simm.s32 $_size_execute0_lowered;
	s4 =	sadd.s32 s4, s6;
	[dreg:$0x0] =	wrdreg $0x0  }
0xae: {  	s6 =	sshll.u32 s28, $0x1;
	[dreg:$0x2] =	wrdreg s4  }
0xaf: {  	[dreg:$0x3] =	wrdreg s6  }
0xb0: {  	[dreg:$0x4] =	wrdreg $0xC0  }
0xb1: {  	_ =	task [dreg:s8], $0x5FFFF  }
0xb2: {  	[dreg:$0x1] =	wrdreg $0xFFFFFFFF  }
0xb3: {  	[dreg:$0x0] =	wrdreg $0x60  }
0xb4: {  	[dreg:$0x2] =	wrdreg s16  }
0xb5: {  	[dreg:$0x3] =	wrdreg s17  }
0xb6: {  	[dreg:$0x4] =	wrdreg s24  }
0xb7: {  	[dreg:$0x5] =	wrdreg $0x148500  }
0xb8: {  	[dreg:$0x6] =	wrdreg $0x16F600  }
0xb9: {  	[dreg:$0x7] =	wrdreg $0x9  }
0xba: {  	_ =	task.clear_ibuf [dreg:s8], $0x8FFFF;
	_ =	strace $0x90000046  }
0xbb: {  	s29 =	simm.s32 $0x9;
	_ =	strace $0x80000048  }
0xbc: {  	_ =	swait.ge [sflag:s29], $0x1  }
0xbd: {  	[sflag:s29] =	ssyncadd.s32 $0xFFFFFFFF  }
0xbe: {  	_ =	strace $0x90000048  }
0xbf: {  	_ =	sfence  }
0xc0: {  	s30 =	sld [smem:$0x0];
	_ =	sdelay $0x2  }
0xc1: {  	s31 =	sshll.u32 s1, $0xD;
	s1 =	sshrl.u32 s1, $0x2  }
0xc2: {  	s3 =	sand.u32 $0x4000, s31;
	s1 =	sadd.s32 s1, s30  }
0xc3: {  	s0 =	sor.u32 s3, s0;
	s1 =	sshll.u32 s1, $0x11  }
0xc4: {  	s0 =	sor.u32 s1, s0  }
0xc5: {  	s0 =	sadd.s32 $0x8F2B, s0  }
0xc6: {  	[sflag:s0] =	ssyncadd.remote.s32 $0x1  }
0xc7: {  	_ =	sfence.sel $0xFFFF  }
0xc8: {  	[dreg:$0x0] =	wrdreg $0xFFFFFFFF;
	(pc) =	sbr.abs _section_cstart, $3  }
0xc9: {  	[dreg:$0x1] =	wrdreg $0xFFFFFFFF  }
0xca: {  	_ =	task.clear_ibuf [dreg:s8], $0x2FFFF;
	_ =	strace $0x9FFFFFFF  }
0xcb: {  	(tm) =	ssettm $0x7FFFFFFF  }
tec
execute0_lowered:
.L_overlay_start_1:
0x0: {  	(tag) =	ssettag $0x1  }
0x1: {  	s2 =	rddreg [dreg:$0x1]  }
0x2: {  	s0 =	rddreg [dreg:$0x2]  }
0x3: {  	s12 =	rddreg [dreg:$0x3]  }
0x4: {  	s13 =	rddreg [dreg:$0x4];
	s5 =	simm.s32 $0x0;
	s24 =	srdreg.scid  }
0x5: {  	s25 =	stileid.u32;
	s21 =	simm.s32 $0x7D;
	s14 =	simm.s32 $0x480  }
0x6: {  	s15 =	simm.s32 $0x500;
	s17 =	simm.s32 $0x580;
	s18 =	simm.s32 $0x600  }
0x7: {  	s19 =	simm.s32 $0x680;
	s20 =	simm.s32 $0x700;
	s22 =	simm.s32 $0x780  }
0x8: {  	s16 =	simm.s32 $0x800;
	s29 =	simm.s32 $0x1;
	[smem:$0x7FF] =	sst s5  }
0x9: {  	s6 =	sadd.s32 $0x7200, s0;
	s1 =	sadd.s32 $0xC200, s0;
	s9 =	sshll.u32 s25, $0x1  }
0xa: {  	_ =	strace $0x80000047;
	[dreg:$0x6] =	wrdreg s1;
	s1 =	sand.u32 $0x1, s24  }
0xb: {  	s4 =	smul.u32 $0x4E20, s1;
	s8 =	ssub.s32 $0x2, s1;
	s1 =	sor.u32 s1, s9  }
0xc: {  	s7 =	sadd.s32 $0x2200, s0;
	s3 =	sadd.s32 $0x11200, s0;
	s28 =	smul.u32 $0x2710, s1  }
0xd: {  	s10 =	sadd.s32 $0x25000, s0;
	[dreg:$0x7] =	wrdreg s3;
	s1 =	smul.u32 $0x2800, s1  }
0xe: {  	p0 =	sne.s32 s25, $0x0;
	s11 =	sshrl.u32 s8, $0x1;
	[dreg:$0x8] =	wrdreg s28  }
0xf: {  	s26 =	ssub.s32 s8, s11;
	s8 =	sshrl.u32 @!p0 s12, $0x3;
	[dreg:$0x9] =	wrdreg s1  }
0x10: {  	s0 =	sadd.s32 s4, s0;
	s11 =	sshrl.u32 @!p0 s13, $0x3;
	[dreg:$0xd] =	wrdreg s8  }
0x11: {  	s9 =	simm.s32 $0x10200;
	s30 =	sadd.s32 $0x1B200, s0;
	[dreg:$0xe] =	wrdreg s11  }
0x12: {  	v0 =	vlaneseq.u32;
	s12 =	simm.s32 $0x14080;
	s0 =	sadd.s32 $0x11400, s0;
	[dreg:$0xa] =	wrdreg s30  }
0x13: {  	v0 =	vmul.u32 $0x3E8, v0;
	s13 =	simm.s32 $0x400;
	s31 =	smax.u32 s26, $0x1;
	[dreg:$0xb] =	wrdreg s0  }
0x14: {  	s4 =	simm.s32 $0x0;
	[dreg:$0xc] =	wrdreg s31;
	s0 =	simm.s32 $0x2  }
.LBB2_1:
0x15: {  	[dreg:$0xf] =	wrdreg s4  }
0x16: {  	s1 =	simm.s32 @!p0 $0x1C03;
	s4 =	rddreg [dreg:$0x6];
	s3 =	simm.s32 @!p0 $0x3  }
0x17: {  	[spmem:s8], [sflag:s1] =	dma.local @!p0 [hbm:s4], $0x4E20  }
0x18: {  	_ =	swait.ge @!p0 [sflag:s3], $0x4E20  }
0x19: {  	[sflag:s3] =	ssyncset.done @!p0 $0x0  }
0x1a: {  	[sflag:s3] =	ssyncadd.s32 @!p0 $0xFFFFB1E0  }
0x1b: {  	[spmem:s11], [sflag:s1] =	dma.local @!p0 [hbm:s4], $0x4E20  }
0x1c: {  	_ =	swait.ge @!p0 [sflag:s3], $0x4E20  }
0x1d: {  	[sflag:s3] =	ssyncset.done @!p0 $0x0  }
0x1e: {  	s31 =	simm.s32 $0x3;
	s30 =	rddreg [dreg:$0x7];
	[sflag:s3] =	ssyncadd.s32 @!p0 $0xFFFFB1E0  }
0x1f: {  	[tilespmem:s12], [sflag:$0x3] =	stream.linear.gather [hbm4b:s30+s5], $0x7D0, $0x38;
	[tilespmem:$0x19670] =	vst v63  }
0x20: {  	_ =	swait.ge [sflag:s31], $0x7D0  }
0x21: {  	[sflag:s31] =	ssyncset.done $0x0  }
0x22: {  	[sflag:s31] =	ssyncadd.s32 $0xFFFFF830  }
0x23: {  	s1 =	simm.s32 $0x0;
	[bflag:$0x0] =	sbarrier.arrive $0xFFFF  }
.LBB2_2:
0x24: {  	s3 =	sshll.u32 s1, $0xA;
	s4 =	rddreg [dreg:$0x9]  }
0x25: {  	s3 =	sadd.s32 s4, s3  }
0x26: {  	s24 =	rddreg [dreg:$0x0];
	s3 =	sshrl.u32 s3, $0x3  }
0x27: {  	s8 =	simm.s32 $0x3;
	s4 =	sadd.s32 s24, s3;
	s3 =	simm.s32 $0x0  }
0x28: {  	[tilespmem:s3], [sflag:$0x3] =	stream.linear.gather [hbm4b:s4+s3], $0x400, $0x38;
	[tilespmem:$0x19670] =	vst v63  }
0x29: {  	_ =	swait.ge [sflag:s8], $0x400  }
0x2a: {  	[sflag:s8] =	ssyncset.done $0x0  }
0x2b: {  	s4 =	sadd.s32 $0xA000, s4;
	[sflag:s8] =	ssyncadd.s32 $0xFFFFFC00  }
0x2c: {  	[tilespmem:s13], [sflag:$0x3] =	stream.linear.gather [hbm4b:s4+s3], $0x400, $0x38;
	[tilespmem:$0x19670] =	vst v63  }
0x2d: {  	_ =	swait.ge [sflag:s8], $0x400  }
0x2e: {  	[sflag:s8] =	ssyncset.done $0x0  }
0x2f: {  	s25 =	simm.s32 $0x4680;
	[sflag:s8] =	ssyncadd.s32 $0xFFFFFC00  }
0x30: {  	[tilespmem:s25], [sflag:$0x1] =	stream.indirect.gather [hbm4b:s6+s21], $0x10, s3, s21, $0xb8;
	[tilespmem:$0x19670] =	vst v63  }
0x31: {  	s26 =	simm.s32 $0x8500  }
0x32: {  	[tilespmem:s26], [sflag:$0x2] =	stream.indirect.gather [hbm4b:s7+s21], $0x10, s13, s21, $0xb8;
	[tilespmem:$0x19670] =	vst v63  }
0x33: {  	s11 =	simm.s32 $0x4E50;
	s8 =	simm.s32 $0x80  }
0x34: {  	[tilespmem:s11], [sflag:$0x1] =	stream.indirect.gather [hbm4b:s6+s21], $0x10, s8, s21, $0xb8;
	[tilespmem:$0x19670] =	vst v63  }
0x35: {  	s12 =	simm.s32 $0x8CD0  }
0x36: {  	[tilespmem:s12], [sflag:$0x2] =	stream.indirect.gather [hbm4b:s7+s21], $0x10, s14, s21, $0xb8;
	[tilespmem:$0x19670] =	vst v63  }
0x37: {  	s13 =	simm.s32 $0x100;
	s14 =	simm.s32 $0x5620  }
0x38: {  	[tilespmem:s14], [sflag:$0x1] =	stream.indirect.gather [hbm4b:s6+s21], $0x10, s13, s21, $0xb8;
	[tilespmem:$0x19670] =	vst v63  }
0x39: {  	s23 =	simm.s32 $0x94A0  }
0x3a: {  	[tilespmem:s23], [sflag:$0x2] =	stream.indirect.gather [hbm4b:s7+s21], $0x10, s15, s21, $0xb8;
	[tilespmem:$0x19670] =	vst v63  }
0x3b: {  	s24 =	simm.s32 $0x180;
	s25 =	simm.s32 $0x5DF0  }
0x3c: {  	[tilespmem:s25], [sflag:$0x1] =	stream.indirect.gather [hbm4b:s6+s21], $0x10, s24, s21, $0xb8;
	[tilespmem:$0x19670] =	vst v63  }
0x3d: {  	s26 =	simm.s32 $0x9C70  }
0x3e: {  	[tilespmem:s26], [sflag:$0x2] =	stream.indirect.gather [hbm4b:s7+s21], $0x10, s17, s21, $0xb8;
	[tilespmem:$0x19670] =	vst v63  }
0x3f: {  	s8 =	simm.s32 $0x200;
	s11 =	simm.s32 $0x65C0  }
0x40: {  	[tilespmem:s11], [sflag:$0x1] =	stream.indirect.gather [hbm4b:s6+s21], $0x10, s8, s21, $0xb8;
	[tilespmem:$0x19670] =	vst v63  }
0x41: {  	s12 =	simm.s32 $0xA440  }
0x42: {  	[tilespmem:s12], [sflag:$0x2] =	stream.indirect.gather [hbm4b:s7+s21], $0x10, s18, s21, $0xb8;
	[tilespmem:$0x19670] =	vst v63  }
0x43: {  	s13 =	simm.s32 $0x280;
	s14 =	simm.s32 $0x6D90  }
0x44: {  	[tilespmem:s14], [sflag:$0x1] =	stream.indirect.gather [hbm4b:s6+s21], $0x10, s13, s21, $0xb8;
	[tilespmem:$0x19670] =	vst v63  }
0x45: {  	s15 =	simm.s32 $0xAC10  }
0x46: {  	[tilespmem:s15], [sflag:$0x2] =	stream.indirect.gather [hbm4b:s7+s21], $0x10, s19, s21, $0xb8;
	[tilespmem:$0x19670] =	vst v63  }
0x47: {  	s17 =	simm.s32 $0x300;
	s18 =	simm.s32 $0x7560  }
0x48: {  	[tilespmem:s18], [sflag:$0x1] =	stream.indirect.gather [hbm4b:s6+s21], $0x10, s17, s21, $0xb8;
	[tilespmem:$0x19670] =	vst v63  }
0x49: {  	s23 =	smul.u32 $0x3E8, s1;
	s19 =	simm.s32 $0xB3E0  }
0x4a: {  	[tilespmem:s19], [sflag:$0x2] =	stream.indirect.gather [hbm4b:s7+s21], $0x10, s20, s21, $0xb8;
	[tilespmem:$0x19670] =	vst v63  }
0x4b: {  	s24 =	simm.s32 $0x380;
	s25 =	rddreg [dreg:$0x8];
	s11 =	simm.s32 $0x7D30  }
0x4c: {  	[tilespmem:s11], [sflag:$0x1] =	stream.indirect.gather [hbm4b:s6+s21], $0x10, s24, s21, $0xb8;
	[tilespmem:$0x19670] =	vst v63  }
0x4d: {  	s4 =	sadd.s32 s25, s23;
	s26 =	simm.s32 $0xBBB0  }
0x4e: {  	[tilespmem:s26], [sflag:$0x2] =	stream.indirect.gather [hbm4b:s7+s21], $0x10, s22, s21, $0xb8;
	[tilespmem:$0x19670] =	vst v63  }
0x4f: {  	s23 =	simm.s32 $0x1B88;
	s22 =	sshrl.u32 s4, $0x3  }
0x50: {  	s12 =	simm.s32 $0xBE8;
	s4 =	sadd.s32 s2, s22;
	s11 =	sadd.s32 $0x9C40, s22  }
0x51: {  	[tilespmem:s16], [sflag:$0x1] =	stream.linear.gather [hbm4b:s4+s3], $0x3E8, $0x38;
	[tilespmem:$0x19670] =	vst v63  }
0x52: {  	s14 =	simm.s32 $0xFD0;
	s13 =	sadd.s32 $0x13880, s22;
	s4 =	sadd.s32 s2, s11  }
0x53: {  	[tilespmem:s12], [sflag:$0x1] =	stream.linear.gather [hbm4b:s4+s3], $0x3E8, $0x38;
	[tilespmem:$0x19670] =	vst v63  }
0x54: {  	s17 =	simm.s32 $0x13B8;
	s28 =	sadd.s32 $0x1D4C0, s22;
	s4 =	sadd.s32 s2, s13  }
0x55: {  	[tilespmem:s14], [sflag:$0x1] =	stream.linear.gather [hbm4b:s4+s3], $0x3E8, $0x38;
	[tilespmem:$0x19670] =	vst v63  }
0x56: {  	[dreg:$0x11] =	wrdreg s13;
	s15 =	sadd.s32 s2, s28;
	s13 =	sadd.s32 $0x27100, s22  }
0x57: {  	[tilespmem:s17], [sflag:$0x1] =	stream.linear.gather [hbm4b:s15+s3], $0x3E8, $0x38;
	[tilespmem:$0x19670] =	vst v63  }
0x58: {  	s19 =	simm.s32 $0x17A0;
	s8 =	sadd.s32 $0x30D40, s22;
	s18 =	sadd.s32 s2, s13  }
0x59: {  	[tilespmem:s19], [sflag:$0x1] =	stream.linear.gather [hbm4b:s18+s3], $0x3E8, $0x38;
	[tilespmem:$0x19670] =	vst v63  }
0x5a: {  	[dreg:$0x10] =	wrdreg s11;
	s20 =	sadd.s32 s2, s8;
	s11 =	sadd.s32 $0x3A980, s22  }
0x5b: {  	[tilespmem:s23], [sflag:$0x1] =	stream.linear.gather [hbm4b:s20+s3], $0x3E8, $0x38;
	[tilespmem:$0x19670] =	vst v63  }
0x5c: {  	s24 =	sadd.s32 s2, s11;
	s12 =	simm.s32 $0x1F70  }
0x5d: {  	[tilespmem:s12], [sflag:$0x1] =	stream.linear.gather [hbm4b:s24+s3], $0x3E8, $0x38;
	[tilespmem:$0x19670] =	vst v63  }
0x5e: {  	s12 =	sadd.s32 $0x445C0, s22  }
0x5f: {  	s26 =	simm.s32 $0x2358;
	s25 =	sadd.s32 s2, s12  }
0x60: {  	[tilespmem:s26], [sflag:$0x1] =	stream.linear.gather [hbm4b:s25+s3], $0x3E8, $0x38;
	[tilespmem:$0x19670] =	vst v63  }
0x61: {  	s26 =	sadd.s32 $0x4E200, s22  }
0x62: {  	s31 =	sadd.s32 $0x57E40, s22;
	s17 =	simm.s32 $0x2740;
	s15 =	sadd.s32 s2, s26  }
0x63: {  	[tilespmem:s17], [sflag:$0x1] =	stream.linear.gather [hbm4b:s15+s3], $0x3E8, $0x38;
	[tilespmem:$0x19670] =	vst v63  }
0x64: {  	s14 =	sadd.s32 $0x61A80, s22;
	s18 =	sadd.s32 s2, s31;
	s19 =	simm.s32 $0x2B28  }
0x65: {  	[tilespmem:s19], [sflag:$0x1] =	stream.linear.gather [hbm4b:s18+s3], $0x3E8, $0x38;
	[tilespmem:$0x19670] =	vst v63  }
0x66: {  	s20 =	sadd.s32 s2, s14;
	s23 =	simm.s32 $0x2F10;
	s17 =	sadd.s32 $0x6B6C0, s22  }
0x67: {  	[tilespmem:s23], [sflag:$0x1] =	stream.linear.gather [hbm4b:s20+s3], $0x3E8, $0x38;
	[tilespmem:$0x19670] =	vst v63  }
0x68: {  	s25 =	simm.s32 $0x32F8;
	s24 =	sadd.s32 s2, s17  }
0x69: {  	[tilespmem:s25], [sflag:$0x1] =	stream.linear.gather [hbm4b:s24+s3], $0x3E8, $0x38;
	[tilespmem:$0x19670] =	vst v63  }
0x6a: {  	s24 =	sadd.s32 $0x75300, s22  }
0x6b: {  	s30 =	sadd.s32 $0x7EF40, s22;
	s18 =	simm.s32 $0x36E0;
	s15 =	sadd.s32 s2, s24  }
0x6c: {  	[tilespmem:s18], [sflag:$0x1] =	stream.linear.gather [hbm4b:s15+s3], $0x3E8, $0x38;
	[tilespmem:$0x19670] =	vst v63  }
0x6d: {  	s19 =	sadd.s32 s2, s30;
	s20 =	simm.s32 $0x3AC8;
	s15 =	sadd.s32 $0x88B80, s22  }
0x6e: {  	[tilespmem:s20], [sflag:$0x1] =	stream.linear.gather [hbm4b:s19+s3], $0x3E8, $0x38;
	[tilespmem:$0x19670] =	vst v63  }
0x6f: {  	s25 =	simm.s32 $0x3EB0;
	s23 =	sadd.s32 s2, s15;
	s20 =	sadd.s32 $0x927C0, s22  }
0x70: {  	[tilespmem:s25], [sflag:$0x1] =	stream.linear.gather [hbm4b:s23+s3], $0x3E8, $0x38;
	[tilespmem:$0x19670] =	vst v63  }
0x71: {  	s19 =	sadd.s32 s2, s20;
	s23 =	simm.s32 $0x4298  }
0x72: {  	[tilespmem:s23], [sflag:$0x1] =	stream.linear.gather [hbm4b:s19+s3], $0x3E8, $0x38;
	[tilespmem:$0x19670] =	vst v63  }
0x73: {  	_ =	swait.ge [sflag:s29], $0x7D0  }
0x74: {  	[sflag:s29] =	ssyncset.done $0x0  }
0x75: {  	[sflag:s29] =	ssyncadd.s32 $0xFFFFF830  }
0x76: {  	_ =	swait.ge [sflag:s0], $0x7D0  }
0x77: {  	[sflag:s0] =	ssyncset.done $0x0  }
0x78: {  	[sflag:s0] =	ssyncadd.s32 $0xFFFFF830  }
0x79: {  	_ =	swait.ge [sflag:s29], $0x7D0  }
0x7a: {  	[sflag:s29] =	ssyncset.done $0x0  }
0x7b: {  	[sflag:s29] =	ssyncadd.s32 $0xFFFFF830  }
0x7c: {  	_ =	swait.ge [sflag:s0], $0x7D0  }
0x7d: {  	[sflag:s0] =	ssyncset.done $0x0  }
0x7e: {  	[sflag:s0] =	ssyncadd.s32 $0xFFFFF830  }
0x7f: {  	_ =	swait.ge [sflag:s29], $0x7D0  }
0x80: {  	[sflag:s29] =	ssyncset.done $0x0  }
0x81: {  	[sflag:s29] =	ssyncadd.s32 $0xFFFFF830  }
0x82: {  	_ =	swait.ge [sflag:s0], $0x7D0  }
0x83: {  	[sflag:s0] =	ssyncset.done $0x0  }
0x84: {  	[sflag:s0] =	ssyncadd.s32 $0xFFFFF830  }
0x85: {  	_ =	swait.ge [sflag:s29], $0x7D0  }
0x86: {  	[sflag:s29] =	ssyncset.done $0x0  }
0x87: {  	[sflag:s29] =	ssyncadd.s32 $0xFFFFF830  }
0x88: {  	_ =	swait.ge [sflag:s0], $0x7D0  }
0x89: {  	[sflag:s0] =	ssyncset.done $0x0  }
0x8a: {  	[sflag:s0] =	ssyncadd.s32 $0xFFFFF830  }
0x8b: {  	_ =	swait.ge [sflag:s29], $0x7D0  }
0x8c: {  	[sflag:s29] =	ssyncset.done $0x0  }
0x8d: {  	[sflag:s29] =	ssyncadd.s32 $0xFFFFF830  }
0x8e: {  	_ =	swait.ge [sflag:s0], $0x7D0  }
0x8f: {  	[sflag:s0] =	ssyncset.done $0x0  }
0x90: {  	[sflag:s0] =	ssyncadd.s32 $0xFFFFF830  }
0x91: {  	_ =	swait.ge [sflag:s29], $0x7D0  }
0x92: {  	[sflag:s29] =	ssyncset.done $0x0  }
0x93: {  	[sflag:s29] =	ssyncadd.s32 $0xFFFFF830  }
0x94: {  	_ =	swait.ge [sflag:s0], $0x7D0  }
0x95: {  	[sflag:s0] =	ssyncset.done $0x0  }
0x96: {  	[sflag:s0] =	ssyncadd.s32 $0xFFFFF830  }
0x97: {  	_ =	swait.ge [sflag:s29], $0x7D0  }
0x98: {  	[sflag:s29] =	ssyncset.done $0x0  }
0x99: {  	[sflag:s29] =	ssyncadd.s32 $0xFFFFF830  }
0x9a: {  	_ =	swait.ge [sflag:s0], $0x7D0  }
0x9b: {  	[sflag:s0] =	ssyncset.done $0x0  }
0x9c: {  	[sflag:s0] =	ssyncadd.s32 $0xFFFFF830  }
0x9d: {  	_ =	swait.ge [sflag:s29], $0x7D0  }
0x9e: {  	[sflag:s29] =	ssyncset.done $0x0  }
0x9f: {  	[sflag:s29] =	ssyncadd.s32 $0xFFFFF830  }
0xa0: {  	_ =	swait.ge [sflag:s0], $0x7D0  }
0xa1: {  	[sflag:s0] =	ssyncset.done $0x0  }
0xa2: {  	[sflag:s0] =	ssyncadd.s32 $0xFFFFF830  }
0xa3: {  	_ =	swait.ge [sflag:s29], $0x3E8  }
0xa4: {  	[sflag:s29] =	ssyncset.done $0x0  }
0xa5: {  	[sflag:s29] =	ssyncadd.s32 $0xFFFFFC18  }
0xa6: {  	_ =	swait.ge [sflag:s29], $0x3E8  }
0xa7: {  	[sflag:s29] =	ssyncset.done $0x0  }
0xa8: {  	[sflag:s29] =	ssyncadd.s32 $0xFFFFFC18  }
0xa9: {  	_ =	swait.ge [sflag:s29], $0x3E8  }
0xaa: {  	[sflag:s29] =	ssyncset.done $0x0  }
0xab: {  	[sflag:s29] =	ssyncadd.s32 $0xFFFFFC18  }
0xac: {  	_ =	swait.ge [sflag:s29], $0x3E8  }
0xad: {  	[sflag:s29] =	ssyncset.done $0x0  }
0xae: {  	[sflag:s29] =	ssyncadd.s32 $0xFFFFFC18  }
0xaf: {  	_ =	swait.ge [sflag:s29], $0x3E8  }
0xb0: {  	[sflag:s29] =	ssyncset.done $0x0  }
0xb1: {  	[sflag:s29] =	ssyncadd.s32 $0xFFFFFC18  }
0xb2: {  	_ =	swait.ge [sflag:s29], $0x3E8  }
0xb3: {  	[sflag:s29] =	ssyncset.done $0x0  }
0xb4: {  	[sflag:s29] =	ssyncadd.s32 $0xFFFFFC18  }
0xb5: {  	_ =	swait.ge [sflag:s29], $0x3E8  }
0xb6: {  	[sflag:s29] =	ssyncset.done $0x0  }
0xb7: {  	[sflag:s29] =	ssyncadd.s32 $0xFFFFFC18  }
0xb8: {  	_ =	swait.ge [sflag:s29], $0x3E8  }
0xb9: {  	[sflag:s29] =	ssyncset.done $0x0  }
0xba: {  	[sflag:s29] =	ssyncadd.s32 $0xFFFFFC18  }
0xbb: {  	_ =	swait.ge [sflag:s29], $0x3E8  }
0xbc: {  	[sflag:s29] =	ssyncset.done $0x0  }
0xbd: {  	[sflag:s29] =	ssyncadd.s32 $0xFFFFFC18  }
0xbe: {  	_ =	swait.ge [sflag:s29], $0x3E8  }
0xbf: {  	[sflag:s29] =	ssyncset.done $0x0  }
0xc0: {  	[sflag:s29] =	ssyncadd.s32 $0xFFFFFC18  }
0xc1: {  	_ =	swait.ge [sflag:s29], $0x3E8  }
0xc2: {  	[sflag:s29] =	ssyncset.done $0x0  }
0xc3: {  	[sflag:s29] =	ssyncadd.s32 $0xFFFFFC18  }
0xc4: {  	_ =	swait.ge [sflag:s29], $0x3E8  }
0xc5: {  	[sflag:s29] =	ssyncset.done $0x0  }
0xc6: {  	[sflag:s29] =	ssyncadd.s32 $0xFFFFFC18  }
0xc7: {  	_ =	swait.ge [sflag:s29], $0x3E8  }
0xc8: {  	[sflag:s29] =	ssyncset.done $0x0  }
0xc9: {  	[sflag:s29] =	ssyncadd.s32 $0xFFFFFC18  }
0xca: {  	_ =	swait.ge [sflag:s29], $0x3E8  }
0xcb: {  	[sflag:s29] =	ssyncset.done $0x0  }
0xcc: {  	[sflag:s29] =	ssyncadd.s32 $0xFFFFFC18  }
0xcd: {  	_ =	swait.ge [sflag:s29], $0x3E8  }
0xce: {  	v1 =	vadd.s32 s3, v0;
	s25 =	simm.s32 $0x1;
	[sflag:s29] =	ssyncset.done $0x0  }
0xcf: {  	s4 =	simm.s32 $0x2;
	v7 =	vadd.s32 s25, v0;
	[sflag:s29] =	ssyncadd.s32 $0xFFFFFC18  }
0xd0: {  	v8 =	vadd.s32 s4, v0;
	s18 =	simm.s32 $0x3;
	_ =	swait.ge [sflag:s29], $0x3E8  }
0xd1: {  	v9 =	vadd.s32 s18, v0;
	s19 =	simm.s32 $0x4;
	[sflag:s29] =	ssyncset.done $0x0  }
0xd2: {  	s23 =	simm.s32 $0x5;
	v10 =	vadd.s32 s19, v0;
	[sflag:s29] =	ssyncadd.s32 $0xFFFFFC18  }
0xd3: {  	s25 =	simm.s32 $0x6;
	v20 =	vadd.s32 s23, v0;
	v11 =	vld.idx.msk [tilespmem:v1+s16+$0x0], $0xffff  }
0xd4: {  	s4 =	simm.s32 $0x7;
	v22 =	vadd.s32 s25, v0;
	v12 =	vld.idx.msk [tilespmem:v7+s16+$0x0], $0xffff  }
0xd5: {  	v25 =	vadd.s32 s4, v0;
	s18 =	simm.s32 $0x8;
	v13 =	vld.idx.msk [tilespmem:v8+s16+$0x0], $0xffff  }
0xd6: {  	v27 =	vadd.s32 s18, v0;
	s19 =	simm.s32 $0x9;
	v14 =	vld.idx.msk [tilespmem:v9+s16+$0x0], $0xffff  }
0xd7: {  	s23 =	simm.s32 $0xA;
	v34 =	vadd.s32 s19, v0;
	v15 =	vld.idx.msk [tilespmem:v10+s16+$0x0], $0xffff  }
0xd8: {  	s25 =	simm.s32 $0xB;
	v6 =	vadd.s32 s23, v0;
	v18 =	vld.idx.msk [tilespmem:v20+s16+$0x0], $0xffff  }
0xd9: {  	s4 =	simm.s32 $0xC;
	v5 =	vadd.s32 s25, v0;
	v19 =	vld.idx.msk [tilespmem:v22+s16+$0x0], $0xffff  }
0xda: {  	v4 =	vadd.s32 s4, v0;
	s18 =	simm.s32 $0xD;
	v21 =	vld.idx.msk [tilespmem:v25+s16+$0x0], $0xffff  }
0xdb: {  	v3 =	vadd.s32 s18, v0;
	s19 =	simm.s32 $0xE;
	v23 =	vld.idx.msk [tilespmem:v27+s16+$0x0], $0xffff  }
0xdc: {  	s23 =	simm.s32 $0xF;
	v2 =	vadd.s32 s19, v0;
	v24 =	vld.idx.msk [tilespmem:v34+s16+$0x0], $0xffff  }
0xdd: {  	v16 =	vadd.s32 s23, v0;
	v26 =	vld.idx.msk [tilespmem:v6+s16+$0x0], $0xffff  }
0xde: {  	v28 =	vld.idx.msk [tilespmem:v5+s16+$0x0], $0xffff  }
0xdf: {  	v29 =	vld.idx.msk [tilespmem:v4+s16+$0x0], $0xffff  }
0xe0: {  	v30 =	vld.idx.msk [tilespmem:v3+s16+$0x0], $0xffff  }
0xe1: {  	v31 =	vld.idx.msk [tilespmem:v2+s16+$0x0], $0xffff  }
0xe2: {  	s3 =	simm.s32 $0x4700;
	v17 =	vld.idx.msk [tilespmem:v16+s16+$0x0], $0xffff  }
0xe3: {  	v32 =	vld [tilespmem:s3+$0x70]  }
0xe4: {  	s19 =	simm.s32 $0x8580;
	v33 =	vld [tilespmem:s3+$0xFFFFFF80]  }
0xe5: {  	v35 =	vld [tilespmem:s19+$0x70]  }
0xe6: {  	v36 =	vld [tilespmem:s3+$0xFFFFFF90]  }
0xe7: {  	v37 =	vld [tilespmem:s3+$0xFFFFFFA0]  }
0xe8: {  	v38 =	vld [tilespmem:s3+$0xFFFFFFB0]  }
0xe9: {  	v39 =	vld [tilespmem:s3+$0xFFFFFFC0]  }
0xea: {  	v40 =	vld [tilespmem:s3+$0xFFFFFFD0]  }
0xeb: {  	v41 =	vld [tilespmem:s3+$0xFFFFFFE0]  }
0xec: {  	v42 =	vld [tilespmem:s3+$0xFFFFFFF0]  }
0xed: {  	v43 =	vld [tilespmem:s3+$0x0]  }
0xee: {  	v44 =	vld [tilespmem:s3+$0x10]  }
0xef: {  	v45 =	vld [tilespmem:s3+$0x20]  }
0xf0: {  	v46 =	vld [tilespmem:s3+$0x30]  }
0xf1: {  	v47 =	vld [tilespmem:s3+$0x40]  }
0xf2: {  	v48 =	vld [tilespmem:s3+$0x50]  }
0xf3: {  	v50 =	vld [tilespmem:s19+$0xFFFFFF90]  }
0xf4: {  	v51 =	vld [tilespmem:s19+$0xFFFFFFA0]  }
0xf5: {  	v49 =	vld [tilespmem:s3+$0x60];
	v17 =	vadd.f32 v32, v17  }
0xf6: {  	v59 =	vld [tilespmem:s19+$0xFFFFFF80];
	v12 =	vadd.f32 v36, v12  }
0xf7: {  	v60 =	vld [tilespmem:s19+$0xFFFFFFB0];
	v13 =	vadd.f32 v37, v13;
	v17 =	vadd.f32 v35, v17  }
0xf8: {  	s4 =	simm.s32 $0xC400;
	v54 =	vld [tilespmem:s19+$0x10];
	v12 =	vadd.f32 v50, v12  }
0xf9: {  	v61 =	vld [tilespmem:s19+$0xFFFFFFC0];
	v13 =	vadd.f32 v51, v13;
	[tilespmem:s4+$0x70] =	vst v17  }
0xfa: {  	v62 =	vld [tilespmem:s19+$0xFFFFFFD0];
	v11 =	vadd.f32 v33, v11;
	[tilespmem:s4+$0xFFFFFF90] =	vst v12  }
0xfb: {  	v63 =	vld [tilespmem:s19+$0xFFFFFFE0];
	v24 =	vadd.f32 v44, v24;
	[tilespmem:s4+$0xFFFFFFA0] =	vst v13  }
0xfc: {  	v52 =	vld [tilespmem:s19+$0xFFFFFFF0];
	[tilespmem:v16+s9+$0x0] =	vst.idx.msk $0xffff, v17;
	v17 =	vadd.f32 v59, v11;
	v11 =	vadd.f32 v38, v14  }
0xfd: {  	s25 =	simm.s32 $0x10;
	v53 =	vld [tilespmem:s19+$0x0];
	v44 =	vadd.f32 v54, v24;
	[tilespmem:v7+s9+$0x0] =	vst.idx.msk $0xffff, v12;
	v12 =	vadd.f32 v39, v15  }
0xfe: {  	s23 =	simm.s32 $0x11;
	v55 =	vld [tilespmem:s19+$0x20];
	v7 =	vadd.s32 s25, v0;
	[tilespmem:v8+s9+$0x0] =	vst.idx.msk $0xffff, v13;
	v8 =	vadd.f32 v40, v18;
	v11 =	vadd.f32 v60, v11  }
0xff: {  	v56 =	vld [tilespmem:s19+$0x30];
	[tilespmem:s4+$0x10] =	vst v44;
	v16 =	vadd.s32 s23, v0;
	s25 =	simm.s32 $0x12;
	v12 =	vadd.f32 v61, v12  }
0x100: {  	v57 =	vld [tilespmem:s19+$0x40];
	s23 =	simm.s32 $0x13;
	v15 =	vadd.s32 s25, v0;
	v8 =	vadd.f32 v62, v8;
	[tilespmem:s4+$0xFFFFFFB0] =	vst v11  }
0x101: {  	v58 =	vld [tilespmem:s19+$0x50];
	v19 =	vadd.f32 v41, v19;
	v13 =	vadd.s32 s23, v0;
	s23 =	simm.s32 $0x15;
	[tilespmem:s4+$0xFFFFFFC0] =	vst v12  }
0x102: {  	v59 =	vld [tilespmem:s19+$0x60];
	s25 =	simm.s32 $0x14;
	v14 =	vadd.s32 s23, v0;
	[tilespmem:s4+$0xFFFFFFD0] =	vst v8  }
0x103: {  	v60 =	vadd.f32 v63, v19;
	s23 =	simm.s32 $0x17;
	[tilespmem:v9+s9+$0x0] =	vst.idx.msk $0xffff, v11;
	v11 =	vadd.s32 s25, v0;
	v18 =	vld.idx.msk [tilespmem:v7+s16+$0x0], $0xffff  }
0x104: {  	v9 =	vadd.f32 v42, v21;
	[tilespmem:v10+s9+$0x0] =	vst.idx.msk $0xffff, v12;
	s25 =	simm.s32 $0x16;
	v19 =	vld.idx.msk [tilespmem:v16+s16+$0x0], $0xffff;
	v10 =	vadd.s32 s23, v0  }
0x105: {  	v23 =	vadd.f32 v43, v23;
	[tilespmem:v20+s9+$0x0] =	vst.idx.msk $0xffff, v8;
	v12 =	vadd.s32 s25, v0;
	v20 =	vld.idx.msk [tilespmem:v15+s16+$0x0], $0xffff;
	s25 =	simm.s32 $0x18  }
0x106: {  	v26 =	vadd.f32 v45, v26;
	[tilespmem:s4+$0xFFFFFFE0] =	vst v60;
	s23 =	simm.s32 $0x19;
	v21 =	vld.idx.msk [tilespmem:v13+s16+$0x0], $0xffff;
	v32 =	vadd.f32 v52, v9;
	v8 =	vadd.s32 s25, v0  }
0x107: {  	v62 =	vadd.f32 v53, v23;
	[tilespmem:v22+s9+$0x0] =	vst.idx.msk $0xffff, v60;
	v9 =	vadd.s32 s23, v0;
	s25 =	simm.s32 $0x1A;
	v23 =	vld.idx.msk [tilespmem:v14+s16+$0x0], $0xffff  }
0x108: {  	v30 =	vadd.f32 v48, v30;
	v61 =	vadd.f32 v47, v29;
	s23 =	simm.s32 $0x1B;
	v29 =	vadd.s32 s25, v0;
	[tilespmem:s4+$0xFFFFFFF0] =	vst v32;
	v22 =	vld.idx.msk [tilespmem:v11+s16+$0x0], $0xffff  }
0x109: {  	v28 =	vadd.f32 v46, v28;
	s25 =	simm.s32 $0x1C;
	[tilespmem:v25+s9+$0x0] =	vst.idx.msk $0xffff, v32;
	v25 =	vld.idx.msk [tilespmem:v10+s16+$0x0], $0xffff;
	v32 =	vadd.s32 s23, v0  }
0x10a: {  	v37 =	vadd.f32 v58, v30;
	[tilespmem:v34+s9+$0x0] =	vst.idx.msk $0xffff, v44;
	v33 =	vadd.s32 s25, v0;
	s23 =	simm.s32 $0x1D;
	v24 =	vld.idx.msk [tilespmem:v12+s16+$0x0], $0xffff  }
0x10b: {  	v40 =	vadd.f32 v55, v26;
	v63 =	vadd.f32 v49, v31;
	[tilespmem:s4+$0x0] =	vst v62;
	v30 =	vadd.s32 s23, v0;
	s23 =	simm.s32 $0x1E;
	v26 =	vld.idx.msk [tilespmem:v8+s16+$0x0], $0xffff  }
0x10c: {  	v38 =	vadd.f32 v56, v28;
	[tilespmem:v27+s9+$0x0] =	vst.idx.msk $0xffff, v62;
	s25 =	simm.s32 $0x1F;
	v27 =	vld.idx.msk [tilespmem:v9+s16+$0x0], $0xffff;
	v31 =	vadd.s32 s23, v0  }
0x10d: {  	s18 =	simm.s32 $0x20;
	[tilespmem:s4+$0xFFFFFF80] =	vst v17;
	v36 =	vadd.f32 v57, v61;
	v39 =	vadd.f32 v59, v63;
	v35 =	vadd.s32 s25, v0;
	v28 =	vld.idx.msk [tilespmem:v29+s16+$0x0], $0xffff  }
.LBB2_3:
0x10e: {  	p1 =	slt.u32 s18, $0x3D0;
	v34 =	vld.idx.msk [tilespmem:v32+s16+$0x0], $0xffff;
	[tilespmem:s4+$0x20] =	vst v40  }
0x10f: {  	v41 =	vld.idx.msk [tilespmem:v33+s16+$0x0], $0xffff;
	[tilespmem:v6+s9+$0x0] =	vst.idx.msk $0xffff, v40;
	v6 =	vmov v29  }
0x110: {  	v29 =	vld.idx.msk [tilespmem:v30+s16+$0x0], $0xffff;
	[tilespmem:s4+$0x30] =	vst v38  }
0x111: {  	v40 =	vld.idx.msk [tilespmem:v31+s16+$0x0], $0xffff;
	[tilespmem:v5+s9+$0x0] =	vst.idx.msk $0xffff, v38;
	v5 =	vmov v32  }
0x112: {  	s3 =	sadd.s32 $0x100, s3;
	v32 =	vld.idx.msk [tilespmem:v35+s16+$0x0], $0xffff;
	[tilespmem:s4+$0x40] =	vst v36  }
0x113: {  	v38 =	vld [tilespmem:s3+$0x70];
	[tilespmem:v4+s9+$0x0] =	vst.idx.msk $0xffff, v36;
	v4 =	vmov v33  }
0x114: {  	s19 =	sadd.s32 $0x100, s19;
	v33 =	vld [tilespmem:s3+$0xFFFFFF80];
	[tilespmem:s4+$0x50] =	vst v37  }
0x115: {  	v36 =	vld [tilespmem:s19+$0x70];
	[tilespmem:v3+s9+$0x0] =	vst.idx.msk $0xffff, v37;
	v3 =	vmov v30  }
0x116: {  	v30 =	vld [tilespmem:s3+$0xFFFFFF90];
	[tilespmem:s4+$0x60] =	vst v39  }
0x117: {  	v37 =	vld [tilespmem:s3+$0xFFFFFFA0];
	[tilespmem:v2+s9+$0x0] =	vst.idx.msk $0xffff, v39;
	v2 =	vmov v31  }
0x118: {  	v31 =	vld [tilespmem:s3+$0xFFFFFFB0];
	v32 =	vadd.f32 v38, v32;
	[tilespmem:v1+s9+$0x0] =	vst.idx.msk $0xffff, v17;
	v1 =	vmov v7  }
0x119: {  	v7 =	vadd.f32 v33, v18;
	v17 =	vld [tilespmem:s3+$0xFFFFFFC0]  }
0x11a: {  	v18 =	vld [tilespmem:s3+$0xFFFFFFD0];
	v32 =	vadd.f32 v36, v32  }
0x11b: {  	s4 =	sadd.s32 $0x100, s4;
	v19 =	vadd.f32 v30, v19;
	v30 =	vld [tilespmem:s3+$0xFFFFFFE0]  }
0x11c: {  	v20 =	vadd.f32 v37, v20;
	v33 =	vld [tilespmem:s3+$0xFFFFFFF0];
	[tilespmem:s4+$0x70] =	vst v32  }
0x11d: {  	v21 =	vadd.f32 v31, v21;
	v31 =	vld [tilespmem:s3+$0x0];
	[tilespmem:v35+s9+$0x0] =	vst.idx.msk $0xffff, v32  }
0x11e: {  	v22 =	vadd.f32 v17, v22;
	v17 =	vld [tilespmem:s3+$0x10]  }
0x11f: {  	v18 =	vadd.f32 v18, v23;
	v23 =	vld [tilespmem:s3+$0x20]  }
0x120: {  	v24 =	vadd.f32 v30, v24;
	v30 =	vld [tilespmem:s3+$0x30]  }
0x121: {  	v25 =	vadd.f32 v33, v25;
	v32 =	vld [tilespmem:s3+$0x40]  }
0x122: {  	v26 =	vadd.f32 v31, v26;
	v31 =	vld [tilespmem:s3+$0x50]  }
0x123: {  	v27 =	vadd.f32 v17, v27;
	v17 =	vld [tilespmem:s3+$0x60]  }
0x124: {  	v33 =	vld [tilespmem:s19+$0xFFFFFF80];
	v23 =	vadd.f32 v23, v28  }
0x125: {  	v28 =	vld [tilespmem:s19+$0xFFFFFF90];
	v30 =	vadd.f32 v30, v34  }
0x126: {  	v34 =	vld [tilespmem:s19+$0xFFFFFFA0];
	v32 =	vadd.f32 v32, v41  }
0x127: {  	v35 =	vld [tilespmem:s19+$0xFFFFFFB0];
	v29 =	vadd.f32 v31, v29  }
0x128: {  	v31 =	vld [tilespmem:s19+$0xFFFFFFC0];
	v39 =	vadd.f32 v17, v40  }
0x129: {  	v17 =	vadd.f32 v33, v7;
	v33 =	vld [tilespmem:s19+$0xFFFFFFD0]  }
0x12a: {  	v7 =	vadd.f32 v28, v19;
	v19 =	vld [tilespmem:s19+$0xFFFFFFE0]  }
0x12b: {  	[tilespmem:s4+$0xFFFFFF80] =	vst v17;
	v20 =	vadd.f32 v34, v20;
	v28 =	vld [tilespmem:s19+$0xFFFFFFF0]  }
0x12c: {  	[tilespmem:s4+$0xFFFFFF90] =	vst v7;
	v21 =	vadd.f32 v35, v21;
	v34 =	vld [tilespmem:s19+$0x0]  }
0x12d: {  	[tilespmem:v16+s9+$0x0] =	vst.idx.msk $0xffff, v7;
	v22 =	vadd.f32 v31, v22;
	v31 =	vld [tilespmem:s19+$0x10]  }
0x12e: {  	s23 =	sadd.s32 $0x1, s18;
	v7 =	vadd.s32 s18, v0;
	[tilespmem:s4+$0xFFFFFFA0] =	vst v20;
	v33 =	vadd.f32 v33, v18;
	v35 =	vld [tilespmem:s19+$0x20]  }
0x12f: {  	v16 =	vadd.s32 s23, v0;
	s23 =	sadd.s32 $0x2, s18;
	[tilespmem:v15+s9+$0x0] =	vst.idx.msk $0xffff, v20;
	v24 =	vadd.f32 v19, v24;
	v20 =	vld [tilespmem:s19+$0x30]  }
0x130: {  	v15 =	vadd.s32 s23, v0;
	s23 =	sadd.s32 $0x3, s18;
	[tilespmem:s4+$0xFFFFFFB0] =	vst v21;
	v25 =	vadd.f32 v28, v25;
	v28 =	vld [tilespmem:s19+$0x40]  }
0x131: {  	s25 =	sadd.s32 $0x4, s18;
	[tilespmem:v13+s9+$0x0] =	vst.idx.msk $0xffff, v21;
	v13 =	vadd.s32 s23, v0;
	v34 =	vadd.f32 v34, v26;
	v26 =	vld [tilespmem:s19+$0x50]  }
0x132: {  	v41 =	vadd.s32 s25, v0;
	s23 =	sadd.s32 $0x5, s18;
	[tilespmem:s4+$0xFFFFFFC0] =	vst v22;
	v42 =	vadd.f32 v31, v27;
	v27 =	vld [tilespmem:s19+$0x60]  }
0x133: {  	v31 =	vadd.s32 s23, v0;
	s23 =	sadd.s32 $0x6, s18;
	v18 =	vld.idx.msk [tilespmem:v7+s16+$0x0], $0xffff;
	[tilespmem:v11+s9+$0x0] =	vst.idx.msk $0xffff, v22;
	v40 =	vadd.f32 v35, v23;
	v11 =	vmov v41  }
0x134: {  	v35 =	vadd.s32 s23, v0;
	s23 =	sadd.s32 $0x7, s18;
	v19 =	vld.idx.msk [tilespmem:v16+s16+$0x0], $0xffff;
	[tilespmem:s4+$0xFFFFFFD0] =	vst v33;
	v38 =	vadd.f32 v20, v30  }
0x135: {  	v30 =	vadd.s32 s23, v0;
	s23 =	sadd.s32 $0x8, s18;
	v20 =	vld.idx.msk [tilespmem:v15+s16+$0x0], $0xffff;
	[tilespmem:v14+s9+$0x0] =	vst.idx.msk $0xffff, v33;
	v36 =	vadd.f32 v28, v32;
	v14 =	vmov v31  }
0x136: {  	v28 =	vadd.s32 s23, v0;
	s23 =	sadd.s32 $0x9, s18;
	v21 =	vld.idx.msk [tilespmem:v13+s16+$0x0], $0xffff;
	[tilespmem:s4+$0xFFFFFFE0] =	vst v24;
	v37 =	vadd.f32 v26, v29  }
0x137: {  	v22 =	vld.idx.msk [tilespmem:v41+s16+$0x0], $0xffff;
	v41 =	vadd.s32 s23, v0;
	s23 =	sadd.s32 $0xA, s18;
	[tilespmem:v12+s9+$0x0] =	vst.idx.msk $0xffff, v24;
	v39 =	vadd.f32 v27, v39;
	v12 =	vmov v35  }
0x138: {  	v23 =	vld.idx.msk [tilespmem:v31+s16+$0x0], $0xffff;
	v29 =	vadd.s32 s23, v0;
	s23 =	sadd.s32 $0xB, s18;
	[tilespmem:s4+$0xFFFFFFF0] =	vst v25  }
.Ltmp0:
0x139: {  	v24 =	vld.idx.msk [tilespmem:v35+s16+$0x0], $0xffff;
	v32 =	vadd.s32 s23, v0;
	s23 =	sadd.s32 $0xC, s18;
	[tilespmem:v10+s9+$0x0] =	vst.idx.msk $0xffff, v25;
	v10 =	vmov v30;
	(pc) =	sbr.rel @p1 .LBB2_3-.Ltmp0, $4  }
0x13a: {  	v25 =	vld.idx.msk [tilespmem:v30+s16+$0x0], $0xffff;
	v33 =	vadd.s32 s23, v0;
	s23 =	sadd.s32 $0xD, s18;
	[tilespmem:s4+$0x0] =	vst v34  }
0x13b: {  	v26 =	vld.idx.msk [tilespmem:v28+s16+$0x0], $0xffff;
	v30 =	vadd.s32 s23, v0;
	s23 =	sadd.s32 $0xE, s18;
	[tilespmem:v8+s9+$0x0] =	vst.idx.msk $0xffff, v34;
	v8 =	vmov v28  }
0x13c: {  	v27 =	vld.idx.msk [tilespmem:v41+s16+$0x0], $0xffff;
	v31 =	vadd.s32 s23, v0;
	s23 =	sadd.s32 $0xF, s18;
	[tilespmem:s4+$0x10] =	vst v42  }
0x13d: {  	s18 =	sadd.s32 $0x10, s18;
	v28 =	vld.idx.msk [tilespmem:v29+s16+$0x0], $0xffff;
	v35 =	vadd.s32 s23, v0;
	[tilespmem:v9+s9+$0x0] =	vst.idx.msk $0xffff, v42;
	v9 =	vmov v41  }
0x13e: {  	_ =	sdelay $0x3  }
0x13f: {  	v34 =	vld.idx.msk [tilespmem:v32+s16+$0x0], $0xffff  }
0x140: {  	v44 =	vld.idx.msk [tilespmem:v35+s16+$0x0], $0xffff;
	s18 =	sadd.s32 $0x100, s3  }
0x141: {  	v52 =	vld [tilespmem:s18+$0x70]  }
0x142: {  	[tilespmem:s4+$0x20] =	vst v40;
	s23 =	sadd.s32 $0x100, s19;
	v53 =	vld [tilespmem:s18+$0xFFFFFF80]  }
0x143: {  	[tilespmem:s4+$0x30] =	vst v38;
	v54 =	vld [tilespmem:s23+$0x70]  }
0x144: {  	[tilespmem:s4+$0x40] =	vst v36;
	v56 =	vld [tilespmem:s18+$0xFFFFFFA0]  }
0x145: {  	[tilespmem:s4+$0x50] =	vst v37;
	v57 =	vld [tilespmem:s23+$0xFFFFFF80]  }
0x146: {  	[tilespmem:s4+$0x60] =	vst v39;
	v59 =	vld [tilespmem:s18+$0xFFFFFFB0]  }
0x147: {  	[tilespmem:v1+s9+$0x0] =	vst.idx.msk $0xffff, v17;
	v60 =	vld [tilespmem:s23+$0xFFFFFFA0]  }
0x148: {  	[tilespmem:v6+s9+$0x0] =	vst.idx.msk $0xffff, v40;
	v63 =	vld [tilespmem:s18+$0xFFFFFFD0]  }
0x149: {  	[tilespmem:v3+s9+$0x0] =	vst.idx.msk $0xffff, v37;
	v62 =	vld [tilespmem:s23+$0xFFFFFFB0];
	v3 =	vadd.f32 v52, v44  }
0x14a: {  	[tilespmem:v2+s9+$0x0] =	vst.idx.msk $0xffff, v39;
	v39 =	vld [tilespmem:s23+$0xFFFFFFD0];
	v2 =	vadd.f32 v53, v18  }
0x14b: {  	v41 =	vld.idx.msk [tilespmem:v33+s16+$0x0], $0xffff;
	[tilespmem:v4+s9+$0x0] =	vst.idx.msk $0xffff, v36;
	v4 =	vadd.f32 v56, v20;
	v3 =	vadd.f32 v54, v3  }
0x14c: {  	s25 =	sadd.s32 $0x100, s4;
	[tilespmem:v5+s9+$0x0] =	vst.idx.msk $0xffff, v38;
	v55 =	vld [tilespmem:s18+$0xFFFFFF90];
	v38 =	vadd.f32 v59, v21;
	v2 =	vadd.f32 v57, v2  }
0x14d: {  	v42 =	vld.idx.msk [tilespmem:v30+s16+$0x0], $0xffff;
	v46 =	vadd.f32 v63, v23;
	v4 =	vadd.f32 v60, v4;
	[tilespmem:s25+$0x70] =	vst v3  }
0x14e: {  	v58 =	vld [tilespmem:s23+$0xFFFFFF90];
	v40 =	vadd.f32 v62, v38;
	[tilespmem:s25+$0xFFFFFF80] =	vst v2  }
0x14f: {  	v1 =	vld [tilespmem:s18+$0xFFFFFFC0];
	v5 =	vadd.f32 v39, v46;
	[tilespmem:s25+$0xFFFFFFA0] =	vst v4  }
0x150: {  	v36 =	vld [tilespmem:s18+$0xFFFFFFE0];
	[tilespmem:s25+$0xFFFFFFB0] =	vst v40  }
0x151: {  	v48 =	vld [tilespmem:s18+$0x10];
	v61 =	vadd.f32 v55, v19;
	[tilespmem:s25+$0xFFFFFFD0] =	vst v5  }
0x152: {  	v44 =	vld [tilespmem:s23+$0xFFFFFFE0];
	[tilespmem:v35+s9+$0x0] =	vst.idx.msk $0xffff, v3  }
0x153: {  	v3 =	vadd.f32 v58, v61;
	v35 =	vld [tilespmem:s23+$0xFFFFFFC0];
	[tilespmem:v15+s9+$0x0] =	vst.idx.msk $0xffff, v4  }
0x154: {  	v45 =	vld [tilespmem:s18+$0x0];
	[tilespmem:v13+s9+$0x0] =	vst.idx.msk $0xffff, v40  }
0x155: {  	v49 =	vadd.f32 v36, v24;
	v52 =	vld [tilespmem:s23+$0x10];
	[tilespmem:s25+$0xFFFFFF90] =	vst v3  }
0x156: {  	v1 =	vadd.f32 v1, v22;
	[tilespmem:v16+s9+$0x0] =	vst.idx.msk $0xffff, v3;
	v3 =	vld [tilespmem:s18+$0xFFFFFFF0]  }
0x157: {  	v47 =	vld [tilespmem:s23+$0xFFFFFFF0];
	v51 =	vadd.f32 v44, v49;
	[tilespmem:v14+s9+$0x0] =	vst.idx.msk $0xffff, v5  }
0x158: {  	v50 =	vld [tilespmem:s23+$0x0];
	v56 =	vadd.f32 v48, v27;
	[tilespmem:v7+s9+$0x0] =	vst.idx.msk $0xffff, v2;
	v1 =	vadd.f32 v35, v1  }
0x159: {  	v53 =	vld [tilespmem:s18+$0x30];
	[tilespmem:s25+$0xFFFFFFE0] =	vst v51  }
0x15a: {  	v57 =	vld [tilespmem:s23+$0x30];
	v58 =	vadd.f32 v52, v56;
	[tilespmem:s25+$0xFFFFFFC0] =	vst v1  }
0x15b: {  	[tilespmem:v11+s9+$0x0] =	vst.idx.msk $0xffff, v1;
	v1 =	vld [tilespmem:s18+$0x20];
	v3 =	vadd.f32 v3, v25  }
0x15c: {  	v43 =	vld.idx.msk [tilespmem:v31+s16+$0x0], $0xffff;
	[tilespmem:s25+$0x10] =	vst v58  }
0x15d: {  	v54 =	vld [tilespmem:s23+$0x20];
	v4 =	vadd.f32 v45, v26;
	[tilespmem:v12+s9+$0x0] =	vst.idx.msk $0xffff, v51;
	v3 =	vadd.f32 v47, v3  }
0x15e: {  	v55 =	vld [tilespmem:s18+$0x40];
	v5 =	vadd.f32 v53, v34;
	[tilespmem:v9+s9+$0x0] =	vst.idx.msk $0xffff, v58  }
0x15f: {  	v59 =	vld [tilespmem:s23+$0x40];
	v4 =	vadd.f32 v50, v4;
	[tilespmem:s25+$0xFFFFFFF0] =	vst v3  }
0x160: {  	v5 =	vadd.f32 v57, v5;
	[tilespmem:v10+s9+$0x0] =	vst.idx.msk $0xffff, v3;
	v3 =	vld [tilespmem:s18+$0x50];
	v1 =	vadd.f32 v1, v28  }
0x161: {  	v60 =	vld [tilespmem:s18+$0x60];
	[tilespmem:s25+$0x0] =	vst v4  }
0x162: {  	v61 =	vld [tilespmem:s23+$0x50];
	[tilespmem:s25+$0x30] =	vst v5;
	v1 =	vadd.f32 v54, v1  }
0x163: {  	v62 =	vadd.f32 v55, v41;
	[tilespmem:v8+s9+$0x0] =	vst.idx.msk $0xffff, v4  }
0x164: {  	v63 =	vld [tilespmem:s23+$0x60];
	[tilespmem:s25+$0x20] =	vst v1  }
0x165: {  	[tilespmem:v29+s9+$0x0] =	vst.idx.msk $0xffff, v1;
	v1 =	vadd.f32 v3, v42;
	v3 =	vadd.f32 v59, v62  }
0x166: {  	[tilespmem:v32+s9+$0x0] =	vst.idx.msk $0xffff, v5  }
0x167: {  	v4 =	vadd.f32 v60, v43;
	v1 =	vadd.f32 v61, v1;
	[tilespmem:s25+$0x40] =	vst v3  }
0x168: {  	[tilespmem:v33+s9+$0x0] =	vst.idx.msk $0xffff, v3  }
0x169: {  	v3 =	vadd.f32 v63, v4;
	[tilespmem:s25+$0x50] =	vst v1  }
0x16a: {  	[tilespmem:v30+s9+$0x0] =	vst.idx.msk $0xffff, v1  }
0x16b: {  	s3 =	simm.s32 $0x10180;
	[tilespmem:s25+$0x60] =	vst v3  }
0x16c: {  	s4 =	simm.s32 $0x3E0;
	s19 =	simm.s32 $0xC300;
	s18 =	simm.s32 $0x8480;
	[tilespmem:v31+s9+$0x0] =	vst.idx.msk $0xffff, v3  }
.LBB2_5:
0x16d: {  	v1 =	vadd.s32 s4, v0;
	_ =	sdelay $0x3  }
0x16e: {  	v3 =	vld [tilespmem:s18+$0x0]  }
0x16f: {  	v2 =	vld.idx.msk [tilespmem:v1+s16+$0x0], $0xffff;
	_ =	sdelay $0x1  }
0x170: {  	v4 =	vld [tilespmem:s19+$0x0];
	_ =	sdelay $0x2  }
0x171: {  	p1 =	sne.s32 s4, $0x3E7;
	v2 =	vadd.f32 v3, v2  }
.Ltmp1:
0x172: {  	_ = 	snop;
	(pc) =	sbr.rel @p1 .LBB2_5-.Ltmp1, $3  }
0x173: {  	v2 =	vadd.f32 v4, v2;
	_ =	sdelay $0x1  }
0x174: {  	s18 =	sadd.s32 $0x10, s18;
	[tilespmem:s3+$0x0] =	vst v2  }
0x175: {  	s19 =	sadd.s32 $0x10, s19;
	s4 =	sadd.s32 $0x1, s4;
	s3 =	sadd.s32 $0x10, s3;
	[tilespmem:v1+s9+$0x0] =	vst.idx.msk $0xffff, v2  }
0x176: {  	s3 =	sadd.s32 s10, s22;
	s19 =	rddreg [dreg:$0x10]  }
0x177: {  	[hbm4b:s3+s5] =	stream.linear.scatter [tilespmem:s9], [sflag:$0x1], $0x3E8, $0x38;
	[tilespmem:$0x19670] =	vst v63  }
0x178: {  	s4 =	simm.s32 $0x105E8;
	s22 =	rddreg [dreg:$0x11];
	s3 =	sadd.s32 s10, s19  }
0x179: {  	[hbm4b:s3+s5] =	stream.linear.scatter [tilespmem:s4], [sflag:$0x1], $0x3E8, $0x38;
	[tilespmem:$0x19670] =	vst v63  }
0x17a: {  	s23 =	simm.s32 $0x109D0;
	s3 =	sadd.s32 s10, s22  }
0x17b: {  	[hbm4b:s3+s5] =	stream.linear.scatter [tilespmem:s23], [sflag:$0x1], $0x3E8, $0x38;
	[tilespmem:$0x19670] =	vst v63  }
0x17c: {  	s25 =	sadd.s32 s10, s28;
	s28 =	simm.s32 $0x10DB8  }
0x17d: {  	[hbm4b:s25+s5] =	stream.linear.scatter [tilespmem:s28], [sflag:$0x1], $0x3E8, $0x38;
	[tilespmem:$0x19670] =	vst v63  }
0x17e: {  	s4 =	sadd.s32 s10, s13;
	s13 =	simm.s32 $0x111A0  }
0x17f: {  	[hbm4b:s4+s5] =	stream.linear.scatter [tilespmem:s13], [sflag:$0x1], $0x3E8, $0x38;
	[tilespmem:$0x19670] =	vst v63  }
0x180: {  	s18 =	sadd.s32 s10, s8;
	s19 =	simm.s32 $0x11588  }
0x181: {  	[hbm4b:s18+s5] =	stream.linear.scatter [tilespmem:s19], [sflag:$0x1], $0x3E8, $0x38;
	[tilespmem:$0x19670] =	vst v63  }
0x182: {  	s22 =	sadd.s32 s10, s11;
	s23 =	simm.s32 $0x11970  }
0x183: {  	[hbm4b:s22+s5] =	stream.linear.scatter [tilespmem:s23], [sflag:$0x1], $0x3E8, $0x38;
	[tilespmem:$0x19670] =	vst v63  }
0x184: {  	s25 =	sadd.s32 s10, s12;
	s28 =	simm.s32 $0x11D58  }
0x185: {  	[hbm4b:s25+s5] =	stream.linear.scatter [tilespmem:s28], [sflag:$0x1], $0x3E8, $0x38;
	[tilespmem:$0x19670] =	vst v63  }
0x186: {  	s8 =	sadd.s32 s10, s26;
	s11 =	simm.s32 $0x12140  }
0x187: {  	[hbm4b:s8+s5] =	stream.linear.scatter [tilespmem:s11], [sflag:$0x1], $0x3E8, $0x38;
	[tilespmem:$0x19670] =	vst v63  }
0x188: {  	s12 =	sadd.s32 s10, s31;
	s13 =	simm.s32 $0x12528  }
0x189: {  	[hbm4b:s12+s5] =	stream.linear.scatter [tilespmem:s13], [sflag:$0x1], $0x3E8, $0x38;
	[tilespmem:$0x19670] =	vst v63  }
0x18a: {  	s18 =	sadd.s32 s10, s14;
	s19 =	simm.s32 $0x12910  }
0x18b: {  	[hbm4b:s18+s5] =	stream.linear.scatter [tilespmem:s19], [sflag:$0x1], $0x3E8, $0x38;
	[tilespmem:$0x19670] =	vst v63  }
0x18c: {  	s22 =	sadd.s32 s10, s17;
	s23 =	simm.s32 $0x12CF8  }
0x18d: {  	[hbm4b:s22+s5] =	stream.linear.scatter [tilespmem:s23], [sflag:$0x1], $0x3E8, $0x38;
	[tilespmem:$0x19670] =	vst v63  }
0x18e: {  	s24 =	sadd.s32 s10, s24;
	s25 =	simm.s32 $0x130E0  }
0x18f: {  	[hbm4b:s24+s5] =	stream.linear.scatter [tilespmem:s25], [sflag:$0x1], $0x3E8, $0x38;
	[tilespmem:$0x19670] =	vst v63  }
0x190: {  	s26 =	sadd.s32 s10, s30;
	s28 =	simm.s32 $0x134C8  }
0x191: {  	[hbm4b:s26+s5] =	stream.linear.scatter [tilespmem:s28], [sflag:$0x1], $0x3E8, $0x38;
	[tilespmem:$0x19670] =	vst v63  }
0x192: {  	s30 =	sadd.s32 s10, s15;
	s31 =	simm.s32 $0x138B0  }
0x193: {  	[hbm4b:s30+s5] =	stream.linear.scatter [tilespmem:s31], [sflag:$0x1], $0x3E8, $0x38;
	[tilespmem:$0x19670] =	vst v63  }
0x194: {  	s8 =	sadd.s32 s10, s20;
	s11 =	simm.s32 $0x13C98  }
0x195: {  	[hbm4b:s8+s5] =	stream.linear.scatter [tilespmem:s11], [sflag:$0x1], $0x3E8, $0x38;
	[tilespmem:$0x19670] =	vst v63  }
0x196: {  	s12 =	rddreg [dreg:$0x3];
	s13 =	simm.s32 $0x400;
	s22 =	simm.s32 $0xC380  }
0x197: {  	[spmem:s12] =	stream.indirect.scatter.add.f32 [tilespmem:s22], [sflag:$0x2], $0x10, s13, s21, $0xb8;
	[tilespmem:$0x19670] =	vst v63  }
0x198: {  	s4 =	rddreg [dreg:$0x4];
	s8 =	simm.s32 $0x14080  }
0x199: {  	[spmem:s4] =	stream.indirect.scatter.add.f32 [tilespmem:s8], [sflag:$0x2], $0x10, s13, s21, $0xb8;
	[tilespmem:$0x19670] =	vst v63  }
0x19a: {  	s14 =	simm.s32 $0x480;
	s23 =	simm.s32 $0xCB50  }
0x19b: {  	[spmem:s12] =	stream.indirect.scatter.add.f32 [tilespmem:s23], [sflag:$0x2], $0x10, s14, s21, $0xb8;
	[tilespmem:$0x19670] =	vst v63  }
0x19c: {  	_ = 	snop  }
0x19d: {  	[spmem:s4] =	stream.indirect.scatter.add.f32 [tilespmem:s8], [sflag:$0x2], $0x10, s14, s21, $0xb8;
	[tilespmem:$0x19670] =	vst v63  }
0x19e: {  	s15 =	simm.s32 $0x500;
	s24 =	simm.s32 $0xD320  }
0x19f: {  	[spmem:s12] =	stream.indirect.scatter.add.f32 [tilespmem:s24], [sflag:$0x2], $0x10, s15, s21, $0xb8;
	[tilespmem:$0x19670] =	vst v63  }
0x1a0: {  	_ = 	snop  }
0x1a1: {  	[spmem:s4] =	stream.indirect.scatter.add.f32 [tilespmem:s8], [sflag:$0x2], $0x10, s15, s21, $0xb8;
	[tilespmem:$0x19670] =	vst v63  }
0x1a2: {  	s17 =	simm.s32 $0x580;
	s25 =	simm.s32 $0xDAF0  }
0x1a3: {  	[spmem:s12] =	stream.indirect.scatter.add.f32 [tilespmem:s25], [sflag:$0x2], $0x10, s17, s21, $0xb8;
	[tilespmem:$0x19670] =	vst v63  }
0x1a4: {  	_ = 	snop  }
0x1a5: {  	[spmem:s4] =	stream.indirect.scatter.add.f32 [tilespmem:s8], [sflag:$0x2], $0x10, s17, s21, $0xb8;
	[tilespmem:$0x19670] =	vst v63  }
0x1a6: {  	s18 =	simm.s32 $0x600;
	s26 =	simm.s32 $0xE2C0  }
0x1a7: {  	[spmem:s12] =	stream.indirect.scatter.add.f32 [tilespmem:s26], [sflag:$0x2], $0x10, s18, s21, $0xb8;
	[tilespmem:$0x19670] =	vst v63  }
0x1a8: {  	_ = 	snop  }
0x1a9: {  	[spmem:s4] =	stream.indirect.scatter.add.f32 [tilespmem:s8], [sflag:$0x2], $0x10, s18, s21, $0xb8;
	[tilespmem:$0x19670] =	vst v63  }
0x1aa: {  	s19 =	simm.s32 $0x680;
	s28 =	simm.s32 $0xEA90  }
0x1ab: {  	[spmem:s12] =	stream.indirect.scatter.add.f32 [tilespmem:s28], [sflag:$0x2], $0x10, s19, s21, $0xb8;
	[tilespmem:$0x19670] =	vst v63  }
0x1ac: {  	_ = 	snop  }
0x1ad: {  	[spmem:s4] =	stream.indirect.scatter.add.f32 [tilespmem:s8], [sflag:$0x2], $0x10, s19, s21, $0xb8;
	[tilespmem:$0x19670] =	vst v63  }
0x1ae: {  	s20 =	simm.s32 $0x700;
	s30 =	simm.s32 $0xF260  }
0x1af: {  	[spmem:s12] =	stream.indirect.scatter.add.f32 [tilespmem:s30], [sflag:$0x2], $0x10, s20, s21, $0xb8;
	[tilespmem:$0x19670] =	vst v63  }
0x1b0: {  	_ = 	snop  }
0x1b1: {  	[spmem:s4] =	stream.indirect.scatter.add.f32 [tilespmem:s8], [sflag:$0x2], $0x10, s20, s21, $0xb8;
	[tilespmem:$0x19670] =	vst v63  }
0x1b2: {  	s31 =	simm.s32 $0xFA30;
	s22 =	simm.s32 $0x780  }
0x1b3: {  	[spmem:s12] =	stream.indirect.scatter.add.f32 [tilespmem:s31], [sflag:$0x2], $0x10, s22, s21, $0xb8;
	[tilespmem:$0x19670] =	vst v63  }
0x1b4: {  	_ = 	snop  }
0x1b5: {  	[spmem:s4] =	stream.indirect.scatter.add.f32 [tilespmem:s8], [sflag:$0x2], $0x10, s22, s21, $0xb8;
	[tilespmem:$0x19670] =	vst v63  }
0x1b6: {  	_ =	swait.ge [sflag:s29], $0x3E8  }
0x1b7: {  	[sflag:s29] =	ssyncset.done $0x0  }
0x1b8: {  	[sflag:s29] =	ssyncadd.s32 $0xFFFFFC18  }
0x1b9: {  	_ =	swait.ge [sflag:s29], $0x3E8  }
0x1ba: {  	[sflag:s29] =	ssyncset.done $0x0  }
0x1bb: {  	[sflag:s29] =	ssyncadd.s32 $0xFFFFFC18  }
0x1bc: {  	_ =	swait.ge [sflag:s29], $0x3E8  }
0x1bd: {  	[sflag:s29] =	ssyncset.done $0x0  }
0x1be: {  	[sflag:s29] =	ssyncadd.s32 $0xFFFFFC18  }
0x1bf: {  	_ =	swait.ge [sflag:s29], $0x3E8  }
0x1c0: {  	[sflag:s29] =	ssyncset.done $0x0  }
0x1c1: {  	[sflag:s29] =	ssyncadd.s32 $0xFFFFFC18  }
0x1c2: {  	_ =	swait.ge [sflag:s29], $0x3E8  }
0x1c3: {  	[sflag:s29] =	ssyncset.done $0x0  }
0x1c4: {  	[sflag:s29] =	ssyncadd.s32 $0xFFFFFC18  }
0x1c5: {  	_ =	swait.ge [sflag:s29], $0x3E8  }
0x1c6: {  	[sflag:s29] =	ssyncset.done $0x0  }
0x1c7: {  	[sflag:s29] =	ssyncadd.s32 $0xFFFFFC18  }
0x1c8: {  	_ =	swait.ge [sflag:s29], $0x3E8  }
0x1c9: {  	[sflag:s29] =	ssyncset.done $0x0  }
0x1ca: {  	[sflag:s29] =	ssyncadd.s32 $0xFFFFFC18  }
0x1cb: {  	_ =	swait.ge [sflag:s29], $0x3E8  }
0x1cc: {  	[sflag:s29] =	ssyncset.done $0x0  }
0x1cd: {  	[sflag:s29] =	ssyncadd.s32 $0xFFFFFC18  }
0x1ce: {  	_ =	swait.ge [sflag:s29], $0x3E8  }
0x1cf: {  	[sflag:s29] =	ssyncset.done $0x0  }
0x1d0: {  	[sflag:s29] =	ssyncadd.s32 $0xFFFFFC18  }
0x1d1: {  	_ =	swait.ge [sflag:s29], $0x3E8  }
0x1d2: {  	[sflag:s29] =	ssyncset.done $0x0  }
0x1d3: {  	[sflag:s29] =	ssyncadd.s32 $0xFFFFFC18  }
0x1d4: {  	_ =	swait.ge [sflag:s29], $0x3E8  }
0x1d5: {  	[sflag:s29] =	ssyncset.done $0x0  }
0x1d6: {  	[sflag:s29] =	ssyncadd.s32 $0xFFFFFC18  }
0x1d7: {  	_ =	swait.ge [sflag:s29], $0x3E8  }
0x1d8: {  	[sflag:s29] =	ssyncset.done $0x0  }
0x1d9: {  	[sflag:s29] =	ssyncadd.s32 $0xFFFFFC18  }
0x1da: {  	_ =	swait.ge [sflag:s29], $0x3E8  }
0x1db: {  	[sflag:s29] =	ssyncset.done $0x0  }
0x1dc: {  	[sflag:s29] =	ssyncadd.s32 $0xFFFFFC18  }
0x1dd: {  	_ =	swait.ge [sflag:s29], $0x3E8  }
0x1de: {  	[sflag:s29] =	ssyncset.done $0x0  }
0x1df: {  	[sflag:s29] =	ssyncadd.s32 $0xFFFFFC18  }
0x1e0: {  	_ =	swait.ge [sflag:s29], $0x3E8  }
0x1e1: {  	[sflag:s29] =	ssyncset.done $0x0  }
0x1e2: {  	[sflag:s29] =	ssyncadd.s32 $0xFFFFFC18  }
0x1e3: {  	_ =	swait.ge [sflag:s29], $0x3E8  }
0x1e4: {  	[sflag:s29] =	ssyncset.done $0x0  }
0x1e5: {  	[sflag:s29] =	ssyncadd.s32 $0xFFFFFC18  }
0x1e6: {  	_ =	swait.ge [sflag:s0], $0x7D0  }
0x1e7: {  	[sflag:s0] =	ssyncset.done $0x0  }
0x1e8: {  	[sflag:s0] =	ssyncadd.s32 $0xFFFFF830  }
0x1e9: {  	_ =	swait.ge [sflag:s0], $0x7D0  }
0x1ea: {  	[sflag:s0] =	ssyncset.done $0x0  }
0x1eb: {  	[sflag:s0] =	ssyncadd.s32 $0xFFFFF830  }
0x1ec: {  	_ =	swait.ge [sflag:s0], $0x7D0  }
0x1ed: {  	[sflag:s0] =	ssyncset.done $0x0  }
0x1ee: {  	[sflag:s0] =	ssyncadd.s32 $0xFFFFF830  }
0x1ef: {  	_ =	swait.ge [sflag:s0], $0x7D0  }
0x1f0: {  	[sflag:s0] =	ssyncset.done $0x0  }
0x1f1: {  	[sflag:s0] =	ssyncadd.s32 $0xFFFFF830  }
0x1f2: {  	_ =	swait.ge [sflag:s0], $0x7D0  }
0x1f3: {  	[sflag:s0] =	ssyncset.done $0x0  }
0x1f4: {  	[sflag:s0] =	ssyncadd.s32 $0xFFFFF830  }
0x1f5: {  	_ =	swait.ge [sflag:s0], $0x7D0  }
0x1f6: {  	[sflag:s0] =	ssyncset.done $0x0  }
0x1f7: {  	[sflag:s0] =	ssyncadd.s32 $0xFFFFF830  }
0x1f8: {  	_ =	swait.ge [sflag:s0], $0x7D0  }
0x1f9: {  	[sflag:s0] =	ssyncset.done $0x0  }
0x1fa: {  	[sflag:s0] =	ssyncadd.s32 $0xFFFFF830  }
0x1fb: {  	_ =	swait.ge [sflag:s0], $0x7D0  }
0x1fc: {  	[sflag:s0] =	ssyncset.done $0x0  }
0x1fd: {  	[sflag:s0] =	ssyncadd.s32 $0xFFFFF830  }
0x1fe: {  	_ =	swait.ge [sflag:s0], $0x7D0  }
0x1ff: {  	[sflag:s0] =	ssyncset.done $0x0  }
0x200: {  	[sflag:s0] =	ssyncadd.s32 $0xFFFFF830  }
0x201: {  	_ =	swait.ge [sflag:s0], $0x7D0  }
0x202: {  	[sflag:s0] =	ssyncset.done $0x0  }
0x203: {  	[sflag:s0] =	ssyncadd.s32 $0xFFFFF830  }
0x204: {  	_ =	swait.ge [sflag:s0], $0x7D0  }
0x205: {  	[sflag:s0] =	ssyncset.done $0x0  }
0x206: {  	[sflag:s0] =	ssyncadd.s32 $0xFFFFF830  }
0x207: {  	_ =	swait.ge [sflag:s0], $0x7D0  }
0x208: {  	[sflag:s0] =	ssyncset.done $0x0  }
0x209: {  	[sflag:s0] =	ssyncadd.s32 $0xFFFFF830  }
0x20a: {  	_ =	swait.ge [sflag:s0], $0x7D0  }
0x20b: {  	[sflag:s0] =	ssyncset.done $0x0  }
0x20c: {  	[sflag:s0] =	ssyncadd.s32 $0xFFFFF830  }
0x20d: {  	_ =	swait.ge [sflag:s0], $0x7D0  }
0x20e: {  	[sflag:s0] =	ssyncset.done $0x0  }
0x20f: {  	s1 =	sadd.s32 $0x1, s1;
	[sflag:s0] =	ssyncadd.s32 $0xFFFFF830  }
0x210: {  	p1 =	sne.s32 s1, $0xA;
	_ =	swait.ge [sflag:s0], $0x7D0  }
.Ltmp2:
0x211: {  	[sflag:s0] =	ssyncset.done $0x0;
	(pc) =	sbr.rel @p1 .LBB2_2-.Ltmp2, $4  }
0x212: {  	[sflag:s0] =	ssyncadd.s32 $0xFFFFF830  }
0x213: {  	_ =	swait.ge [sflag:s0], $0x7D0  }
0x214: {  	[sflag:s0] =	ssyncset.done $0x0  }
0x215: {  	s12 =	simm.s32 $0x14080;
	[sflag:s0] =	ssyncadd.s32 $0xFFFFF830  }
0x216: {  	[bflag:$0x0] =	sbarrier.arrive $0xFFFF  }
0x217: {  	s3 =	rddreg [dreg:$0xa]  }
0x218: {  	s1 =	simm.s32 @!p0 $0x1C03;
	s8 =	rddreg [dreg:$0xd]  }
0x219: {  	[hbm:s3], [sflag:s1] =	dma.local @!p0 [spmem:s8], $0x4E20  }
0x21a: {  	s3 =	simm.s32 @!p0 $0x3  }
0x21b: {  	_ =	swait.ge @!p0 [sflag:s3], $0x4E20  }
0x21c: {  	[sflag:s3] =	ssyncset.done @!p0 $0x0;
	s4 =	rddreg [dreg:$0xb]  }
0x21d: {  	s11 =	rddreg [dreg:$0xe];
	[sflag:s3] =	ssyncadd.s32 @!p0 $0xFFFFB1E0  }
0x21e: {  	[hbm:s4], [sflag:s1] =	dma.local @!p0 [spmem:s11], $0x4E20  }
0x21f: {  	_ =	swait.ge @!p0 [sflag:s3], $0x4E20  }
0x220: {  	s30 =	rddreg [dreg:$0xf]  }
0x221: {  	s31 =	rddreg [dreg:$0xc];
	s4 =	sadd.s32 $0x1, s30  }
0x222: {  	p1 =	sne.s32 s4, s31  }
.Ltmp3:
0x223: {  	_ = 	snop;
	(pc) =	sbr.rel @p1 .LBB2_1-.Ltmp3, $3  }
0x224: {  	_ =	sdelay $0x1  }
0x225: {  	[sflag:s3] =	ssyncset.done @!p0 $0x0  }
0x226: {  	[sflag:s3] =	ssyncadd.s32 @!p0 $0xFFFFB1E0  }
0x227: {  	_ =	sfence.sel $0x180000  }
0x228: {  	[bflag:$0x0] =	sbarrier.arrive $0xFFFF  }
0x229: {  	_ =	strace $0x90000047  }
0x22a: {  	[bflag:$0x2] =	sbarrier.arrive $0xFFFF  }
0x22b: {  	s0 =	rddreg [dreg:$0x5]  }
0x22c: {  	s0 =	sadd.s32 @!p0 $0x100000, s0  }
0x22d: {  	[sflag:s0] =	ssyncadd.tile.s32 @!p0 $0x1;
	_ =	shalt  }
.Lfunc_end2:
_tile_overlayer_lowered:
.L_overlay_start_2:
0x22e: {  	(tag) =	ssettag $0x2  }
0x22f: {  	s0 =	rddreg [dreg:$0x0];
	s2 =	stileid.u32  }
0x230: {  	s1 =	rddreg [dreg:$0x1];
	p0 =	sne.s32 s2, $0x0  }
0x231: {  	s3 =	rddreg [dreg:$0x2];
	[bflag:$0x3] =	sbarrier.arrive $0xFFFF;
	s2 =	simm.s32 @!p0 $0x1C03  }
0x232: {  	[timem:s3], [sflag:s2] =	dma.local @!p0 [hbm:s0], s1  }
0x233: {  	s0 =	simm.s32 @!p0 $0x3  }
0x234: {  	_ =	swait.ge @!p0 [sflag:s0], s1  }
0x235: {  	s1 =	ssub.s32 @!p0 $0x0, s1;
	[sflag:s0] =	ssyncset.done @!p0 $0x0  }
0x236: {  	[sflag:s0] =	ssyncadd.s32 @!p0 s1  }
0x237: {  	[bflag:$0x3] =	sbarrier.arrive $0xFFFF  }
0x238: {  	_ =	shalt  }

</sc_bundles>
